<compile_context>
chip_gen: v7x
topology: tpu7x:2x2x1
jax: 0.10.2.dev20260603
libtpu: 0.0.44.dev20260713+nightly
codegen_flags: <defaults>
</compile_context>

<pallas_src>
import jax
import jax.numpy as jnp
from jax import lax
from jax.experimental import pallas as pl
from jax.experimental.pallas import tpu as pltpu
from jax.experimental.pallas import tpu_sc as plsc

_W_SIZE = 8
_STRIDE = 4
_PAD = 2
_EXTRA = 2

_B, _C, _H, _W = 2, 128, 192, 192
_GRID = (_H + 2 * _PAD - _W_SIZE) // _STRIDE + 1
_M = 3000

_H0 = _H + 2 * _PAD
_W0P = 200
_PIX0 = _W_SIZE * _W_SIZE
_H1 = _H + 2 * (_PAD + _EXTRA)
_K1 = _W_SIZE + 2 * _EXTRA
_PIX1 = _K1 * _K1

_NW = 32
_NB0 = _M * _PIX0 // 128
_NB1 = _M * _PIX1 // 128
_BPW0 = 48
_BPW1 = 108
_IST0 = 48
_IST1 = 112
_NRING = 6


def _gather_kernel(f0t, f1t, idx0, idx1, out0, out1, i0_v, i1_v,
                   *bufs_and_sems):
    bufs = bufs_and_sems[:_NRING]
    gsems = bufs_and_sems[_NRING:2 * _NRING]
    wsems = bufs_and_sems[2 * _NRING:]
    wid = lax.axis_index("c") * 16 + lax.axis_index("s")
    last = wid == _NW - 1

    pltpu.sync_copy(idx0.at[pl.ds(wid * _IST0, _IST0)], i0_v)
    pltpu.sync_copy(idx1.at[pl.ds(wid * _IST1, _IST1)], i1_v)

    def run_pass(table, i_v, out, base, nb):
        nq = nb // _NRING

        def body(gq, carry):
            for k in range(_NRING):
                g = _NRING * gq + k

                @pl.when(gq > 0)
                def _(k=k):
                    pltpu.make_async_copy(bufs[k], out.at[base],
                                          wsems[k]).wait()

                pltpu.async_copy(table.at[i_v.at[g]], bufs[k], gsems[k])
            for k in range(_NRING):
                g = _NRING * gq + k
                pltpu.make_async_copy(table.at[i_v.at[g]], bufs[k],
                                      gsems[k]).wait()
                pltpu.async_copy(bufs[k], out.at[base + g], wsems[k])
            return carry

        lax.fori_loop(0, nq, body, 0)
        for k in range(_NRING):
            pltpu.make_async_copy(bufs[k], out.at[base], wsems[k]).wait()

        def tail(t, carry):
            g = _NRING * nq + t

            @pl.when(g < nb)
            def _():
                pltpu.async_copy(table.at[i_v.at[g]], bufs[0],
                                 gsems[0]).wait()
                pltpu.sync_copy(bufs[0], out.at[base + g])

            return carry

        lax.fori_loop(0, _NRING - 1, tail, 0)

    nb0 = jnp.where(last, _NB0 - (_NW - 1) * _BPW0, _BPW0)
    run_pass(f0t, i0_v, out0, wid * _BPW0, nb0)
    nb1 = jnp.where(last, _NB1 - (_NW - 1) * _BPW1, _BPW1)
    run_pass(f1t, i1_v, out1, wid * _BPW1, nb1)


def _pack_worker_idx(flat, per_worker, ist):
    flat = jnp.pad(flat, (0, _NW * per_worker - flat.shape[0]))
    flat = flat.reshape(_NW, per_worker)
    flat = jnp.pad(flat, ((0, 0), (0, ist * 128 - per_worker)))
    return flat.reshape(_NW * ist, 128)


@jax.jit
def kernel(feature0, feature1, b_idxes, i_idxes, j_idxes):
    f0t = jnp.pad(jnp.transpose(feature0, (0, 2, 3, 1)),
                  ((0, 0), (_PAD, _PAD), (_PAD, _W0P - _W - _PAD), (0, 0)))
    f0t = f0t.reshape(_B * _H0 * _W0P, _C)
    f1t = jnp.pad(jnp.transpose(feature1, (0, 2, 3, 1)),
                  ((0, 0), (_PAD + _EXTRA, _PAD + _EXTRA),
                   (_PAD + _EXTRA, _PAD + _EXTRA), (0, 0)))
    f1t = f1t.reshape(_B * _H1 * _H1, _C)

    b = b_idxes.astype(jnp.int32)
    i = i_idxes.astype(jnp.int32)
    j = j_idxes.astype(jnp.int32)

    r0 = (i // _GRID) * _STRIDE
    c0 = (i % _GRID) * _STRIDE
    p0 = jnp.arange(_PIX0, dtype=jnp.int32)
    idx0 = b[:, None] * (_H0 * _W0P) \
        + (r0[:, None] + p0[None, :] // _W_SIZE) * _W0P \
        + c0[:, None] + p0[None, :] % _W_SIZE
    idx0 = _pack_worker_idx(idx0.reshape(-1), _BPW0 * 128, _IST0)

    r1 = (j // _GRID) * _STRIDE
    c1 = (j % _GRID) * _STRIDE
    p1 = jnp.arange(_PIX1, dtype=jnp.int32)
    idx1 = b[:, None] * (_H1 * _H1) \
        + (r1[:, None] + p1[None, :] // _K1) * _H1 \
        + c1[:, None] + p1[None, :] % _K1
    idx1 = _pack_worker_idx(idx1.reshape(-1), _BPW1 * 128, _IST1)

    mesh = plsc.VectorSubcoreMesh(core_axis_name="c", subcore_axis_name="s")
    out0, out1 = pl.kernel(
        _gather_kernel,
        mesh=mesh,
        out_type=[
            jax.ShapeDtypeStruct((_NB0, 128, _C), jnp.float32),
            jax.ShapeDtypeStruct((_NB1, 128, _C), jnp.float32),
        ],
        scratch_types=[
            pltpu.VMEM((_IST0, 128), jnp.int32),
            pltpu.VMEM((_IST1, 128), jnp.int32),
        ]
        + [pltpu.VMEM((128, _C), jnp.float32)] * _NRING
        + [pltpu.SemaphoreType.DMA] * (2 * _NRING),
    )(f0t, f1t, idx0, idx1)

    fine0 = out0.reshape(_M, _PIX0, _C)
    fine1 = out1.reshape(_M, _PIX1, _C)
    return (fine0, fine1)

# --- scband reference (transcript-rebuilt; emitter-appended) ---
"""Pipeline reference for scband-fine-preprocess-12850542150359 (READ-ONLY COPY).

The authoritative reference and input builder live on the scoring server;
editing this copy changes nothing except your own understanding.
"""

import jax, jax.numpy as jnp
import numpy as np

W_SIZE = 8
STRIDE = 4
PAD = 2
EXTRA = 2


def _crop_windows(x, k, stride, padding):
    # Faithful JAX port of F.unfold + einops.rearrange('n (c ww) l -> n l ww c')
    N, C, H, W = x.shape
    xp = jnp.pad(x, ((0, 0), (0, 0), (padding, padding), (padding, padding)))
    out_h = (H + 2 * padding - k) // stride + 1
    out_w = (W + 2 * padding - k) // stride + 1
    r = jnp.arange(out_h)[:, None] * stride + jnp.arange(k)[None, :]  # [out_h, k]
    c = jnp.arange(out_w)[:, None] * stride + jnp.arange(k)[None, :]  # [out_w, k]
    g = xp[:, :, r, :]          # [N, C, out_h, k, Wp]
    g = g[:, :, :, :, c]        # [N, C, out_h, k, out_w, k]
    g = jnp.transpose(g, (0, 2, 4, 3, 5, 1))  # [N, out_h, out_w, ki, kj, C]
    g = g.reshape(N, out_h * out_w, k * k, C)  # [N, L, ww, C]
    return g


def setup_inputs(seed: int = 0) -> dict:
    key = jax.random.key(seed)
    k0, k1, k2, k3, k4 = jax.random.split(key, 5)
    B, C, H, W = 2, 128, 192, 192
    L = ((H + 2 * PAD - W_SIZE) // STRIDE + 1) ** 2  # 48*48 = 2304
    m = 3000
    feature0 = jax.random.normal(k0, (B, C, H, W), dtype=jnp.float32)
    feature1 = jax.random.normal(k1, (B, C, H, W), dtype=jnp.float32)
    b_idxes = jax.random.randint(k2, (m,), 0, B)
    i_idxes = jax.random.randint(k3, (m,), 0, L)
    j_idxes = jax.random.randint(k4, (m,), 0, L)
    return {"feature0": feature0, "feature1": feature1,
            "b_idxes": b_idxes, "i_idxes": i_idxes, "j_idxes": j_idxes}


def reference(feature0, feature1, b_idxes, i_idxes, j_idxes):
    # type == 'crop_fine_only', scale_before_crop == 1, norm_before_fuse == False
    w0 = _crop_windows(feature0, W_SIZE, STRIDE, PAD)                      # [B, L, 64, C]
    w1 = _crop_windows(feature1, W_SIZE + 2 * EXTRA, STRIDE, PAD + EXTRA)  # [B, L, 144, C]
    fine_feature0 = w0[b_idxes, i_idxes]  # [m, 64, C]
    fine_feature1 = w1[b_idxes, j_idxes]  # [m, 144, C]
    return (fine_feature0, fine_feature1)

if __name__ == "__main__":
    import jax
    _d = setup_inputs()
    print(jax.jit(kernel)(*tuple(_d.values())))

</pallas_src>

<mosaic_0001>
#map = affine_map<(d0, d1) -> (0, 0)>
#map1 = affine_map<(d0, d1) -> (0, 0, 0)>
module attributes {stable_mosaic.version = 14 : i64} {
  func.func @_gather_kernel(%arg0: i32, %arg1: i32, %arg2: memref<78400x128xf32, #tpu.memory_space<hbm>>, %arg3: memref<80000x128xf32, #tpu.memory_space<hbm>>, %arg4: memref<1536x128xi32, #tpu.memory_space<hbm>>, %arg5: memref<3584x128xi32, #tpu.memory_space<hbm>>, %arg6: memref<1500x128x128xf32, #tpu.memory_space<hbm>>, %arg7: memref<3375x128x128xf32, #tpu.memory_space<hbm>>, %arg8: memref<48x128xi32, #tpu.memory_space<vmem>>, %arg9: memref<112x128xi32, #tpu.memory_space<vmem>>, %arg10: memref<128x128xf32, #tpu.memory_space<vmem>>, %arg11: memref<128x128xf32, #tpu.memory_space<vmem>>, %arg12: memref<128x128xf32, #tpu.memory_space<vmem>>, %arg13: memref<128x128xf32, #tpu.memory_space<vmem>>, %arg14: memref<128x128xf32, #tpu.memory_space<vmem>>, %arg15: memref<128x128xf32, #tpu.memory_space<vmem>>, %arg16: memref<!tpu.dma_semaphore, #tpu.memory_space<semaphore_mem>>, %arg17: memref<!tpu.dma_semaphore, #tpu.memory_space<semaphore_mem>>, %arg18: memref<!tpu.dma_semaphore, #tpu.memory_space<semaphore_mem>>, %arg19: memref<!tpu.dma_semaphore, #tpu.memory_space<semaphore_mem>>, %arg20: memref<!tpu.dma_semaphore, #tpu.memory_space<semaphore_mem>>, %arg21: memref<!tpu.dma_semaphore, #tpu.memory_space<semaphore_mem>>, %arg22: memref<!tpu.dma_semaphore, #tpu.memory_space<semaphore_mem>>, %arg23: memref<!tpu.dma_semaphore, #tpu.memory_space<semaphore_mem>>, %arg24: memref<!tpu.dma_semaphore, #tpu.memory_space<semaphore_mem>>, %arg25: memref<!tpu.dma_semaphore, #tpu.memory_space<semaphore_mem>>, %arg26: memref<!tpu.dma_semaphore, #tpu.memory_space<semaphore_mem>>, %arg27: memref<!tpu.dma_semaphore, #tpu.memory_space<semaphore_mem>>) attributes {dimension_semantics = [#tpu.dimension_semantics<core_parallel>, #tpu.dimension_semantics<subcore_parallel>], iteration_bounds = array<i64: 2, 16>, scalar_prefetch = 0 : i64, scratch_operands = 20 : i64, tpu.core_type = #tpu.core_type<sc_vector_subcore>, window_params = [{transform_indices = #map}, {transform_indices = #map}, {transform_indices = #map}, {transform_indices = #map}, {transform_indices = #map1}, {transform_indices = #map1}]} {
    %mul3A = arith.constant 16 : i32
    %mul3A_0 = arith.muli %arg0, %mul3A : i32
    %add3A = arith.addi %mul3A_0, %arg1 : i32
    %eq3A = arith.constant 31 : i32
    %eq3A_1 = arith.cmpi eq, %add3A, %eq3A : i32
    %mul3A_2 = arith.constant 48 : i32
    %mul3A_3 = arith.muli %add3A, %mul3A_2 : i32
    "tpu.region"() ({
      %run_scoped3A = tpu.sem_alloc : memref<!tpu.dma_semaphore, #tpu.memory_space<semaphore_mem>>
      %dma_start3A = arith.constant 0 : i32
      %dma_start3A_181 = tpu.memref_slice %arg4[%mul3A_3, %dma_start3A] : memref<1536x128xi32, #tpu.memory_space<hbm>> -> memref<48x128xi32, #tpu.memory_space<hbm>>
      %dma_start3A_182 = arith.constant 0 : i32
      %dma_start3A_183 = tpu.memref_slice %arg4[%mul3A_3, %dma_start3A_182] : memref<1536x128xi32, #tpu.memory_space<hbm>> -> memref<48x128xi32, #tpu.memory_space<hbm>>
      tpu.enqueue_dma source(%dma_start3A_183 : memref<48x128xi32, #tpu.memory_space<hbm>>) target(%arg8 : memref<48x128xi32, #tpu.memory_space<vmem>>) target_semaphore(%run_scoped3A : memref<!tpu.dma_semaphore, #tpu.memory_space<semaphore_mem>>)
      %dma_wait3A_184 = arith.constant 0 : i32
      %dma_wait3A_185 = tpu.memref_slice %arg4[%mul3A_3, %dma_wait3A_184] : memref<1536x128xi32, #tpu.memory_space<hbm>> -> memref<48x128xi32, #tpu.memory_space<hbm>>
      %dma_wait3A_186 = arith.constant 0 : i32
      %dma_wait3A_187 = tpu.memref_slice %arg4[%mul3A_3, %dma_wait3A_186] : memref<1536x128xi32, #tpu.memory_space<hbm>> -> memref<48x128xi32, #tpu.memory_space<hbm>>
      tpu.wait_dma2 semaphore(%run_scoped3A : memref<!tpu.dma_semaphore, #tpu.memory_space<semaphore_mem>>) src(%dma_wait3A_187 : memref<48x128xi32, #tpu.memory_space<hbm>>) dst(%arg8 : memref<48x128xi32, #tpu.memory_space<vmem>>)
      tpu.yield
    }) : () -> ()
    %mul3A_4 = arith.constant 112 : i32
    %mul3A_5 = arith.muli %add3A, %mul3A_4 : i32
    "tpu.region"() ({
      %run_scoped3A = tpu.sem_alloc : memref<!tpu.dma_semaphore, #tpu.memory_space<semaphore_mem>>
      %dma_start3A = arith.constant 0 : i32
      %dma_start3A_181 = tpu.memref_slice %arg5[%mul3A_5, %dma_start3A] : memref<3584x128xi32, #tpu.memory_space<hbm>> -> memref<112x128xi32, #tpu.memory_space<hbm>>
      %dma_start3A_182 = arith.constant 0 : i32
      %dma_start3A_183 = tpu.memref_slice %arg5[%mul3A_5, %dma_start3A_182] : memref<3584x128xi32, #tpu.memory_space<hbm>> -> memref<112x128xi32, #tpu.memory_space<hbm>>
      tpu.enqueue_dma source(%dma_start3A_183 : memref<112x128xi32, #tpu.memory_space<hbm>>) target(%arg9 : memref<112x128xi32, #tpu.memory_space<vmem>>) target_semaphore(%run_scoped3A : memref<!tpu.dma_semaphore, #tpu.memory_space<semaphore_mem>>)
      %dma_wait3A_184 = arith.constant 0 : i32
      %dma_wait3A_185 = tpu.memref_slice %arg5[%mul3A_5, %dma_wait3A_184] : memref<3584x128xi32, #tpu.memory_space<hbm>> -> memref<112x128xi32, #tpu.memory_space<hbm>>
      %dma_wait3A_186 = arith.constant 0 : i32
      %dma_wait3A_187 = tpu.memref_slice %arg5[%mul3A_5, %dma_wait3A_186] : memref<3584x128xi32, #tpu.memory_space<hbm>> -> memref<112x128xi32, #tpu.memory_space<hbm>>
      tpu.wait_dma2 semaphore(%run_scoped3A : memref<!tpu.dma_semaphore, #tpu.memory_space<semaphore_mem>>) src(%dma_wait3A_187 : memref<112x128xi32, #tpu.memory_space<hbm>>) dst(%arg9 : memref<112x128xi32, #tpu.memory_space<vmem>>)
      tpu.yield
    }) : () -> ()
    %jit3A = arith.constant 12 : i32
    %jit3A_6 = arith.constant 48 : i32
    %select_n3A = arith.select %eq3A_1, %jit3A, %jit3A_6 : i32
    %mul3A_7 = arith.constant 48 : i32
    %mul3A_8 = arith.muli %add3A, %mul3A_7 : i32
    %jit3A_9 = arith.constant 6 : i32
    %div3A = arith.divsi %select_n3A, %jit3A_9 : i32
    %sign3A = arith.constant 0 : i32
    %sign3A_10 = arith.cmpi sgt, %select_n3A, %sign3A : i32
    %sign3A_11 = arith.extui %sign3A_10 : i1 to i32
    %sign3A_12 = arith.constant 0 : i32
    %sign3A_13 = arith.cmpi slt, %select_n3A, %sign3A_12 : i32
    %sign3A_14 = arith.extui %sign3A_13 : i1 to i32
    %sign3A_15 = arith.subi %sign3A_11, %sign3A_14 : i32
    %sign3A_16 = arith.constant 0 : i32
    %sign3A_17 = arith.cmpi sgt, %jit3A_9, %sign3A_16 : i32
    %sign3A_18 = arith.extui %sign3A_17 : i1 to i32
    %sign3A_19 = arith.constant 0 : i32
    %sign3A_20 = arith.cmpi slt, %jit3A_9, %sign3A_19 : i32
    %sign3A_21 = arith.extui %sign3A_20 : i1 to i32
    %sign3A_22 = arith.subi %sign3A_18, %sign3A_21 : i32
    %ne3A = arith.cmpi ne, %sign3A_15, %sign3A_22 : i32
    %rem3A = arith.remsi %select_n3A, %jit3A_9 : i32
    %ne3A_23 = arith.constant 0 : i32
    %ne3A_24 = arith.cmpi ne, %rem3A, %ne3A_23 : i32
    %and3A = arith.andi %ne3A, %ne3A_24 : i1
    %sub3A = arith.constant 1 : i32
    %sub3A_25 = arith.subi %div3A, %sub3A : i32
    %select_n3A_26 = arith.select %and3A, %sub3A_25, %div3A : i32
    %while3A = arith.constant 0 : i32
    %while3A_27 = arith.constant 0 : i32
    %while3A_28 = arith.subi %select_n3A_26, %while3A_27 : i32
    %while3A_29 = arith.addi %while3A_27, %while3A_28 : i32
    %while3A_30 = arith.constant 1 : i32
    %while3A_31 = arith.divsi %while3A_28, %while3A_30 : i32
    %while3A_32 = arith.muli %while3A_31, %while3A_30 : i32
    %while3A_33 = arith.addi %while3A_27, %while3A_32 : i32
    %while3A_34 = arith.constant 1 : i32
    scf.for %while3A_181 = %while3A_27 to %while3A_33 step %while3A_34  : i32 {
      %mul3A_182 = arith.constant 6 : i32
      %mul3A_183 = arith.muli %mul3A_182, %while3A_181 : i32
      %add3A_184 = arith.constant 0 : i32
      %add3A_185 = arith.addi %mul3A_183, %add3A_184 : i32
      %gt3A = arith.constant 0 : i32
      %gt3A_186 = arith.cmpi sgt, %while3A_181, %gt3A : i32
      %convert_element_type3A = arith.extui %gt3A_186 : i1 to i32
      %cond3A = arith.constant 0 : i32
      %cond3A_187 = arith.cmpi ne, %convert_element_type3A, %cond3A : i32
      scf.if %cond3A_187 {
        %dma_wait3A_382 = arith.constant 0 : i32
        %dma_wait3A_383 = arith.constant 0 : i32
        %dma_wait3A_384 = tpu.memref_slice %arg6[%mul3A_8, %dma_wait3A_382, %dma_wait3A_383] : memref<1500x128x128xf32, #tpu.memory_space<hbm>> -> memref<1x128x128xf32, #tpu.memory_space<hbm>>
        %dma_wait3A_385 = tpu.memref_squeeze %dma_wait3A_384 : memref<1x128x128xf32, #tpu.memory_space<hbm>> -> memref<128x128xf32, #tpu.memory_space<hbm>>
        %dma_wait3A_386 = arith.constant 0 : i32
        %dma_wait3A_387 = arith.constant 0 : i32
        %dma_wait3A_388 = tpu.memref_slice %arg6[%mul3A_8, %dma_wait3A_386, %dma_wait3A_387] : memref<1500x128x128xf32, #tpu.memory_space<hbm>> -> memref<1x128x128xf32, #tpu.memory_space<hbm>>
        %dma_wait3A_389 = tpu.memref_squeeze %dma_wait3A_388 : memref<1x128x128xf32, #tpu.memory_space<hbm>> -> memref<128x128xf32, #tpu.memory_space<hbm>>
        tpu.wait_dma2 semaphore(%arg22 : memref<!tpu.dma_semaphore, #tpu.memory_space<semaphore_mem>>) src(%arg10 : memref<128x128xf32, #tpu.memory_space<vmem>>) dst(%dma_wait3A_389 : memref<128x128xf32, #tpu.memory_space<hbm>>)
      } else {
      }
      %dma_start3A = arith.constant 0 : i32
      %dma_start3A_188 = tpu.memref_slice %arg8[%add3A_185, %dma_start3A] : memref<48x128xi32, #tpu.memory_space<vmem>> -> memref<1x128xi32, #tpu.memory_space<vmem>>
      %dma_start3A_189 = tpu.memref_squeeze %dma_start3A_188 : memref<1x128xi32, #tpu.memory_space<vmem>> -> memref<128xi32, #tpu.memory_space<vmem>>
      %dma_start3A_190 = arith.constant 0 : i32
      %dma_start3A_191 = arith.constant 0 : i32
      %dma_start3A_192 = tpu.memref_slice %arg2[%dma_start3A_190, %dma_start3A_191] : memref<78400x128xf32, #tpu.memory_space<hbm>> -> memref<78400x128xf32, #tpu.memory_space<hbm>>
      tpu.enqueue_indirect_dma source(%dma_start3A_192 : memref<78400x128xf32, #tpu.memory_space<hbm>>) target(%arg10 : memref<128x128xf32, #tpu.memory_space<vmem>>) offsets(%dma_start3A_189 : memref<128xi32, #tpu.memory_space<vmem>>) semaphore(%arg16 : memref<!tpu.dma_semaphore, #tpu.memory_space<semaphore_mem>>)
      %mul3A_193 = arith.constant 6 : i32
      %mul3A_194 = arith.muli %mul3A_193, %while3A_181 : i32
      %add3A_195 = arith.constant 1 : i32
      %add3A_196 = arith.addi %mul3A_194, %add3A_195 : i32
      %gt3A_197 = arith.constant 0 : i32
      %gt3A_198 = arith.cmpi sgt, %while3A_181, %gt3A_197 : i32
      %convert_element_type3A_199 = arith.extui %gt3A_198 : i1 to i32
      %cond3A_200 = arith.constant 0 : i32
      %cond3A_201 = arith.cmpi ne, %convert_element_type3A_199, %cond3A_200 : i32
      scf.if %cond3A_201 {
        %dma_wait3A_382 = arith.constant 0 : i32
        %dma_wait3A_383 = arith.constant 0 : i32
        %dma_wait3A_384 = tpu.memref_slice %arg6[%mul3A_8, %dma_wait3A_382, %dma_wait3A_383] : memref<1500x128x128xf32, #tpu.memory_space<hbm>> -> memref<1x128x128xf32, #tpu.memory_space<hbm>>
        %dma_wait3A_385 = tpu.memref_squeeze %dma_wait3A_384 : memref<1x128x128xf32, #tpu.memory_space<hbm>> -> memref<128x128xf32, #tpu.memory_space<hbm>>
        %dma_wait3A_386 = arith.constant 0 : i32
        %dma_wait3A_387 = arith.constant 0 : i32
        %dma_wait3A_388 = tpu.memref_slice %arg6[%mul3A_8, %dma_wait3A_386, %dma_wait3A_387] : memref<1500x128x128xf32, #tpu.memory_space<hbm>> -> memref<1x128x128xf32, #tpu.memory_space<hbm>>
        %dma_wait3A_389 = tpu.memref_squeeze %dma_wait3A_388 : memref<1x128x128xf32, #tpu.memory_space<hbm>> -> memref<128x128xf32, #tpu.memory_space<hbm>>
        tpu.wait_dma2 semaphore(%arg23 : memref<!tpu.dma_semaphore, #tpu.memory_space<semaphore_mem>>) src(%arg11 : memref<128x128xf32, #tpu.memory_space<vmem>>) dst(%dma_wait3A_389 : memref<128x128xf32, #tpu.memory_space<hbm>>)
      } else {
      }
      %dma_start3A_202 = arith.constant 0 : i32
      %dma_start3A_203 = tpu.memref_slice %arg8[%add3A_196, %dma_start3A_202] : memref<48x128xi32, #tpu.memory_space<vmem>> -> memref<1x128xi32, #tpu.memory_space<vmem>>
      %dma_start3A_204 = tpu.memref_squeeze %dma_start3A_203 : memref<1x128xi32, #tpu.memory_space<vmem>> -> memref<128xi32, #tpu.memory_space<vmem>>
      %dma_start3A_205 = arith.constant 0 : i32
      %dma_start3A_206 = arith.constant 0 : i32
      %dma_start3A_207 = tpu.memref_slice %arg2[%dma_start3A_205, %dma_start3A_206] : memref<78400x128xf32, #tpu.memory_space<hbm>> -> memref<78400x128xf32, #tpu.memory_space<hbm>>
      tpu.enqueue_indirect_dma source(%dma_start3A_207 : memref<78400x128xf32, #tpu.memory_space<hbm>>) target(%arg11 : memref<128x128xf32, #tpu.memory_space<vmem>>) offsets(%dma_start3A_204 : memref<128xi32, #tpu.memory_space<vmem>>) semaphore(%arg17 : memref<!tpu.dma_semaphore, #tpu.memory_space<semaphore_mem>>)
      %mul3A_208 = arith.constant 6 : i32
      %mul3A_209 = arith.muli %mul3A_208, %while3A_181 : i32
      %add3A_210 = arith.constant 2 : i32
      %add3A_211 = arith.addi %mul3A_209, %add3A_210 : i32
      %gt3A_212 = arith.constant 0 : i32
      %gt3A_213 = arith.cmpi sgt, %while3A_181, %gt3A_212 : i32
      %convert_element_type3A_214 = arith.extui %gt3A_213 : i1 to i32
      %cond3A_215 = arith.constant 0 : i32
      %cond3A_216 = arith.cmpi ne, %convert_element_type3A_214, %cond3A_215 : i32
      scf.if %cond3A_216 {
        %dma_wait3A_382 = arith.constant 0 : i32
        %dma_wait3A_383 = arith.constant 0 : i32
        %dma_wait3A_384 = tpu.memref_slice %arg6[%mul3A_8, %dma_wait3A_382, %dma_wait3A_383] : memref<1500x128x128xf32, #tpu.memory_space<hbm>> -> memref<1x128x128xf32, #tpu.memory_space<hbm>>
        %dma_wait3A_385 = tpu.memref_squeeze %dma_wait3A_384 : memref<1x128x128xf32, #tpu.memory_space<hbm>> -> memref<128x128xf32, #tpu.memory_space<hbm>>
        %dma_wait3A_386 = arith.constant 0 : i32
        %dma_wait3A_387 = arith.constant 0 : i32
        %dma_wait3A_388 = tpu.memref_slice %arg6[%mul3A_8, %dma_wait3A_386, %dma_wait3A_387] : memref<1500x128x128xf32, #tpu.memory_space<hbm>> -> memref<1x128x128xf32, #tpu.memory_space<hbm>>
        %dma_wait3A_389 = tpu.memref_squeeze %dma_wait3A_388 : memref<1x128x128xf32, #tpu.memory_space<hbm>> -> memref<128x128xf32, #tpu.memory_space<hbm>>
        tpu.wait_dma2 semaphore(%arg24 : memref<!tpu.dma_semaphore, #tpu.memory_space<semaphore_mem>>) src(%arg12 : memref<128x128xf32, #tpu.memory_space<vmem>>) dst(%dma_wait3A_389 : memref<128x128xf32, #tpu.memory_space<hbm>>)
      } else {
      }
      %dma_start3A_217 = arith.constant 0 : i32
      %dma_start3A_218 = tpu.memref_slice %arg8[%add3A_211, %dma_start3A_217] : memref<48x128xi32, #tpu.memory_space<vmem>> -> memref<1x128xi32, #tpu.memory_space<vmem>>
      %dma_start3A_219 = tpu.memref_squeeze %dma_start3A_218 : memref<1x128xi32, #tpu.memory_space<vmem>> -> memref<128xi32, #tpu.memory_space<vmem>>
      %dma_start3A_220 = arith.constant 0 : i32
      %dma_start3A_221 = arith.constant 0 : i32
      %dma_start3A_222 = tpu.memref_slice %arg2[%dma_start3A_220, %dma_start3A_221] : memref<78400x128xf32, #tpu.memory_space<hbm>> -> memref<78400x128xf32, #tpu.memory_space<hbm>>
      tpu.enqueue_indirect_dma source(%dma_start3A_222 : memref<78400x128xf32, #tpu.memory_space<hbm>>) target(%arg12 : memref<128x128xf32, #tpu.memory_space<vmem>>) offsets(%dma_start3A_219 : memref<128xi32, #tpu.memory_space<vmem>>) semaphore(%arg18 : memref<!tpu.dma_semaphore, #tpu.memory_space<semaphore_mem>>)
      %mul3A_223 = arith.constant 6 : i32
      %mul3A_224 = arith.muli %mul3A_223, %while3A_181 : i32
      %add3A_225 = arith.constant 3 : i32
      %add3A_226 = arith.addi %mul3A_224, %add3A_225 : i32
      %gt3A_227 = arith.constant 0 : i32
      %gt3A_228 = arith.cmpi sgt, %while3A_181, %gt3A_227 : i32
      %convert_element_type3A_229 = arith.extui %gt3A_228 : i1 to i32
      %cond3A_230 = arith.constant 0 : i32
      %cond3A_231 = arith.cmpi ne, %convert_element_type3A_229, %cond3A_230 : i32
      scf.if %cond3A_231 {
        %dma_wait3A_382 = arith.constant 0 : i32
        %dma_wait3A_383 = arith.constant 0 : i32
        %dma_wait3A_384 = tpu.memref_slice %arg6[%mul3A_8, %dma_wait3A_382, %dma_wait3A_383] : memref<1500x128x128xf32, #tpu.memory_space<hbm>> -> memref<1x128x128xf32, #tpu.memory_space<hbm>>
        %dma_wait3A_385 = tpu.memref_squeeze %dma_wait3A_384 : memref<1x128x128xf32, #tpu.memory_space<hbm>> -> memref<128x128xf32, #tpu.memory_space<hbm>>
        %dma_wait3A_386 = arith.constant 0 : i32
        %dma_wait3A_387 = arith.constant 0 : i32
        %dma_wait3A_388 = tpu.memref_slice %arg6[%mul3A_8, %dma_wait3A_386, %dma_wait3A_387] : memref<1500x128x128xf32, #tpu.memory_space<hbm>> -> memref<1x128x128xf32, #tpu.memory_space<hbm>>
        %dma_wait3A_389 = tpu.memref_squeeze %dma_wait3A_388 : memref<1x128x128xf32, #tpu.memory_space<hbm>> -> memref<128x128xf32, #tpu.memory_space<hbm>>
        tpu.wait_dma2 semaphore(%arg25 : memref<!tpu.dma_semaphore, #tpu.memory_space<semaphore_mem>>) src(%arg13 : memref<128x128xf32, #tpu.memory_space<vmem>>) dst(%dma_wait3A_389 : memref<128x128xf32, #tpu.memory_space<hbm>>)
      } else {
      }
      %dma_start3A_232 = arith.constant 0 : i32
      %dma_start3A_233 = tpu.memref_slice %arg8[%add3A_226, %dma_start3A_232] : memref<48x128xi32, #tpu.memory_space<vmem>> -> memref<1x128xi32, #tpu.memory_space<vmem>>
      %dma_start3A_234 = tpu.memref_squeeze %dma_start3A_233 : memref<1x128xi32, #tpu.memory_space<vmem>> -> memref<128xi32, #tpu.memory_space<vmem>>
      %dma_start3A_235 = arith.constant 0 : i32
      %dma_start3A_236 = arith.constant 0 : i32
      %dma_start3A_237 = tpu.memref_slice %arg2[%dma_start3A_235, %dma_start3A_236] : memref<78400x128xf32, #tpu.memory_space<hbm>> -> memref<78400x128xf32, #tpu.memory_space<hbm>>
      tpu.enqueue_indirect_dma source(%dma_start3A_237 : memref<78400x128xf32, #tpu.memory_space<hbm>>) target(%arg13 : memref<128x128xf32, #tpu.memory_space<vmem>>) offsets(%dma_start3A_234 : memref<128xi32, #tpu.memory_space<vmem>>) semaphore(%arg19 : memref<!tpu.dma_semaphore, #tpu.memory_space<semaphore_mem>>)
      %mul3A_238 = arith.constant 6 : i32
      %mul3A_239 = arith.muli %mul3A_238, %while3A_181 : i32
      %add3A_240 = arith.constant 4 : i32
      %add3A_241 = arith.addi %mul3A_239, %add3A_240 : i32
      %gt3A_242 = arith.constant 0 : i32
      %gt3A_243 = arith.cmpi sgt, %while3A_181, %gt3A_242 : i32
      %convert_element_type3A_244 = arith.extui %gt3A_243 : i1 to i32
      %cond3A_245 = arith.constant 0 : i32
      %cond3A_246 = arith.cmpi ne, %convert_element_type3A_244, %cond3A_245 : i32
      scf.if %cond3A_246 {
        %dma_wait3A_382 = arith.constant 0 : i32
        %dma_wait3A_383 = arith.constant 0 : i32
        %dma_wait3A_384 = tpu.memref_slice %arg6[%mul3A_8, %dma_wait3A_382, %dma_wait3A_383] : memref<1500x128x128xf32, #tpu.memory_space<hbm>> -> memref<1x128x128xf32, #tpu.memory_space<hbm>>
        %dma_wait3A_385 = tpu.memref_squeeze %dma_wait3A_384 : memref<1x128x128xf32, #tpu.memory_space<hbm>> -> memref<128x128xf32, #tpu.memory_space<hbm>>
        %dma_wait3A_386 = arith.constant 0 : i32
        %dma_wait3A_387 = arith.constant 0 : i32
        %dma_wait3A_388 = tpu.memref_slice %arg6[%mul3A_8, %dma_wait3A_386, %dma_wait3A_387] : memref<1500x128x128xf32, #tpu.memory_space<hbm>> -> memref<1x128x128xf32, #tpu.memory_space<hbm>>
        %dma_wait3A_389 = tpu.memref_squeeze %dma_wait3A_388 : memref<1x128x128xf32, #tpu.memory_space<hbm>> -> memref<128x128xf32, #tpu.memory_space<hbm>>
        tpu.wait_dma2 semaphore(%arg26 : memref<!tpu.dma_semaphore, #tpu.memory_space<semaphore_mem>>) src(%arg14 : memref<128x128xf32, #tpu.memory_space<vmem>>) dst(%dma_wait3A_389 : memref<128x128xf32, #tpu.memory_space<hbm>>)
      } else {
      }
      %dma_start3A_247 = arith.constant 0 : i32
      %dma_start3A_248 = tpu.memref_slice %arg8[%add3A_241, %dma_start3A_247] : memref<48x128xi32, #tpu.memory_space<vmem>> -> memref<1x128xi32, #tpu.memory_space<vmem>>
      %dma_start3A_249 = tpu.memref_squeeze %dma_start3A_248 : memref<1x128xi32, #tpu.memory_space<vmem>> -> memref<128xi32, #tpu.memory_space<vmem>>
      %dma_start3A_250 = arith.constant 0 : i32
      %dma_start3A_251 = arith.constant 0 : i32
      %dma_start3A_252 = tpu.memref_slice %arg2[%dma_start3A_250, %dma_start3A_251] : memref<78400x128xf32, #tpu.memory_space<hbm>> -> memref<78400x128xf32, #tpu.memory_space<hbm>>
      tpu.enqueue_indirect_dma source(%dma_start3A_252 : memref<78400x128xf32, #tpu.memory_space<hbm>>) target(%arg14 : memref<128x128xf32, #tpu.memory_space<vmem>>) offsets(%dma_start3A_249 : memref<128xi32, #tpu.memory_space<vmem>>) semaphore(%arg20 : memref<!tpu.dma_semaphore, #tpu.memory_space<semaphore_mem>>)
      %mul3A_253 = arith.constant 6 : i32
      %mul3A_254 = arith.muli %mul3A_253, %while3A_181 : i32
      %add3A_255 = arith.constant 5 : i32
      %add3A_256 = arith.addi %mul3A_254, %add3A_255 : i32
      %gt3A_257 = arith.constant 0 : i32
      %gt3A_258 = arith.cmpi sgt, %while3A_181, %gt3A_257 : i32
      %convert_element_type3A_259 = arith.extui %gt3A_258 : i1 to i32
      %cond3A_260 = arith.constant 0 : i32
      %cond3A_261 = arith.cmpi ne, %convert_element_type3A_259, %cond3A_260 : i32
      scf.if %cond3A_261 {
        %dma_wait3A_382 = arith.constant 0 : i32
        %dma_wait3A_383 = arith.constant 0 : i32
        %dma_wait3A_384 = tpu.memref_slice %arg6[%mul3A_8, %dma_wait3A_382, %dma_wait3A_383] : memref<1500x128x128xf32, #tpu.memory_space<hbm>> -> memref<1x128x128xf32, #tpu.memory_space<hbm>>
        %dma_wait3A_385 = tpu.memref_squeeze %dma_wait3A_384 : memref<1x128x128xf32, #tpu.memory_space<hbm>> -> memref<128x128xf32, #tpu.memory_space<hbm>>
        %dma_wait3A_386 = arith.constant 0 : i32
        %dma_wait3A_387 = arith.constant 0 : i32
        %dma_wait3A_388 = tpu.memref_slice %arg6[%mul3A_8, %dma_wait3A_386, %dma_wait3A_387] : memref<1500x128x128xf32, #tpu.memory_space<hbm>> -> memref<1x128x128xf32, #tpu.memory_space<hbm>>
        %dma_wait3A_389 = tpu.memref_squeeze %dma_wait3A_388 : memref<1x128x128xf32, #tpu.memory_space<hbm>> -> memref<128x128xf32, #tpu.memory_space<hbm>>
        tpu.wait_dma2 semaphore(%arg27 : memref<!tpu.dma_semaphore, #tpu.memory_space<semaphore_mem>>) src(%arg15 : memref<128x128xf32, #tpu.memory_space<vmem>>) dst(%dma_wait3A_389 : memref<128x128xf32, #tpu.memory_space<hbm>>)
      } else {
      }
      %dma_start3A_262 = arith.constant 0 : i32
      %dma_start3A_263 = tpu.memref_slice %arg8[%add3A_256, %dma_start3A_262] : memref<48x128xi32, #tpu.memory_space<vmem>> -> memref<1x128xi32, #tpu.memory_space<vmem>>
      %dma_start3A_264 = tpu.memref_squeeze %dma_start3A_263 : memref<1x128xi32, #tpu.memory_space<vmem>> -> memref<128xi32, #tpu.memory_space<vmem>>
      %dma_start3A_265 = arith.constant 0 : i32
      %dma_start3A_266 = arith.constant 0 : i32
      %dma_start3A_267 = tpu.memref_slice %arg2[%dma_start3A_265, %dma_start3A_266] : memref<78400x128xf32, #tpu.memory_space<hbm>> -> memref<78400x128xf32, #tpu.memory_space<hbm>>
      tpu.enqueue_indirect_dma source(%dma_start3A_267 : memref<78400x128xf32, #tpu.memory_space<hbm>>) target(%arg15 : memref<128x128xf32, #tpu.memory_space<vmem>>) offsets(%dma_start3A_264 : memref<128xi32, #tpu.memory_space<vmem>>) semaphore(%arg21 : memref<!tpu.dma_semaphore, #tpu.memory_space<semaphore_mem>>)
      %mul3A_268 = arith.constant 6 : i32
      %mul3A_269 = arith.muli %mul3A_268, %while3A_181 : i32
      %add3A_270 = arith.constant 0 : i32
      %add3A_271 = arith.addi %mul3A_269, %add3A_270 : i32
      %dma_wait3A_272 = arith.constant 0 : i32
      %dma_wait3A_273 = tpu.memref_slice %arg8[%add3A_271, %dma_wait3A_272] : memref<48x128xi32, #tpu.memory_space<vmem>> -> memref<1x128xi32, #tpu.memory_space<vmem>>
      %dma_wait3A_274 = tpu.memref_squeeze %dma_wait3A_273 : memref<1x128xi32, #tpu.memory_space<vmem>> -> memref<128xi32, #tpu.memory_space<vmem>>
      %dma_wait3A_275 = arith.constant 0 : i32
      %dma_wait3A_276 = arith.constant 0 : i32
      %dma_wait3A_277 = tpu.memref_slice %arg2[%dma_wait3A_275, %dma_wait3A_276] : memref<78400x128xf32, #tpu.memory_space<hbm>> -> memref<78400x128xf32, #tpu.memory_space<hbm>>
      tpu.wait_indirect_dma semaphore(%arg16 : memref<!tpu.dma_semaphore, #tpu.memory_space<semaphore_mem>>) src(%dma_wait3A_277 : memref<78400x128xf32, #tpu.memory_space<hbm>>) dst(%arg10 : memref<128x128xf32, #tpu.memory_space<vmem>>)
      %add3A_278 = arith.addi %mul3A_8, %add3A_271 : i32
      %dma_start3A_279 = arith.constant 0 : i32
      %dma_start3A_280 = arith.constant 0 : i32
      %dma_start3A_281 = tpu.memref_slice %arg6[%add3A_278, %dma_start3A_279, %dma_start3A_280] : memref<1500x128x128xf32, #tpu.memory_space<hbm>> -> memref<1x128x128xf32, #tpu.memory_space<hbm>>
      %dma_start3A_282 = tpu.memref_squeeze %dma_start3A_281 : memref<1x128x128xf32, #tpu.memory_space<hbm>> -> memref<128x128xf32, #tpu.memory_space<hbm>>
      %dma_start3A_283 = arith.constant 0 : i32
      %dma_start3A_284 = arith.constant 0 : i32
      %dma_start3A_285 = tpu.memref_slice %arg6[%add3A_278, %dma_start3A_283, %dma_start3A_284] : memref<1500x128x128xf32, #tpu.memory_space<hbm>> -> memref<1x128x128xf32, #tpu.memory_space<hbm>>
      %dma_start3A_286 = tpu.memref_squeeze %dma_start3A_285 : memref<1x128x128xf32, #tpu.memory_space<hbm>> -> memref<128x128xf32, #tpu.memory_space<hbm>>
      tpu.enqueue_dma source(%arg10 : memref<128x128xf32, #tpu.memory_space<vmem>>) target(%dma_start3A_286 : memref<128x128xf32, #tpu.memory_space<hbm>>) target_semaphore(%arg22 : memref<!tpu.dma_semaphore, #tpu.memory_space<semaphore_mem>>)
      %mul3A_287 = arith.constant 6 : i32
      %mul3A_288 = arith.muli %mul3A_287, %while3A_181 : i32
      %add3A_289 = arith.constant 1 : i32
      %add3A_290 = arith.addi %mul3A_288, %add3A_289 : i32
      %dma_wait3A_291 = arith.constant 0 : i32
      %dma_wait3A_292 = tpu.memref_slice %arg8[%add3A_290, %dma_wait3A_291] : memref<48x128xi32, #tpu.memory_space<vmem>> -> memref<1x128xi32, #tpu.memory_space<vmem>>
      %dma_wait3A_293 = tpu.memref_squeeze %dma_wait3A_292 : memref<1x128xi32, #tpu.memory_space<vmem>> -> memref<128xi32, #tpu.memory_space<vmem>>
      %dma_wait3A_294 = arith.constant 0 : i32
      %dma_wait3A_295 = arith.constant 0 : i32
      %dma_wait3A_296 = tpu.memref_slice %arg2[%dma_wait3A_294, %dma_wait3A_295] : memref<78400x128xf32, #tpu.memory_space<hbm>> -> memref<78400x128xf32, #tpu.memory_space<hbm>>
      tpu.wait_indirect_dma semaphore(%arg17 : memref<!tpu.dma_semaphore, #tpu.memory_space<semaphore_mem>>) src(%dma_wait3A_296 : memref<78400x128xf32, #tpu.memory_space<hbm>>) dst(%arg11 : memref<128x128xf32, #tpu.memory_space<vmem>>)
      %add3A_297 = arith.addi %mul3A_8, %add3A_290 : i32
      %dma_start3A_298 = arith.constant 0 : i32
      %dma_start3A_299 = arith.constant 0 : i32
      %dma_start3A_300 = tpu.memref_slice %arg6[%add3A_297, %dma_start3A_298, %dma_start3A_299] : memref<1500x128x128xf32, #tpu.memory_space<hbm>> -> memref<1x128x128xf32, #tpu.memory_space<hbm>>
      %dma_start3A_301 = tpu.memref_squeeze %dma_start3A_300 : memref<1x128x128xf32, #tpu.memory_space<hbm>> -> memref<128x128xf32, #tpu.memory_space<hbm>>
      %dma_start3A_302 = arith.constant 0 : i32
      %dma_start3A_303 = arith.constant 0 : i32
      %dma_start3A_304 = tpu.memref_slice %arg6[%add3A_297, %dma_start3A_302, %dma_start3A_303] : memref<1500x128x128xf32, #tpu.memory_space<hbm>> -> memref<1x128x128xf32, #tpu.memory_space<hbm>>
      %dma_start3A_305 = tpu.memref_squeeze %dma_start3A_304 : memref<1x128x128xf32, #tpu.memory_space<hbm>> -> memref<128x128xf32, #tpu.memory_space<hbm>>
      tpu.enqueue_dma source(%arg11 : memref<128x128xf32, #tpu.memory_space<vmem>>) target(%dma_start3A_305 : memref<128x128xf32, #tpu.memory_space<hbm>>) target_semaphore(%arg23 : memref<!tpu.dma_semaphore, #tpu.memory_space<semaphore_mem>>)
      %mul3A_306 = arith.constant 6 : i32
      %mul3A_307 = arith.muli %mul3A_306, %while3A_181 : i32
      %add3A_308 = arith.constant 2 : i32
      %add3A_309 = arith.addi %mul3A_307, %add3A_308 : i32
      %dma_wait3A_310 = arith.constant 0 : i32
      %dma_wait3A_311 = tpu.memref_slice %arg8[%add3A_309, %dma_wait3A_310] : memref<48x128xi32, #tpu.memory_space<vmem>> -> memref<1x128xi32, #tpu.memory_space<vmem>>
      %dma_wait3A_312 = tpu.memref_squeeze %dma_wait3A_311 : memref<1x128xi32, #tpu.memory_space<vmem>> -> memref<128xi32, #tpu.memory_space<vmem>>
      %dma_wait3A_313 = arith.constant 0 : i32
      %dma_wait3A_314 = arith.constant 0 : i32
      %dma_wait3A_315 = tpu.memref_slice %arg2[%dma_wait3A_313, %dma_wait3A_314] : memref<78400x128xf32, #tpu.memory_space<hbm>> -> memref<78400x128xf32, #tpu.memory_space<hbm>>
      tpu.wait_indirect_dma semaphore(%arg18 : memref<!tpu.dma_semaphore, #tpu.memory_space<semaphore_mem>>) src(%dma_wait3A_315 : memref<78400x128xf32, #tpu.memory_space<hbm>>) dst(%arg12 : memref<128x128xf32, #tpu.memory_space<vmem>>)
      %add3A_316 = arith.addi %mul3A_8, %add3A_309 : i32
      %dma_start3A_317 = arith.constant 0 : i32
      %dma_start3A_318 = arith.constant 0 : i32
      %dma_start3A_319 = tpu.memref_slice %arg6[%add3A_316, %dma_start3A_317, %dma_start3A_318] : memref<1500x128x128xf32, #tpu.memory_space<hbm>> -> memref<1x128x128xf32, #tpu.memory_space<hbm>>
      %dma_start3A_320 = tpu.memref_squeeze %dma_start3A_319 : memref<1x128x128xf32, #tpu.memory_space<hbm>> -> memref<128x128xf32, #tpu.memory_space<hbm>>
      %dma_start3A_321 = arith.constant 0 : i32
      %dma_start3A_322 = arith.constant 0 : i32
      %dma_start3A_323 = tpu.memref_slice %arg6[%add3A_316, %dma_start3A_321, %dma_start3A_322] : memref<1500x128x128xf32, #tpu.memory_space<hbm>> -> memref<1x128x128xf32, #tpu.memory_space<hbm>>
      %dma_start3A_324 = tpu.memref_squeeze %dma_start3A_323 : memref<1x128x128xf32, #tpu.memory_space<hbm>> -> memref<128x128xf32, #tpu.memory_space<hbm>>
      tpu.enqueue_dma source(%arg12 : memref<128x128xf32, #tpu.memory_space<vmem>>) target(%dma_start3A_324 : memref<128x128xf32, #tpu.memory_space<hbm>>) target_semaphore(%arg24 : memref<!tpu.dma_semaphore, #tpu.memory_space<semaphore_mem>>)
      %mul3A_325 = arith.constant 6 : i32
      %mul3A_326 = arith.muli %mul3A_325, %while3A_181 : i32
      %add3A_327 = arith.constant 3 : i32
      %add3A_328 = arith.addi %mul3A_326, %add3A_327 : i32
      %dma_wait3A_329 = arith.constant 0 : i32
      %dma_wait3A_330 = tpu.memref_slice %arg8[%add3A_328, %dma_wait3A_329] : memref<48x128xi32, #tpu.memory_space<vmem>> -> memref<1x128xi32, #tpu.memory_space<vmem>>
      %dma_wait3A_331 = tpu.memref_squeeze %dma_wait3A_330 : memref<1x128xi32, #tpu.memory_space<vmem>> -> memref<128xi32, #tpu.memory_space<vmem>>
      %dma_wait3A_332 = arith.constant 0 : i32
      %dma_wait3A_333 = arith.constant 0 : i32
      %dma_wait3A_334 = tpu.memref_slice %arg2[%dma_wait3A_332, %dma_wait3A_333] : memref<78400x128xf32, #tpu.memory_space<hbm>> -> memref<78400x128xf32, #tpu.memory_space<hbm>>
      tpu.wait_indirect_dma semaphore(%arg19 : memref<!tpu.dma_semaphore, #tpu.memory_space<semaphore_mem>>) src(%dma_wait3A_334 : memref<78400x128xf32, #tpu.memory_space<hbm>>) dst(%arg13 : memref<128x128xf32, #tpu.memory_space<vmem>>)
      %add3A_335 = arith.addi %mul3A_8, %add3A_328 : i32
      %dma_start3A_336 = arith.constant 0 : i32
      %dma_start3A_337 = arith.constant 0 : i32
      %dma_start3A_338 = tpu.memref_slice %arg6[%add3A_335, %dma_start3A_336, %dma_start3A_337] : memref<1500x128x128xf32, #tpu.memory_space<hbm>> -> memref<1x128x128xf32, #tpu.memory_space<hbm>>
      %dma_start3A_339 = tpu.memref_squeeze %dma_start3A_338 : memref<1x128x128xf32, #tpu.memory_space<hbm>> -> memref<128x128xf32, #tpu.memory_space<hbm>>
      %dma_start3A_340 = arith.constant 0 : i32
      %dma_start3A_341 = arith.constant 0 : i32
      %dma_start3A_342 = tpu.memref_slice %arg6[%add3A_335, %dma_start3A_340, %dma_start3A_341] : memref<1500x128x128xf32, #tpu.memory_space<hbm>> -> memref<1x128x128xf32, #tpu.memory_space<hbm>>
      %dma_start3A_343 = tpu.memref_squeeze %dma_start3A_342 : memref<1x128x128xf32, #tpu.memory_space<hbm>> -> memref<128x128xf32, #tpu.memory_space<hbm>>
      tpu.enqueue_dma source(%arg13 : memref<128x128xf32, #tpu.memory_space<vmem>>) target(%dma_start3A_343 : memref<128x128xf32, #tpu.memory_space<hbm>>) target_semaphore(%arg25 : memref<!tpu.dma_semaphore, #tpu.memory_space<semaphore_mem>>)
      %mul3A_344 = arith.constant 6 : i32
      %mul3A_345 = arith.muli %mul3A_344, %while3A_181 : i32
      %add3A_346 = arith.constant 4 : i32
      %add3A_347 = arith.addi %mul3A_345, %add3A_346 : i32
      %dma_wait3A_348 = arith.constant 0 : i32
      %dma_wait3A_349 = tpu.memref_slice %arg8[%add3A_347, %dma_wait3A_348] : memref<48x128xi32, #tpu.memory_space<vmem>> -> memref<1x128xi32, #tpu.memory_space<vmem>>
      %dma_wait3A_350 = tpu.memref_squeeze %dma_wait3A_349 : memref<1x128xi32, #tpu.memory_space<vmem>> -> memref<128xi32, #tpu.memory_space<vmem>>
      %dma_wait3A_351 = arith.constant 0 : i32
      %dma_wait3A_352 = arith.constant 0 : i32
      %dma_wait3A_353 = tpu.memref_slice %arg2[%dma_wait3A_351, %dma_wait3A_352] : memref<78400x128xf32, #tpu.memory_space<hbm>> -> memref<78400x128xf32, #tpu.memory_space<hbm>>
      tpu.wait_indirect_dma semaphore(%arg20 : memref<!tpu.dma_semaphore, #tpu.memory_space<semaphore_mem>>) src(%dma_wait3A_353 : memref<78400x128xf32, #tpu.memory_space<hbm>>) dst(%arg14 : memref<128x128xf32, #tpu.memory_space<vmem>>)
      %add3A_354 = arith.addi %mul3A_8, %add3A_347 : i32
      %dma_start3A_355 = arith.constant 0 : i32
      %dma_start3A_356 = arith.constant 0 : i32
      %dma_start3A_357 = tpu.memref_slice %arg6[%add3A_354, %dma_start3A_355, %dma_start3A_356] : memref<1500x128x128xf32, #tpu.memory_space<hbm>> -> memref<1x128x128xf32, #tpu.memory_space<hbm>>
      %dma_start3A_358 = tpu.memref_squeeze %dma_start3A_357 : memref<1x128x128xf32, #tpu.memory_space<hbm>> -> memref<128x128xf32, #tpu.memory_space<hbm>>
      %dma_start3A_359 = arith.constant 0 : i32
      %dma_start3A_360 = arith.constant 0 : i32
      %dma_start3A_361 = tpu.memref_slice %arg6[%add3A_354, %dma_start3A_359, %dma_start3A_360] : memref<1500x128x128xf32, #tpu.memory_space<hbm>> -> memref<1x128x128xf32, #tpu.memory_space<hbm>>
      %dma_start3A_362 = tpu.memref_squeeze %dma_start3A_361 : memref<1x128x128xf32, #tpu.memory_space<hbm>> -> memref<128x128xf32, #tpu.memory_space<hbm>>
      tpu.enqueue_dma source(%arg14 : memref<128x128xf32, #tpu.memory_space<vmem>>) target(%dma_start3A_362 : memref<128x128xf32, #tpu.memory_space<hbm>>) target_semaphore(%arg26 : memref<!tpu.dma_semaphore, #tpu.memory_space<semaphore_mem>>)
      %mul3A_363 = arith.constant 6 : i32
      %mul3A_364 = arith.muli %mul3A_363, %while3A_181 : i32
      %add3A_365 = arith.constant 5 : i32
      %add3A_366 = arith.addi %mul3A_364, %add3A_365 : i32
      %dma_wait3A_367 = arith.constant 0 : i32
      %dma_wait3A_368 = tpu.memref_slice %arg8[%add3A_366, %dma_wait3A_367] : memref<48x128xi32, #tpu.memory_space<vmem>> -> memref<1x128xi32, #tpu.memory_space<vmem>>
      %dma_wait3A_369 = tpu.memref_squeeze %dma_wait3A_368 : memref<1x128xi32, #tpu.memory_space<vmem>> -> memref<128xi32, #tpu.memory_space<vmem>>
      %dma_wait3A_370 = arith.constant 0 : i32
      %dma_wait3A_371 = arith.constant 0 : i32
      %dma_wait3A_372 = tpu.memref_slice %arg2[%dma_wait3A_370, %dma_wait3A_371] : memref<78400x128xf32, #tpu.memory_space<hbm>> -> memref<78400x128xf32, #tpu.memory_space<hbm>>
      tpu.wait_indirect_dma semaphore(%arg21 : memref<!tpu.dma_semaphore, #tpu.memory_space<semaphore_mem>>) src(%dma_wait3A_372 : memref<78400x128xf32, #tpu.memory_space<hbm>>) dst(%arg15 : memref<128x128xf32, #tpu.memory_space<vmem>>)
      %add3A_373 = arith.addi %mul3A_8, %add3A_366 : i32
      %dma_start3A_374 = arith.constant 0 : i32
      %dma_start3A_375 = arith.constant 0 : i32
      %dma_start3A_376 = tpu.memref_slice %arg6[%add3A_373, %dma_start3A_374, %dma_start3A_375] : memref<1500x128x128xf32, #tpu.memory_space<hbm>> -> memref<1x128x128xf32, #tpu.memory_space<hbm>>
      %dma_start3A_377 = tpu.memref_squeeze %dma_start3A_376 : memref<1x128x128xf32, #tpu.memory_space<hbm>> -> memref<128x128xf32, #tpu.memory_space<hbm>>
      %dma_start3A_378 = arith.constant 0 : i32
      %dma_start3A_379 = arith.constant 0 : i32
      %dma_start3A_380 = tpu.memref_slice %arg6[%add3A_373, %dma_start3A_378, %dma_start3A_379] : memref<1500x128x128xf32, #tpu.memory_space<hbm>> -> memref<1x128x128xf32, #tpu.memory_space<hbm>>
      %dma_start3A_381 = tpu.memref_squeeze %dma_start3A_380 : memref<1x128x128xf32, #tpu.memory_space<hbm>> -> memref<128x128xf32, #tpu.memory_space<hbm>>
      tpu.enqueue_dma source(%arg15 : memref<128x128xf32, #tpu.memory_space<vmem>>) target(%dma_start3A_381 : memref<128x128xf32, #tpu.memory_space<hbm>>) target_semaphore(%arg27 : memref<!tpu.dma_semaphore, #tpu.memory_space<semaphore_mem>>)
    }
    %while3A_35 = arith.constant 1 : i32
    scf.for %while3A_181 = %while3A_33 to %while3A_29 step %while3A_35  : i32 {
      %mul3A_182 = arith.constant 6 : i32
      %mul3A_183 = arith.muli %mul3A_182, %while3A_181 : i32
      %add3A_184 = arith.constant 0 : i32
      %add3A_185 = arith.addi %mul3A_183, %add3A_184 : i32
      %gt3A = arith.constant 0 : i32
      %gt3A_186 = arith.cmpi sgt, %while3A_181, %gt3A : i32
      %convert_element_type3A = arith.extui %gt3A_186 : i1 to i32
      %cond3A = arith.constant 0 : i32
      %cond3A_187 = arith.cmpi ne, %convert_element_type3A, %cond3A : i32
      scf.if %cond3A_187 {
        %dma_wait3A_382 = arith.constant 0 : i32
        %dma_wait3A_383 = arith.constant 0 : i32
        %dma_wait3A_384 = tpu.memref_slice %arg6[%mul3A_8, %dma_wait3A_382, %dma_wait3A_383] : memref<1500x128x128xf32, #tpu.memory_space<hbm>> -> memref<1x128x128xf32, #tpu.memory_space<hbm>>
        %dma_wait3A_385 = tpu.memref_squeeze %dma_wait3A_384 : memref<1x128x128xf32, #tpu.memory_space<hbm>> -> memref<128x128xf32, #tpu.memory_space<hbm>>
        %dma_wait3A_386 = arith.constant 0 : i32
        %dma_wait3A_387 = arith.constant 0 : i32
        %dma_wait3A_388 = tpu.memref_slice %arg6[%mul3A_8, %dma_wait3A_386, %dma_wait3A_387] : memref<1500x128x128xf32, #tpu.memory_space<hbm>> -> memref<1x128x128xf32, #tpu.memory_space<hbm>>
        %dma_wait3A_389 = tpu.memref_squeeze %dma_wait3A_388 : memref<1x128x128xf32, #tpu.memory_space<hbm>> -> memref<128x128xf32, #tpu.memory_space<hbm>>
        tpu.wait_dma2 semaphore(%arg22 : memref<!tpu.dma_semaphore, #tpu.memory_space<semaphore_mem>>) src(%arg10 : memref<128x128xf32, #tpu.memory_space<vmem>>) dst(%dma_wait3A_389 : memref<128x128xf32, #tpu.memory_space<hbm>>)
      } else {
      }
      %dma_start3A = arith.constant 0 : i32
      %dma_start3A_188 = tpu.memref_slice %arg8[%add3A_185, %dma_start3A] : memref<48x128xi32, #tpu.memory_space<vmem>> -> memref<1x128xi32, #tpu.memory_space<vmem>>
      %dma_start3A_189 = tpu.memref_squeeze %dma_start3A_188 : memref<1x128xi32, #tpu.memory_space<vmem>> -> memref<128xi32, #tpu.memory_space<vmem>>
      %dma_start3A_190 = arith.constant 0 : i32
      %dma_start3A_191 = arith.constant 0 : i32
      %dma_start3A_192 = tpu.memref_slice %arg2[%dma_start3A_190, %dma_start3A_191] : memref<78400x128xf32, #tpu.memory_space<hbm>> -> memref<78400x128xf32, #tpu.memory_space<hbm>>
      tpu.enqueue_indirect_dma source(%dma_start3A_192 : memref<78400x128xf32, #tpu.memory_space<hbm>>) target(%arg10 : memref<128x128xf32, #tpu.memory_space<vmem>>) offsets(%dma_start3A_189 : memref<128xi32, #tpu.memory_space<vmem>>) semaphore(%arg16 : memref<!tpu.dma_semaphore, #tpu.memory_space<semaphore_mem>>)
      %mul3A_193 = arith.constant 6 : i32
      %mul3A_194 = arith.muli %mul3A_193, %while3A_181 : i32
      %add3A_195 = arith.constant 1 : i32
      %add3A_196 = arith.addi %mul3A_194, %add3A_195 : i32
      %gt3A_197 = arith.constant 0 : i32
      %gt3A_198 = arith.cmpi sgt, %while3A_181, %gt3A_197 : i32
      %convert_element_type3A_199 = arith.extui %gt3A_198 : i1 to i32
      %cond3A_200 = arith.constant 0 : i32
      %cond3A_201 = arith.cmpi ne, %convert_element_type3A_199, %cond3A_200 : i32
      scf.if %cond3A_201 {
        %dma_wait3A_382 = arith.constant 0 : i32
        %dma_wait3A_383 = arith.constant 0 : i32
        %dma_wait3A_384 = tpu.memref_slice %arg6[%mul3A_8, %dma_wait3A_382, %dma_wait3A_383] : memref<1500x128x128xf32, #tpu.memory_space<hbm>> -> memref<1x128x128xf32, #tpu.memory_space<hbm>>
        %dma_wait3A_385 = tpu.memref_squeeze %dma_wait3A_384 : memref<1x128x128xf32, #tpu.memory_space<hbm>> -> memref<128x128xf32, #tpu.memory_space<hbm>>
        %dma_wait3A_386 = arith.constant 0 : i32
        %dma_wait3A_387 = arith.constant 0 : i32
        %dma_wait3A_388 = tpu.memref_slice %arg6[%mul3A_8, %dma_wait3A_386, %dma_wait3A_387] : memref<1500x128x128xf32, #tpu.memory_space<hbm>> -> memref<1x128x128xf32, #tpu.memory_space<hbm>>
        %dma_wait3A_389 = tpu.memref_squeeze %dma_wait3A_388 : memref<1x128x128xf32, #tpu.memory_space<hbm>> -> memref<128x128xf32, #tpu.memory_space<hbm>>
        tpu.wait_dma2 semaphore(%arg23 : memref<!tpu.dma_semaphore, #tpu.memory_space<semaphore_mem>>) src(%arg11 : memref<128x128xf32, #tpu.memory_space<vmem>>) dst(%dma_wait3A_389 : memref<128x128xf32, #tpu.memory_space<hbm>>)
      } else {
      }
      %dma_start3A_202 = arith.constant 0 : i32
      %dma_start3A_203 = tpu.memref_slice %arg8[%add3A_196, %dma_start3A_202] : memref<48x128xi32, #tpu.memory_space<vmem>> -> memref<1x128xi32, #tpu.memory_space<vmem>>
      %dma_start3A_204 = tpu.memref_squeeze %dma_start3A_203 : memref<1x128xi32, #tpu.memory_space<vmem>> -> memref<128xi32, #tpu.memory_space<vmem>>
      %dma_start3A_205 = arith.constant 0 : i32
      %dma_start3A_206 = arith.constant 0 : i32
      %dma_start3A_207 = tpu.memref_slice %arg2[%dma_start3A_205, %dma_start3A_206] : memref<78400x128xf32, #tpu.memory_space<hbm>> -> memref<78400x128xf32, #tpu.memory_space<hbm>>
      tpu.enqueue_indirect_dma source(%dma_start3A_207 : memref<78400x128xf32, #tpu.memory_space<hbm>>) target(%arg11 : memref<128x128xf32, #tpu.memory_space<vmem>>) offsets(%dma_start3A_204 : memref<128xi32, #tpu.memory_space<vmem>>) semaphore(%arg17 : memref<!tpu.dma_semaphore, #tpu.memory_space<semaphore_mem>>)
      %mul3A_208 = arith.constant 6 : i32
      %mul3A_209 = arith.muli %mul3A_208, %while3A_181 : i32
      %add3A_210 = arith.constant 2 : i32
      %add3A_211 = arith.addi %mul3A_209, %add3A_210 : i32
      %gt3A_212 = arith.constant 0 : i32
      %gt3A_213 = arith.cmpi sgt, %while3A_181, %gt3A_212 : i32
      %convert_element_type3A_214 = arith.extui %gt3A_213 : i1 to i32
      %cond3A_215 = arith.constant 0 : i32
      %cond3A_216 = arith.cmpi ne, %convert_element_type3A_214, %cond3A_215 : i32
      scf.if %cond3A_216 {
        %dma_wait3A_382 = arith.constant 0 : i32
        %dma_wait3A_383 = arith.constant 0 : i32
        %dma_wait3A_384 = tpu.memref_slice %arg6[%mul3A_8, %dma_wait3A_382, %dma_wait3A_383] : memref<1500x128x128xf32, #tpu.memory_space<hbm>> -> memref<1x128x128xf32, #tpu.memory_space<hbm>>
        %dma_wait3A_385 = tpu.memref_squeeze %dma_wait3A_384 : memref<1x128x128xf32, #tpu.memory_space<hbm>> -> memref<128x128xf32, #tpu.memory_space<hbm>>
        %dma_wait3A_386 = arith.constant 0 : i32
        %dma_wait3A_387 = arith.constant 0 : i32
        %dma_wait3A_388 = tpu.memref_slice %arg6[%mul3A_8, %dma_wait3A_386, %dma_wait3A_387] : memref<1500x128x128xf32, #tpu.memory_space<hbm>> -> memref<1x128x128xf32, #tpu.memory_space<hbm>>
        %dma_wait3A_389 = tpu.memref_squeeze %dma_wait3A_388 : memref<1x128x128xf32, #tpu.memory_space<hbm>> -> memref<128x128xf32, #tpu.memory_space<hbm>>
        tpu.wait_dma2 semaphore(%arg24 : memref<!tpu.dma_semaphore, #tpu.memory_space<semaphore_mem>>) src(%arg12 : memref<128x128xf32, #tpu.memory_space<vmem>>) dst(%dma_wait3A_389 : memref<128x128xf32, #tpu.memory_space<hbm>>)
      } else {
      }
      %dma_start3A_217 = arith.constant 0 : i32
      %dma_start3A_218 = tpu.memref_slice %arg8[%add3A_211, %dma_start3A_217] : memref<48x128xi32, #tpu.memory_space<vmem>> -> memref<1x128xi32, #tpu.memory_space<vmem>>
      %dma_start3A_219 = tpu.memref_squeeze %dma_start3A_218 : memref<1x128xi32, #tpu.memory_space<vmem>> -> memref<128xi32, #tpu.memory_space<vmem>>
      %dma_start3A_220 = arith.constant 0 : i32
      %dma_start3A_221 = arith.constant 0 : i32
      %dma_start3A_222 = tpu.memref_slice %arg2[%dma_start3A_220, %dma_start3A_221] : memref<78400x128xf32, #tpu.memory_space<hbm>> -> memref<78400x128xf32, #tpu.memory_space<hbm>>
      tpu.enqueue_indirect_dma source(%dma_start3A_222 : memref<78400x128xf32, #tpu.memory_space<hbm>>) target(%arg12 : memref<128x128xf32, #tpu.memory_space<vmem>>) offsets(%dma_start3A_219 : memref<128xi32, #tpu.memory_space<vmem>>) semaphore(%arg18 : memref<!tpu.dma_semaphore, #tpu.memory_space<semaphore_mem>>)
      %mul3A_223 = arith.constant 6 : i32
      %mul3A_224 = arith.muli %mul3A_223, %while3A_181 : i32
      %add3A_225 = arith.constant 3 : i32
      %add3A_226 = arith.addi %mul3A_224, %add3A_225 : i32
      %gt3A_227 = arith.constant 0 : i32
      %gt3A_228 = arith.cmpi sgt, %while3A_181, %gt3A_227 : i32
      %convert_element_type3A_229 = arith.extui %gt3A_228 : i1 to i32
      %cond3A_230 = arith.constant 0 : i32
      %cond3A_231 = arith.cmpi ne, %convert_element_type3A_229, %cond3A_230 : i32
      scf.if %cond3A_231 {
        %dma_wait3A_382 = arith.constant 0 : i32
        %dma_wait3A_383 = arith.constant 0 : i32
        %dma_wait3A_384 = tpu.memref_slice %arg6[%mul3A_8, %dma_wait3A_382, %dma_wait3A_383] : memref<1500x128x128xf32, #tpu.memory_space<hbm>> -> memref<1x128x128xf32, #tpu.memory_space<hbm>>
        %dma_wait3A_385 = tpu.memref_squeeze %dma_wait3A_384 : memref<1x128x128xf32, #tpu.memory_space<hbm>> -> memref<128x128xf32, #tpu.memory_space<hbm>>
        %dma_wait3A_386 = arith.constant 0 : i32
        %dma_wait3A_387 = arith.constant 0 : i32
        %dma_wait3A_388 = tpu.memref_slice %arg6[%mul3A_8, %dma_wait3A_386, %dma_wait3A_387] : memref<1500x128x128xf32, #tpu.memory_space<hbm>> -> memref<1x128x128xf32, #tpu.memory_space<hbm>>
        %dma_wait3A_389 = tpu.memref_squeeze %dma_wait3A_388 : memref<1x128x128xf32, #tpu.memory_space<hbm>> -> memref<128x128xf32, #tpu.memory_space<hbm>>
        tpu.wait_dma2 semaphore(%arg25 : memref<!tpu.dma_semaphore, #tpu.memory_space<semaphore_mem>>) src(%arg13 : memref<128x128xf32, #tpu.memory_space<vmem>>) dst(%dma_wait3A_389 : memref<128x128xf32, #tpu.memory_space<hbm>>)
      } else {
      }
      %dma_start3A_232 = arith.constant 0 : i32
      %dma_start3A_233 = tpu.memref_slice %arg8[%add3A_226, %dma_start3A_232] : memref<48x128xi32, #tpu.memory_space<vmem>> -> memref<1x128xi32, #tpu.memory_space<vmem>>
      %dma_start3A_234 = tpu.memref_squeeze %dma_start3A_233 : memref<1x128xi32, #tpu.memory_space<vmem>> -> memref<128xi32, #tpu.memory_space<vmem>>
      %dma_start3A_235 = arith.constant 0 : i32
      %dma_start3A_236 = arith.constant 0 : i32
      %dma_start3A_237 = tpu.memref_slice %arg2[%dma_start3A_235, %dma_start3A_236] : memref<78400x128xf32, #tpu.memory_space<hbm>> -> memref<78400x128xf32, #tpu.memory_space<hbm>>
      tpu.enqueue_indirect_dma source(%dma_start3A_237 : memref<78400x128xf32, #tpu.memory_space<hbm>>) target(%arg13 : memref<128x128xf32, #tpu.memory_space<vmem>>) offsets(%dma_start3A_234 : memref<128xi32, #tpu.memory_space<vmem>>) semaphore(%arg19 : memref<!tpu.dma_semaphore, #tpu.memory_space<semaphore_mem>>)
      %mul3A_238 = arith.constant 6 : i32
      %mul3A_239 = arith.muli %mul3A_238, %while3A_181 : i32
      %add3A_240 = arith.constant 4 : i32
      %add3A_241 = arith.addi %mul3A_239, %add3A_240 : i32
      %gt3A_242 = arith.constant 0 : i32
      %gt3A_243 = arith.cmpi sgt, %while3A_181, %gt3A_242 : i32
      %convert_element_type3A_244 = arith.extui %gt3A_243 : i1 to i32
      %cond3A_245 = arith.constant 0 : i32
      %cond3A_246 = arith.cmpi ne, %convert_element_type3A_244, %cond3A_245 : i32
      scf.if %cond3A_246 {
        %dma_wait3A_382 = arith.constant 0 : i32
        %dma_wait3A_383 = arith.constant 0 : i32
        %dma_wait3A_384 = tpu.memref_slice %arg6[%mul3A_8, %dma_wait3A_382, %dma_wait3A_383] : memref<1500x128x128xf32, #tpu.memory_space<hbm>> -> memref<1x128x128xf32, #tpu.memory_space<hbm>>
        %dma_wait3A_385 = tpu.memref_squeeze %dma_wait3A_384 : memref<1x128x128xf32, #tpu.memory_space<hbm>> -> memref<128x128xf32, #tpu.memory_space<hbm>>
        %dma_wait3A_386 = arith.constant 0 : i32
        %dma_wait3A_387 = arith.constant 0 : i32
        %dma_wait3A_388 = tpu.memref_slice %arg6[%mul3A_8, %dma_wait3A_386, %dma_wait3A_387] : memref<1500x128x128xf32, #tpu.memory_space<hbm>> -> memref<1x128x128xf32, #tpu.memory_space<hbm>>
        %dma_wait3A_389 = tpu.memref_squeeze %dma_wait3A_388 : memref<1x128x128xf32, #tpu.memory_space<hbm>> -> memref<128x128xf32, #tpu.memory_space<hbm>>
        tpu.wait_dma2 semaphore(%arg26 : memref<!tpu.dma_semaphore, #tpu.memory_space<semaphore_mem>>) src(%arg14 : memref<128x128xf32, #tpu.memory_space<vmem>>) dst(%dma_wait3A_389 : memref<128x128xf32, #tpu.memory_space<hbm>>)
      } else {
      }
      %dma_start3A_247 = arith.constant 0 : i32
      %dma_start3A_248 = tpu.memref_slice %arg8[%add3A_241, %dma_start3A_247] : memref<48x128xi32, #tpu.memory_space<vmem>> -> memref<1x128xi32, #tpu.memory_space<vmem>>
      %dma_start3A_249 = tpu.memref_squeeze %dma_start3A_248 : memref<1x128xi32, #tpu.memory_space<vmem>> -> memref<128xi32, #tpu.memory_space<vmem>>
      %dma_start3A_250 = arith.constant 0 : i32
      %dma_start3A_251 = arith.constant 0 : i32
      %dma_start3A_252 = tpu.memref_slice %arg2[%dma_start3A_250, %dma_start3A_251] : memref<78400x128xf32, #tpu.memory_space<hbm>> -> memref<78400x128xf32, #tpu.memory_space<hbm>>
      tpu.enqueue_indirect_dma source(%dma_start3A_252 : memref<78400x128xf32, #tpu.memory_space<hbm>>) target(%arg14 : memref<128x128xf32, #tpu.memory_space<vmem>>) offsets(%dma_start3A_249 : memref<128xi32, #tpu.memory_space<vmem>>) semaphore(%arg20 : memref<!tpu.dma_semaphore, #tpu.memory_space<semaphore_mem>>)
      %mul3A_253 = arith.constant 6 : i32
      %mul3A_254 = arith.muli %mul3A_253, %while3A_181 : i32
      %add3A_255 = arith.constant 5 : i32
      %add3A_256 = arith.addi %mul3A_254, %add3A_255 : i32
      %gt3A_257 = arith.constant 0 : i32
      %gt3A_258 = arith.cmpi sgt, %while3A_181, %gt3A_257 : i32
      %convert_element_type3A_259 = arith.extui %gt3A_258 : i1 to i32
      %cond3A_260 = arith.constant 0 : i32
      %cond3A_261 = arith.cmpi ne, %convert_element_type3A_259, %cond3A_260 : i32
      scf.if %cond3A_261 {
        %dma_wait3A_382 = arith.constant 0 : i32
        %dma_wait3A_383 = arith.constant 0 : i32
        %dma_wait3A_384 = tpu.memref_slice %arg6[%mul3A_8, %dma_wait3A_382, %dma_wait3A_383] : memref<1500x128x128xf32, #tpu.memory_space<hbm>> -> memref<1x128x128xf32, #tpu.memory_space<hbm>>
        %dma_wait3A_385 = tpu.memref_squeeze %dma_wait3A_384 : memref<1x128x128xf32, #tpu.memory_space<hbm>> -> memref<128x128xf32, #tpu.memory_space<hbm>>
        %dma_wait3A_386 = arith.constant 0 : i32
        %dma_wait3A_387 = arith.constant 0 : i32
        %dma_wait3A_388 = tpu.memref_slice %arg6[%mul3A_8, %dma_wait3A_386, %dma_wait3A_387] : memref<1500x128x128xf32, #tpu.memory_space<hbm>> -> memref<1x128x128xf32, #tpu.memory_space<hbm>>
        %dma_wait3A_389 = tpu.memref_squeeze %dma_wait3A_388 : memref<1x128x128xf32, #tpu.memory_space<hbm>> -> memref<128x128xf32, #tpu.memory_space<hbm>>
        tpu.wait_dma2 semaphore(%arg27 : memref<!tpu.dma_semaphore, #tpu.memory_space<semaphore_mem>>) src(%arg15 : memref<128x128xf32, #tpu.memory_space<vmem>>) dst(%dma_wait3A_389 : memref<128x128xf32, #tpu.memory_space<hbm>>)
      } else {
      }
      %dma_start3A_262 = arith.constant 0 : i32
      %dma_start3A_263 = tpu.memref_slice %arg8[%add3A_256, %dma_start3A_262] : memref<48x128xi32, #tpu.memory_space<vmem>> -> memref<1x128xi32, #tpu.memory_space<vmem>>
      %dma_start3A_264 = tpu.memref_squeeze %dma_start3A_263 : memref<1x128xi32, #tpu.memory_space<vmem>> -> memref<128xi32, #tpu.memory_space<vmem>>
      %dma_start3A_265 = arith.constant 0 : i32
      %dma_start3A_266 = arith.constant 0 : i32
      %dma_start3A_267 = tpu.memref_slice %arg2[%dma_start3A_265, %dma_start3A_266] : memref<78400x128xf32, #tpu.memory_space<hbm>> -> memref<78400x128xf32, #tpu.memory_space<hbm>>
      tpu.enqueue_indirect_dma source(%dma_start3A_267 : memref<78400x128xf32, #tpu.memory_space<hbm>>) target(%arg15 : memref<128x128xf32, #tpu.memory_space<vmem>>) offsets(%dma_start3A_264 : memref<128xi32, #tpu.memory_space<vmem>>) semaphore(%arg21 : memref<!tpu.dma_semaphore, #tpu.memory_space<semaphore_mem>>)
      %mul3A_268 = arith.constant 6 : i32
      %mul3A_269 = arith.muli %mul3A_268, %while3A_181 : i32
      %add3A_270 = arith.constant 0 : i32
      %add3A_271 = arith.addi %mul3A_269, %add3A_270 : i32
      %dma_wait3A_272 = arith.constant 0 : i32
      %dma_wait3A_273 = tpu.memref_slice %arg8[%add3A_271, %dma_wait3A_272] : memref<48x128xi32, #tpu.memory_space<vmem>> -> memref<1x128xi32, #tpu.memory_space<vmem>>
      %dma_wait3A_274 = tpu.memref_squeeze %dma_wait3A_273 : memref<1x128xi32, #tpu.memory_space<vmem>> -> memref<128xi32, #tpu.memory_space<vmem>>
      %dma_wait3A_275 = arith.constant 0 : i32
      %dma_wait3A_276 = arith.constant 0 : i32
      %dma_wait3A_277 = tpu.memref_slice %arg2[%dma_wait3A_275, %dma_wait3A_276] : memref<78400x128xf32, #tpu.memory_space<hbm>> -> memref<78400x128xf32, #tpu.memory_space<hbm>>
      tpu.wait_indirect_dma semaphore(%arg16 : memref<!tpu.dma_semaphore, #tpu.memory_space<semaphore_mem>>) src(%dma_wait3A_277 : memref<78400x128xf32, #tpu.memory_space<hbm>>) dst(%arg10 : memref<128x128xf32, #tpu.memory_space<vmem>>)
      %add3A_278 = arith.addi %mul3A_8, %add3A_271 : i32
      %dma_start3A_279 = arith.constant 0 : i32
      %dma_start3A_280 = arith.constant 0 : i32
      %dma_start3A_281 = tpu.memref_slice %arg6[%add3A_278, %dma_start3A_279, %dma_start3A_280] : memref<1500x128x128xf32, #tpu.memory_space<hbm>> -> memref<1x128x128xf32, #tpu.memory_space<hbm>>
      %dma_start3A_282 = tpu.memref_squeeze %dma_start3A_281 : memref<1x128x128xf32, #tpu.memory_space<hbm>> -> memref<128x128xf32, #tpu.memory_space<hbm>>
      %dma_start3A_283 = arith.constant 0 : i32
      %dma_start3A_284 = arith.constant 0 : i32
      %dma_start3A_285 = tpu.memref_slice %arg6[%add3A_278, %dma_start3A_283, %dma_start3A_284] : memref<1500x128x128xf32, #tpu.memory_space<hbm>> -> memref<1x128x128xf32, #tpu.memory_space<hbm>>
      %dma_start3A_286 = tpu.memref_squeeze %dma_start3A_285 : memref<1x128x128xf32, #tpu.memory_space<hbm>> -> memref<128x128xf32, #tpu.memory_space<hbm>>
      tpu.enqueue_dma source(%arg10 : memref<128x128xf32, #tpu.memory_space<vmem>>) target(%dma_start3A_286 : memref<128x128xf32, #tpu.memory_space<hbm>>) target_semaphore(%arg22 : memref<!tpu.dma_semaphore, #tpu.memory_space<semaphore_mem>>)
      %mul3A_287 = arith.constant 6 : i32
      %mul3A_288 = arith.muli %mul3A_287, %while3A_181 : i32
      %add3A_289 = arith.constant 1 : i32
      %add3A_290 = arith.addi %mul3A_288, %add3A_289 : i32
      %dma_wait3A_291 = arith.constant 0 : i32
      %dma_wait3A_292 = tpu.memref_slice %arg8[%add3A_290, %dma_wait3A_291] : memref<48x128xi32, #tpu.memory_space<vmem>> -> memref<1x128xi32, #tpu.memory_space<vmem>>
      %dma_wait3A_293 = tpu.memref_squeeze %dma_wait3A_292 : memref<1x128xi32, #tpu.memory_space<vmem>> -> memref<128xi32, #tpu.memory_space<vmem>>
      %dma_wait3A_294 = arith.constant 0 : i32
      %dma_wait3A_295 = arith.constant 0 : i32
      %dma_wait3A_296 = tpu.memref_slice %arg2[%dma_wait3A_294, %dma_wait3A_295] : memref<78400x128xf32, #tpu.memory_space<hbm>> -> memref<78400x128xf32, #tpu.memory_space<hbm>>
      tpu.wait_indirect_dma semaphore(%arg17 : memref<!tpu.dma_semaphore, #tpu.memory_space<semaphore_mem>>) src(%dma_wait3A_296 : memref<78400x128xf32, #tpu.memory_space<hbm>>) dst(%arg11 : memref<128x128xf32, #tpu.memory_space<vmem>>)
      %add3A_297 = arith.addi %mul3A_8, %add3A_290 : i32
      %dma_start3A_298 = arith.constant 0 : i32
      %dma_start3A_299 = arith.constant 0 : i32
      %dma_start3A_300 = tpu.memref_slice %arg6[%add3A_297, %dma_start3A_298, %dma_start3A_299] : memref<1500x128x128xf32, #tpu.memory_space<hbm>> -> memref<1x128x128xf32, #tpu.memory_space<hbm>>
      %dma_start3A_301 = tpu.memref_squeeze %dma_start3A_300 : memref<1x128x128xf32, #tpu.memory_space<hbm>> -> memref<128x128xf32, #tpu.memory_space<hbm>>
      %dma_start3A_302 = arith.constant 0 : i32
      %dma_start3A_303 = arith.constant 0 : i32
      %dma_start3A_304 = tpu.memref_slice %arg6[%add3A_297, %dma_start3A_302, %dma_start3A_303] : memref<1500x128x128xf32, #tpu.memory_space<hbm>> -> memref<1x128x128xf32, #tpu.memory_space<hbm>>
      %dma_start3A_305 = tpu.memref_squeeze %dma_start3A_304 : memref<1x128x128xf32, #tpu.memory_space<hbm>> -> memref<128x128xf32, #tpu.memory_space<hbm>>
      tpu.enqueue_dma source(%arg11 : memref<128x128xf32, #tpu.memory_space<vmem>>) target(%dma_start3A_305 : memref<128x128xf32, #tpu.memory_space<hbm>>) target_semaphore(%arg23 : memref<!tpu.dma_semaphore, #tpu.memory_space<semaphore_mem>>)
      %mul3A_306 = arith.constant 6 : i32
      %mul3A_307 = arith.muli %mul3A_306, %while3A_181 : i32
      %add3A_308 = arith.constant 2 : i32
      %add3A_309 = arith.addi %mul3A_307, %add3A_308 : i32
      %dma_wait3A_310 = arith.constant 0 : i32
      %dma_wait3A_311 = tpu.memref_slice %arg8[%add3A_309, %dma_wait3A_310] : memref<48x128xi32, #tpu.memory_space<vmem>> -> memref<1x128xi32, #tpu.memory_space<vmem>>
      %dma_wait3A_312 = tpu.memref_squeeze %dma_wait3A_311 : memref<1x128xi32, #tpu.memory_space<vmem>> -> memref<128xi32, #tpu.memory_space<vmem>>
      %dma_wait3A_313 = arith.constant 0 : i32
      %dma_wait3A_314 = arith.constant 0 : i32
      %dma_wait3A_315 = tpu.memref_slice %arg2[%dma_wait3A_313, %dma_wait3A_314] : memref<78400x128xf32, #tpu.memory_space<hbm>> -> memref<78400x128xf32, #tpu.memory_space<hbm>>
      tpu.wait_indirect_dma semaphore(%arg18 : memref<!tpu.dma_semaphore, #tpu.memory_space<semaphore_mem>>) src(%dma_wait3A_315 : memref<78400x128xf32, #tpu.memory_space<hbm>>) dst(%arg12 : memref<128x128xf32, #tpu.memory_space<vmem>>)
      %add3A_316 = arith.addi %mul3A_8, %add3A_309 : i32
      %dma_start3A_317 = arith.constant 0 : i32
      %dma_start3A_318 = arith.constant 0 : i32
      %dma_start3A_319 = tpu.memref_slice %arg6[%add3A_316, %dma_start3A_317, %dma_start3A_318] : memref<1500x128x128xf32, #tpu.memory_space<hbm>> -> memref<1x128x128xf32, #tpu.memory_space<hbm>>
      %dma_start3A_320 = tpu.memref_squeeze %dma_start3A_319 : memref<1x128x128xf32, #tpu.memory_space<hbm>> -> memref<128x128xf32, #tpu.memory_space<hbm>>
      %dma_start3A_321 = arith.constant 0 : i32
      %dma_start3A_322 = arith.constant 0 : i32
      %dma_start3A_323 = tpu.memref_slice %arg6[%add3A_316, %dma_start3A_321, %dma_start3A_322] : memref<1500x128x128xf32, #tpu.memory_space<hbm>> -> memref<1x128x128xf32, #tpu.memory_space<hbm>>
      %dma_start3A_324 = tpu.memref_squeeze %dma_start3A_323 : memref<1x128x128xf32, #tpu.memory_space<hbm>> -> memref<128x128xf32, #tpu.memory_space<hbm>>
      tpu.enqueue_dma source(%arg12 : memref<128x128xf32, #tpu.memory_space<vmem>>) target(%dma_start3A_324 : memref<128x128xf32, #tpu.memory_space<hbm>>) target_semaphore(%arg24 : memref<!tpu.dma_semaphore, #tpu.memory_space<semaphore_mem>>)
      %mul3A_325 = arith.constant 6 : i32
      %mul3A_326 = arith.muli %mul3A_325, %while3A_181 : i32
      %add3A_327 = arith.constant 3 : i32
      %add3A_328 = arith.addi %mul3A_326, %add3A_327 : i32
      %dma_wait3A_329 = arith.constant 0 : i32
      %dma_wait3A_330 = tpu.memref_slice %arg8[%add3A_328, %dma_wait3A_329] : memref<48x128xi32, #tpu.memory_space<vmem>> -> memref<1x128xi32, #tpu.memory_space<vmem>>
      %dma_wait3A_331 = tpu.memref_squeeze %dma_wait3A_330 : memref<1x128xi32, #tpu.memory_space<vmem>> -> memref<128xi32, #tpu.memory_space<vmem>>
      %dma_wait3A_332 = arith.constant 0 : i32
      %dma_wait3A_333 = arith.constant 0 : i32
      %dma_wait3A_334 = tpu.memref_slice %arg2[%dma_wait3A_332, %dma_wait3A_333] : memref<78400x128xf32, #tpu.memory_space<hbm>> -> memref<78400x128xf32, #tpu.memory_space<hbm>>
      tpu.wait_indirect_dma semaphore(%arg19 : memref<!tpu.dma_semaphore, #tpu.memory_space<semaphore_mem>>) src(%dma_wait3A_334 : memref<78400x128xf32, #tpu.memory_space<hbm>>) dst(%arg13 : memref<128x128xf32, #tpu.memory_space<vmem>>)
      %add3A_335 = arith.addi %mul3A_8, %add3A_328 : i32
      %dma_start3A_336 = arith.constant 0 : i32
      %dma_start3A_337 = arith.constant 0 : i32
      %dma_start3A_338 = tpu.memref_slice %arg6[%add3A_335, %dma_start3A_336, %dma_start3A_337] : memref<1500x128x128xf32, #tpu.memory_space<hbm>> -> memref<1x128x128xf32, #tpu.memory_space<hbm>>
      %dma_start3A_339 = tpu.memref_squeeze %dma_start3A_338 : memref<1x128x128xf32, #tpu.memory_space<hbm>> -> memref<128x128xf32, #tpu.memory_space<hbm>>
      %dma_start3A_340 = arith.constant 0 : i32
      %dma_start3A_341 = arith.constant 0 : i32
      %dma_start3A_342 = tpu.memref_slice %arg6[%add3A_335, %dma_start3A_340, %dma_start3A_341] : memref<1500x128x128xf32, #tpu.memory_space<hbm>> -> memref<1x128x128xf32, #tpu.memory_space<hbm>>
      %dma_start3A_343 = tpu.memref_squeeze %dma_start3A_342 : memref<1x128x128xf32, #tpu.memory_space<hbm>> -> memref<128x128xf32, #tpu.memory_space<hbm>>
      tpu.enqueue_dma source(%arg13 : memref<128x128xf32, #tpu.memory_space<vmem>>) target(%dma_start3A_343 : memref<128x128xf32, #tpu.memory_space<hbm>>) target_semaphore(%arg25 : memref<!tpu.dma_semaphore, #tpu.memory_space<semaphore_mem>>)
      %mul3A_344 = arith.constant 6 : i32
      %mul3A_345 = arith.muli %mul3A_344, %while3A_181 : i32
      %add3A_346 = arith.constant 4 : i32
      %add3A_347 = arith.addi %mul3A_345, %add3A_346 : i32
      %dma_wait3A_348 = arith.constant 0 : i32
      %dma_wait3A_349 = tpu.memref_slice %arg8[%add3A_347, %dma_wait3A_348] : memref<48x128xi32, #tpu.memory_space<vmem>> -> memref<1x128xi32, #tpu.memory_space<vmem>>
      %dma_wait3A_350 = tpu.memref_squeeze %dma_wait3A_349 : memref<1x128xi32, #tpu.memory_space<vmem>> -> memref<128xi32, #tpu.memory_space<vmem>>
      %dma_wait3A_351 = arith.constant 0 : i32
      %dma_wait3A_352 = arith.constant 0 : i32
      %dma_wait3A_353 = tpu.memref_slice %arg2[%dma_wait3A_351, %dma_wait3A_352] : memref<78400x128xf32, #tpu.memory_space<hbm>> -> memref<78400x128xf32, #tpu.memory_space<hbm>>
      tpu.wait_indirect_dma semaphore(%arg20 : memref<!tpu.dma_semaphore, #tpu.memory_space<semaphore_mem>>) src(%dma_wait3A_353 : memref<78400x128xf32, #tpu.memory_space<hbm>>) dst(%arg14 : memref<128x128xf32, #tpu.memory_space<vmem>>)
      %add3A_354 = arith.addi %mul3A_8, %add3A_347 : i32
      %dma_start3A_355 = arith.constant 0 : i32
      %dma_start3A_356 = arith.constant 0 : i32
      %dma_start3A_357 = tpu.memref_slice %arg6[%add3A_354, %dma_start3A_355, %dma_start3A_356] : memref<1500x128x128xf32, #tpu.memory_space<hbm>> -> memref<1x128x128xf32, #tpu.memory_space<hbm>>
      %dma_start3A_358 = tpu.memref_squeeze %dma_start3A_357 : memref<1x128x128xf32, #tpu.memory_space<hbm>> -> memref<128x128xf32, #tpu.memory_space<hbm>>
      %dma_start3A_359 = arith.constant 0 : i32
      %dma_start3A_360 = arith.constant 0 : i32
      %dma_start3A_361 = tpu.memref_slice %arg6[%add3A_354, %dma_start3A_359, %dma_start3A_360] : memref<1500x128x128xf32, #tpu.memory_space<hbm>> -> memref<1x128x128xf32, #tpu.memory_space<hbm>>
      %dma_start3A_362 = tpu.memref_squeeze %dma_start3A_361 : memref<1x128x128xf32, #tpu.memory_space<hbm>> -> memref<128x128xf32, #tpu.memory_space<hbm>>
      tpu.enqueue_dma source(%arg14 : memref<128x128xf32, #tpu.memory_space<vmem>>) target(%dma_start3A_362 : memref<128x128xf32, #tpu.memory_space<hbm>>) target_semaphore(%arg26 : memref<!tpu.dma_semaphore, #tpu.memory_space<semaphore_mem>>)
      %mul3A_363 = arith.constant 6 : i32
      %mul3A_364 = arith.muli %mul3A_363, %while3A_181 : i32
      %add3A_365 = arith.constant 5 : i32
      %add3A_366 = arith.addi %mul3A_364, %add3A_365 : i32
      %dma_wait3A_367 = arith.constant 0 : i32
      %dma_wait3A_368 = tpu.memref_slice %arg8[%add3A_366, %dma_wait3A_367] : memref<48x128xi32, #tpu.memory_space<vmem>> -> memref<1x128xi32, #tpu.memory_space<vmem>>
      %dma_wait3A_369 = tpu.memref_squeeze %dma_wait3A_368 : memref<1x128xi32, #tpu.memory_space<vmem>> -> memref<128xi32, #tpu.memory_space<vmem>>
      %dma_wait3A_370 = arith.constant 0 : i32
      %dma_wait3A_371 = arith.constant 0 : i32
      %dma_wait3A_372 = tpu.memref_slice %arg2[%dma_wait3A_370, %dma_wait3A_371] : memref<78400x128xf32, #tpu.memory_space<hbm>> -> memref<78400x128xf32, #tpu.memory_space<hbm>>
      tpu.wait_indirect_dma semaphore(%arg21 : memref<!tpu.dma_semaphore, #tpu.memory_space<semaphore_mem>>) src(%dma_wait3A_372 : memref<78400x128xf32, #tpu.memory_space<hbm>>) dst(%arg15 : memref<128x128xf32, #tpu.memory_space<vmem>>)
      %add3A_373 = arith.addi %mul3A_8, %add3A_366 : i32
      %dma_start3A_374 = arith.constant 0 : i32
      %dma_start3A_375 = arith.constant 0 : i32
      %dma_start3A_376 = tpu.memref_slice %arg6[%add3A_373, %dma_start3A_374, %dma_start3A_375] : memref<1500x128x128xf32, #tpu.memory_space<hbm>> -> memref<1x128x128xf32, #tpu.memory_space<hbm>>
      %dma_start3A_377 = tpu.memref_squeeze %dma_start3A_376 : memref<1x128x128xf32, #tpu.memory_space<hbm>> -> memref<128x128xf32, #tpu.memory_space<hbm>>
      %dma_start3A_378 = arith.constant 0 : i32
      %dma_start3A_379 = arith.constant 0 : i32
      %dma_start3A_380 = tpu.memref_slice %arg6[%add3A_373, %dma_start3A_378, %dma_start3A_379] : memref<1500x128x128xf32, #tpu.memory_space<hbm>> -> memref<1x128x128xf32, #tpu.memory_space<hbm>>
      %dma_start3A_381 = tpu.memref_squeeze %dma_start3A_380 : memref<1x128x128xf32, #tpu.memory_space<hbm>> -> memref<128x128xf32, #tpu.memory_space<hbm>>
      tpu.enqueue_dma source(%arg15 : memref<128x128xf32, #tpu.memory_space<vmem>>) target(%dma_start3A_381 : memref<128x128xf32, #tpu.memory_space<hbm>>) target_semaphore(%arg27 : memref<!tpu.dma_semaphore, #tpu.memory_space<semaphore_mem>>)
    }
    %dma_wait3A = arith.constant 0 : i32
    %dma_wait3A_36 = arith.constant 0 : i32
    %dma_wait3A_37 = tpu.memref_slice %arg6[%mul3A_8, %dma_wait3A, %dma_wait3A_36] : memref<1500x128x128xf32, #tpu.memory_space<hbm>> -> memref<1x128x128xf32, #tpu.memory_space<hbm>>
    %dma_wait3A_38 = tpu.memref_squeeze %dma_wait3A_37 : memref<1x128x128xf32, #tpu.memory_space<hbm>> -> memref<128x128xf32, #tpu.memory_space<hbm>>
    %dma_wait3A_39 = arith.constant 0 : i32
    %dma_wait3A_40 = arith.constant 0 : i32
    %dma_wait3A_41 = tpu.memref_slice %arg6[%mul3A_8, %dma_wait3A_39, %dma_wait3A_40] : memref<1500x128x128xf32, #tpu.memory_space<hbm>> -> memref<1x128x128xf32, #tpu.memory_space<hbm>>
    %dma_wait3A_42 = tpu.memref_squeeze %dma_wait3A_41 : memref<1x128x128xf32, #tpu.memory_space<hbm>> -> memref<128x128xf32, #tpu.memory_space<hbm>>
    tpu.wait_dma2 semaphore(%arg22 : memref<!tpu.dma_semaphore, #tpu.memory_space<semaphore_mem>>) src(%arg10 : memref<128x128xf32, #tpu.memory_space<vmem>>) dst(%dma_wait3A_42 : memref<128x128xf32, #tpu.memory_space<hbm>>)
    %dma_wait3A_43 = arith.constant 0 : i32
    %dma_wait3A_44 = arith.constant 0 : i32
    %dma_wait3A_45 = tpu.memref_slice %arg6[%mul3A_8, %dma_wait3A_43, %dma_wait3A_44] : memref<1500x128x128xf32, #tpu.memory_space<hbm>> -> memref<1x128x128xf32, #tpu.memory_space<hbm>>
    %dma_wait3A_46 = tpu.memref_squeeze %dma_wait3A_45 : memref<1x128x128xf32, #tpu.memory_space<hbm>> -> memref<128x128xf32, #tpu.memory_space<hbm>>
    %dma_wait3A_47 = arith.constant 0 : i32
    %dma_wait3A_48 = arith.constant 0 : i32
    %dma_wait3A_49 = tpu.memref_slice %arg6[%mul3A_8, %dma_wait3A_47, %dma_wait3A_48] : memref<1500x128x128xf32, #tpu.memory_space<hbm>> -> memref<1x128x128xf32, #tpu.memory_space<hbm>>
    %dma_wait3A_50 = tpu.memref_squeeze %dma_wait3A_49 : memref<1x128x128xf32, #tpu.memory_space<hbm>> -> memref<128x128xf32, #tpu.memory_space<hbm>>
    tpu.wait_dma2 semaphore(%arg23 : memref<!tpu.dma_semaphore, #tpu.memory_space<semaphore_mem>>) src(%arg11 : memref<128x128xf32, #tpu.memory_space<vmem>>) dst(%dma_wait3A_50 : memref<128x128xf32, #tpu.memory_space<hbm>>)
    %dma_wait3A_51 = arith.constant 0 : i32
    %dma_wait3A_52 = arith.constant 0 : i32
    %dma_wait3A_53 = tpu.memref_slice %arg6[%mul3A_8, %dma_wait3A_51, %dma_wait3A_52] : memref<1500x128x128xf32, #tpu.memory_space<hbm>> -> memref<1x128x128xf32, #tpu.memory_space<hbm>>
    %dma_wait3A_54 = tpu.memref_squeeze %dma_wait3A_53 : memref<1x128x128xf32, #tpu.memory_space<hbm>> -> memref<128x128xf32, #tpu.memory_space<hbm>>
    %dma_wait3A_55 = arith.constant 0 : i32
    %dma_wait3A_56 = arith.constant 0 : i32
    %dma_wait3A_57 = tpu.memref_slice %arg6[%mul3A_8, %dma_wait3A_55, %dma_wait3A_56] : memref<1500x128x128xf32, #tpu.memory_space<hbm>> -> memref<1x128x128xf32, #tpu.memory_space<hbm>>
    %dma_wait3A_58 = tpu.memref_squeeze %dma_wait3A_57 : memref<1x128x128xf32, #tpu.memory_space<hbm>> -> memref<128x128xf32, #tpu.memory_space<hbm>>
    tpu.wait_dma2 semaphore(%arg24 : memref<!tpu.dma_semaphore, #tpu.memory_space<semaphore_mem>>) src(%arg12 : memref<128x128xf32, #tpu.memory_space<vmem>>) dst(%dma_wait3A_58 : memref<128x128xf32, #tpu.memory_space<hbm>>)
    %dma_wait3A_59 = arith.constant 0 : i32
    %dma_wait3A_60 = arith.constant 0 : i32
    %dma_wait3A_61 = tpu.memref_slice %arg6[%mul3A_8, %dma_wait3A_59, %dma_wait3A_60] : memref<1500x128x128xf32, #tpu.memory_space<hbm>> -> memref<1x128x128xf32, #tpu.memory_space<hbm>>
    %dma_wait3A_62 = tpu.memref_squeeze %dma_wait3A_61 : memref<1x128x128xf32, #tpu.memory_space<hbm>> -> memref<128x128xf32, #tpu.memory_space<hbm>>
    %dma_wait3A_63 = arith.constant 0 : i32
    %dma_wait3A_64 = arith.constant 0 : i32
    %dma_wait3A_65 = tpu.memref_slice %arg6[%mul3A_8, %dma_wait3A_63, %dma_wait3A_64] : memref<1500x128x128xf32, #tpu.memory_space<hbm>> -> memref<1x128x128xf32, #tpu.memory_space<hbm>>
    %dma_wait3A_66 = tpu.memref_squeeze %dma_wait3A_65 : memref<1x128x128xf32, #tpu.memory_space<hbm>> -> memref<128x128xf32, #tpu.memory_space<hbm>>
    tpu.wait_dma2 semaphore(%arg25 : memref<!tpu.dma_semaphore, #tpu.memory_space<semaphore_mem>>) src(%arg13 : memref<128x128xf32, #tpu.memory_space<vmem>>) dst(%dma_wait3A_66 : memref<128x128xf32, #tpu.memory_space<hbm>>)
    %dma_wait3A_67 = arith.constant 0 : i32
    %dma_wait3A_68 = arith.constant 0 : i32
    %dma_wait3A_69 = tpu.memref_slice %arg6[%mul3A_8, %dma_wait3A_67, %dma_wait3A_68] : memref<1500x128x128xf32, #tpu.memory_space<hbm>> -> memref<1x128x128xf32, #tpu.memory_space<hbm>>
    %dma_wait3A_70 = tpu.memref_squeeze %dma_wait3A_69 : memref<1x128x128xf32, #tpu.memory_space<hbm>> -> memref<128x128xf32, #tpu.memory_space<hbm>>
    %dma_wait3A_71 = arith.constant 0 : i32
    %dma_wait3A_72 = arith.constant 0 : i32
    %dma_wait3A_73 = tpu.memref_slice %arg6[%mul3A_8, %dma_wait3A_71, %dma_wait3A_72] : memref<1500x128x128xf32, #tpu.memory_space<hbm>> -> memref<1x128x128xf32, #tpu.memory_space<hbm>>
    %dma_wait3A_74 = tpu.memref_squeeze %dma_wait3A_73 : memref<1x128x128xf32, #tpu.memory_space<hbm>> -> memref<128x128xf32, #tpu.memory_space<hbm>>
    tpu.wait_dma2 semaphore(%arg26 : memref<!tpu.dma_semaphore, #tpu.memory_space<semaphore_mem>>) src(%arg14 : memref<128x128xf32, #tpu.memory_space<vmem>>) dst(%dma_wait3A_74 : memref<128x128xf32, #tpu.memory_space<hbm>>)
    %dma_wait3A_75 = arith.constant 0 : i32
    %dma_wait3A_76 = arith.constant 0 : i32
    %dma_wait3A_77 = tpu.memref_slice %arg6[%mul3A_8, %dma_wait3A_75, %dma_wait3A_76] : memref<1500x128x128xf32, #tpu.memory_space<hbm>> -> memref<1x128x128xf32, #tpu.memory_space<hbm>>
    %dma_wait3A_78 = tpu.memref_squeeze %dma_wait3A_77 : memref<1x128x128xf32, #tpu.memory_space<hbm>> -> memref<128x128xf32, #tpu.memory_space<hbm>>
    %dma_wait3A_79 = arith.constant 0 : i32
    %dma_wait3A_80 = arith.constant 0 : i32
    %dma_wait3A_81 = tpu.memref_slice %arg6[%mul3A_8, %dma_wait3A_79, %dma_wait3A_80] : memref<1500x128x128xf32, #tpu.memory_space<hbm>> -> memref<1x128x128xf32, #tpu.memory_space<hbm>>
    %dma_wait3A_82 = tpu.memref_squeeze %dma_wait3A_81 : memref<1x128x128xf32, #tpu.memory_space<hbm>> -> memref<128x128xf32, #tpu.memory_space<hbm>>
    tpu.wait_dma2 semaphore(%arg27 : memref<!tpu.dma_semaphore, #tpu.memory_space<semaphore_mem>>) src(%arg15 : memref<128x128xf32, #tpu.memory_space<vmem>>) dst(%dma_wait3A_82 : memref<128x128xf32, #tpu.memory_space<hbm>>)
    %scan3A = arith.constant 0 : i32
    %scan3A_83 = arith.constant 0 : i32
    %scan3A_84 = arith.constant 5 : i32
    %scan3A_85 = arith.addi %scan3A_83, %scan3A_84 : i32
    %scan3A_86 = arith.constant 1 : i32
    scf.for %scan3A_181 = %scan3A_83 to %scan3A_85 step %scan3A_86  : i32 {
      %mul3A_182 = arith.constant 6 : i32
      %mul3A_183 = arith.muli %mul3A_182, %select_n3A_26 : i32
      %add3A_184 = arith.addi %mul3A_183, %scan3A_181 : i32
      %lt3A = arith.cmpi slt, %add3A_184, %select_n3A : i32
      %convert_element_type3A = arith.extui %lt3A : i1 to i32
      %cond3A = arith.constant 0 : i32
      %cond3A_185 = arith.cmpi ne, %convert_element_type3A, %cond3A : i32
      scf.if %cond3A_185 {
        %dma_start3A = arith.constant 0 : i32
        %dma_start3A_186 = tpu.memref_slice %arg8[%add3A_184, %dma_start3A] : memref<48x128xi32, #tpu.memory_space<vmem>> -> memref<1x128xi32, #tpu.memory_space<vmem>>
        %dma_start3A_187 = tpu.memref_squeeze %dma_start3A_186 : memref<1x128xi32, #tpu.memory_space<vmem>> -> memref<128xi32, #tpu.memory_space<vmem>>
        %dma_start3A_188 = arith.constant 0 : i32
        %dma_start3A_189 = arith.constant 0 : i32
        %dma_start3A_190 = tpu.memref_slice %arg2[%dma_start3A_188, %dma_start3A_189] : memref<78400x128xf32, #tpu.memory_space<hbm>> -> memref<78400x128xf32, #tpu.memory_space<hbm>>
        tpu.enqueue_indirect_dma source(%dma_start3A_190 : memref<78400x128xf32, #tpu.memory_space<hbm>>) target(%arg10 : memref<128x128xf32, #tpu.memory_space<vmem>>) offsets(%dma_start3A_187 : memref<128xi32, #tpu.memory_space<vmem>>) semaphore(%arg16 : memref<!tpu.dma_semaphore, #tpu.memory_space<semaphore_mem>>)
        %dma_wait3A_191 = arith.constant 0 : i32
        %dma_wait3A_192 = tpu.memref_slice %arg8[%add3A_184, %dma_wait3A_191] : memref<48x128xi32, #tpu.memory_space<vmem>> -> memref<1x128xi32, #tpu.memory_space<vmem>>
        %dma_wait3A_193 = tpu.memref_squeeze %dma_wait3A_192 : memref<1x128xi32, #tpu.memory_space<vmem>> -> memref<128xi32, #tpu.memory_space<vmem>>
        %dma_wait3A_194 = arith.constant 0 : i32
        %dma_wait3A_195 = arith.constant 0 : i32
        %dma_wait3A_196 = tpu.memref_slice %arg2[%dma_wait3A_194, %dma_wait3A_195] : memref<78400x128xf32, #tpu.memory_space<hbm>> -> memref<78400x128xf32, #tpu.memory_space<hbm>>
        tpu.wait_indirect_dma semaphore(%arg16 : memref<!tpu.dma_semaphore, #tpu.memory_space<semaphore_mem>>) src(%dma_wait3A_196 : memref<78400x128xf32, #tpu.memory_space<hbm>>) dst(%arg10 : memref<128x128xf32, #tpu.memory_space<vmem>>)
        %add3A_197 = arith.addi %mul3A_8, %add3A_184 : i32
        "tpu.region"() ({
          %run_scoped3A = tpu.sem_alloc : memref<!tpu.dma_semaphore, #tpu.memory_space<semaphore_mem>>
          %dma_start3A_198 = arith.constant 0 : i32
          %dma_start3A_199 = arith.constant 0 : i32
          %dma_start3A_200 = tpu.memref_slice %arg6[%add3A_197, %dma_start3A_198, %dma_start3A_199] : memref<1500x128x128xf32, #tpu.memory_space<hbm>> -> memref<1x128x128xf32, #tpu.memory_space<hbm>>
          %dma_start3A_201 = tpu.memref_squeeze %dma_start3A_200 : memref<1x128x128xf32, #tpu.memory_space<hbm>> -> memref<128x128xf32, #tpu.memory_space<hbm>>
          %dma_start3A_202 = arith.constant 0 : i32
          %dma_start3A_203 = arith.constant 0 : i32
          %dma_start3A_204 = tpu.memref_slice %arg6[%add3A_197, %dma_start3A_202, %dma_start3A_203] : memref<1500x128x128xf32, #tpu.memory_space<hbm>> -> memref<1x128x128xf32, #tpu.memory_space<hbm>>
          %dma_start3A_205 = tpu.memref_squeeze %dma_start3A_204 : memref<1x128x128xf32, #tpu.memory_space<hbm>> -> memref<128x128xf32, #tpu.memory_space<hbm>>
          tpu.enqueue_dma source(%arg10 : memref<128x128xf32, #tpu.memory_space<vmem>>) target(%dma_start3A_205 : memref<128x128xf32, #tpu.memory_space<hbm>>) target_semaphore(%run_scoped3A : memref<!tpu.dma_semaphore, #tpu.memory_space<semaphore_mem>>)
          %dma_wait3A_206 = arith.constant 0 : i32
          %dma_wait3A_207 = arith.constant 0 : i32
          %dma_wait3A_208 = tpu.memref_slice %arg6[%add3A_197, %dma_wait3A_206, %dma_wait3A_207] : memref<1500x128x128xf32, #tpu.memory_space<hbm>> -> memref<1x128x128xf32, #tpu.memory_space<hbm>>
          %dma_wait3A_209 = tpu.memref_squeeze %dma_wait3A_208 : memref<1x128x128xf32, #tpu.memory_space<hbm>> -> memref<128x128xf32, #tpu.memory_space<hbm>>
          %dma_wait3A_210 = arith.constant 0 : i32
          %dma_wait3A_211 = arith.constant 0 : i32
          %dma_wait3A_212 = tpu.memref_slice %arg6[%add3A_197, %dma_wait3A_210, %dma_wait3A_211] : memref<1500x128x128xf32, #tpu.memory_space<hbm>> -> memref<1x128x128xf32, #tpu.memory_space<hbm>>
          %dma_wait3A_213 = tpu.memref_squeeze %dma_wait3A_212 : memref<1x128x128xf32, #tpu.memory_space<hbm>> -> memref<128x128xf32, #tpu.memory_space<hbm>>
          tpu.wait_dma2 semaphore(%run_scoped3A : memref<!tpu.dma_semaphore, #tpu.memory_space<semaphore_mem>>) src(%arg10 : memref<128x128xf32, #tpu.memory_space<vmem>>) dst(%dma_wait3A_213 : memref<128x128xf32, #tpu.memory_space<hbm>>)
          tpu.yield
        }) : () -> ()
      } else {
      }
    }
    %scan3A_87 = arith.constant 5 : i32
    %jit3A_88 = arith.constant 27 : i32
    %jit3A_89 = arith.constant 108 : i32
    %select_n3A_90 = arith.select %eq3A_1, %jit3A_88, %jit3A_89 : i32
    %mul3A_91 = arith.constant 108 : i32
    %mul3A_92 = arith.muli %add3A, %mul3A_91 : i32
    %jit3A_93 = arith.constant 6 : i32
    %div3A_94 = arith.divsi %select_n3A_90, %jit3A_93 : i32
    %sign3A_95 = arith.constant 0 : i32
    %sign3A_96 = arith.cmpi sgt, %select_n3A_90, %sign3A_95 : i32
    %sign3A_97 = arith.extui %sign3A_96 : i1 to i32
    %sign3A_98 = arith.constant 0 : i32
    %sign3A_99 = arith.cmpi slt, %select_n3A_90, %sign3A_98 : i32
    %sign3A_100 = arith.extui %sign3A_99 : i1 to i32
    %sign3A_101 = arith.subi %sign3A_97, %sign3A_100 : i32
    %sign3A_102 = arith.constant 0 : i32
    %sign3A_103 = arith.cmpi sgt, %jit3A_93, %sign3A_102 : i32
    %sign3A_104 = arith.extui %sign3A_103 : i1 to i32
    %sign3A_105 = arith.constant 0 : i32
    %sign3A_106 = arith.cmpi slt, %jit3A_93, %sign3A_105 : i32
    %sign3A_107 = arith.extui %sign3A_106 : i1 to i32
    %sign3A_108 = arith.subi %sign3A_104, %sign3A_107 : i32
    %ne3A_109 = arith.cmpi ne, %sign3A_101, %sign3A_108 : i32
    %rem3A_110 = arith.remsi %select_n3A_90, %jit3A_93 : i32
    %ne3A_111 = arith.constant 0 : i32
    %ne3A_112 = arith.cmpi ne, %rem3A_110, %ne3A_111 : i32
    %and3A_113 = arith.andi %ne3A_109, %ne3A_112 : i1
    %sub3A_114 = arith.constant 1 : i32
    %sub3A_115 = arith.subi %div3A_94, %sub3A_114 : i32
    %select_n3A_116 = arith.select %and3A_113, %sub3A_115, %div3A_94 : i32
    %while3A_117 = arith.constant 0 : i32
    %while3A_118 = arith.constant 0 : i32
    %while3A_119 = arith.subi %select_n3A_116, %while3A_118 : i32
    %while3A_120 = arith.addi %while3A_118, %while3A_119 : i32
    %while3A_121 = arith.constant 1 : i32
    %while3A_122 = arith.divsi %while3A_119, %while3A_121 : i32
    %while3A_123 = arith.muli %while3A_122, %while3A_121 : i32
    %while3A_124 = arith.addi %while3A_118, %while3A_123 : i32
    %while3A_125 = arith.constant 1 : i32
    scf.for %while3A_181 = %while3A_118 to %while3A_124 step %while3A_125  : i32 {
      %mul3A_182 = arith.constant 6 : i32
      %mul3A_183 = arith.muli %mul3A_182, %while3A_181 : i32
      %add3A_184 = arith.constant 0 : i32
      %add3A_185 = arith.addi %mul3A_183, %add3A_184 : i32
      %gt3A = arith.constant 0 : i32
      %gt3A_186 = arith.cmpi sgt, %while3A_181, %gt3A : i32
      %convert_element_type3A = arith.extui %gt3A_186 : i1 to i32
      %cond3A = arith.constant 0 : i32
      %cond3A_187 = arith.cmpi ne, %convert_element_type3A, %cond3A : i32
      scf.if %cond3A_187 {
        %dma_wait3A_382 = arith.constant 0 : i32
        %dma_wait3A_383 = arith.constant 0 : i32
        %dma_wait3A_384 = tpu.memref_slice %arg7[%mul3A_92, %dma_wait3A_382, %dma_wait3A_383] : memref<3375x128x128xf32, #tpu.memory_space<hbm>> -> memref<1x128x128xf32, #tpu.memory_space<hbm>>
        %dma_wait3A_385 = tpu.memref_squeeze %dma_wait3A_384 : memref<1x128x128xf32, #tpu.memory_space<hbm>> -> memref<128x128xf32, #tpu.memory_space<hbm>>
        %dma_wait3A_386 = arith.constant 0 : i32
        %dma_wait3A_387 = arith.constant 0 : i32
        %dma_wait3A_388 = tpu.memref_slice %arg7[%mul3A_92, %dma_wait3A_386, %dma_wait3A_387] : memref<3375x128x128xf32, #tpu.memory_space<hbm>> -> memref<1x128x128xf32, #tpu.memory_space<hbm>>
        %dma_wait3A_389 = tpu.memref_squeeze %dma_wait3A_388 : memref<1x128x128xf32, #tpu.memory_space<hbm>> -> memref<128x128xf32, #tpu.memory_space<hbm>>
        tpu.wait_dma2 semaphore(%arg22 : memref<!tpu.dma_semaphore, #tpu.memory_space<semaphore_mem>>) src(%arg10 : memref<128x128xf32, #tpu.memory_space<vmem>>) dst(%dma_wait3A_389 : memref<128x128xf32, #tpu.memory_space<hbm>>)
      } else {
      }
      %dma_start3A = arith.constant 0 : i32
      %dma_start3A_188 = tpu.memref_slice %arg9[%add3A_185, %dma_start3A] : memref<112x128xi32, #tpu.memory_space<vmem>> -> memref<1x128xi32, #tpu.memory_space<vmem>>
      %dma_start3A_189 = tpu.memref_squeeze %dma_start3A_188 : memref<1x128xi32, #tpu.memory_space<vmem>> -> memref<128xi32, #tpu.memory_space<vmem>>
      %dma_start3A_190 = arith.constant 0 : i32
      %dma_start3A_191 = arith.constant 0 : i32
      %dma_start3A_192 = tpu.memref_slice %arg3[%dma_start3A_190, %dma_start3A_191] : memref<80000x128xf32, #tpu.memory_space<hbm>> -> memref<80000x128xf32, #tpu.memory_space<hbm>>
      tpu.enqueue_indirect_dma source(%dma_start3A_192 : memref<80000x128xf32, #tpu.memory_space<hbm>>) target(%arg10 : memref<128x128xf32, #tpu.memory_space<vmem>>) offsets(%dma_start3A_189 : memref<128xi32, #tpu.memory_space<vmem>>) semaphore(%arg16 : memref<!tpu.dma_semaphore, #tpu.memory_space<semaphore_mem>>)
      %mul3A_193 = arith.constant 6 : i32
      %mul3A_194 = arith.muli %mul3A_193, %while3A_181 : i32
      %add3A_195 = arith.constant 1 : i32
      %add3A_196 = arith.addi %mul3A_194, %add3A_195 : i32
      %gt3A_197 = arith.constant 0 : i32
      %gt3A_198 = arith.cmpi sgt, %while3A_181, %gt3A_197 : i32
      %convert_element_type3A_199 = arith.extui %gt3A_198 : i1 to i32
      %cond3A_200 = arith.constant 0 : i32
      %cond3A_201 = arith.cmpi ne, %convert_element_type3A_199, %cond3A_200 : i32
      scf.if %cond3A_201 {
        %dma_wait3A_382 = arith.constant 0 : i32
        %dma_wait3A_383 = arith.constant 0 : i32
        %dma_wait3A_384 = tpu.memref_slice %arg7[%mul3A_92, %dma_wait3A_382, %dma_wait3A_383] : memref<3375x128x128xf32, #tpu.memory_space<hbm>> -> memref<1x128x128xf32, #tpu.memory_space<hbm>>
        %dma_wait3A_385 = tpu.memref_squeeze %dma_wait3A_384 : memref<1x128x128xf32, #tpu.memory_space<hbm>> -> memref<128x128xf32, #tpu.memory_space<hbm>>
        %dma_wait3A_386 = arith.constant 0 : i32
        %dma_wait3A_387 = arith.constant 0 : i32
        %dma_wait3A_388 = tpu.memref_slice %arg7[%mul3A_92, %dma_wait3A_386, %dma_wait3A_387] : memref<3375x128x128xf32, #tpu.memory_space<hbm>> -> memref<1x128x128xf32, #tpu.memory_space<hbm>>
        %dma_wait3A_389 = tpu.memref_squeeze %dma_wait3A_388 : memref<1x128x128xf32, #tpu.memory_space<hbm>> -> memref<128x128xf32, #tpu.memory_space<hbm>>
        tpu.wait_dma2 semaphore(%arg23 : memref<!tpu.dma_semaphore, #tpu.memory_space<semaphore_mem>>) src(%arg11 : memref<128x128xf32, #tpu.memory_space<vmem>>) dst(%dma_wait3A_389 : memref<128x128xf32, #tpu.memory_space<hbm>>)
      } else {
      }
      %dma_start3A_202 = arith.constant 0 : i32
      %dma_start3A_203 = tpu.memref_slice %arg9[%add3A_196, %dma_start3A_202] : memref<112x128xi32, #tpu.memory_space<vmem>> -> memref<1x128xi32, #tpu.memory_space<vmem>>
      %dma_start3A_204 = tpu.memref_squeeze %dma_start3A_203 : memref<1x128xi32, #tpu.memory_space<vmem>> -> memref<128xi32, #tpu.memory_space<vmem>>
      %dma_start3A_205 = arith.constant 0 : i32
      %dma_start3A_206 = arith.constant 0 : i32
      %dma_start3A_207 = tpu.memref_slice %arg3[%dma_start3A_205, %dma_start3A_206] : memref<80000x128xf32, #tpu.memory_space<hbm>> -> memref<80000x128xf32, #tpu.memory_space<hbm>>
      tpu.enqueue_indirect_dma source(%dma_start3A_207 : memref<80000x128xf32, #tpu.memory_space<hbm>>) target(%arg11 : memref<128x128xf32, #tpu.memory_space<vmem>>) offsets(%dma_start3A_204 : memref<128xi32, #tpu.memory_space<vmem>>) semaphore(%arg17 : memref<!tpu.dma_semaphore, #tpu.memory_space<semaphore_mem>>)
      %mul3A_208 = arith.constant 6 : i32
      %mul3A_209 = arith.muli %mul3A_208, %while3A_181 : i32
      %add3A_210 = arith.constant 2 : i32
      %add3A_211 = arith.addi %mul3A_209, %add3A_210 : i32
      %gt3A_212 = arith.constant 0 : i32
      %gt3A_213 = arith.cmpi sgt, %while3A_181, %gt3A_212 : i32
      %convert_element_type3A_214 = arith.extui %gt3A_213 : i1 to i32
      %cond3A_215 = arith.constant 0 : i32
      %cond3A_216 = arith.cmpi ne, %convert_element_type3A_214, %cond3A_215 : i32
      scf.if %cond3A_216 {
        %dma_wait3A_382 = arith.constant 0 : i32
        %dma_wait3A_383 = arith.constant 0 : i32
        %dma_wait3A_384 = tpu.memref_slice %arg7[%mul3A_92, %dma_wait3A_382, %dma_wait3A_383] : memref<3375x128x128xf32, #tpu.memory_space<hbm>> -> memref<1x128x128xf32, #tpu.memory_space<hbm>>
        %dma_wait3A_385 = tpu.memref_squeeze %dma_wait3A_384 : memref<1x128x128xf32, #tpu.memory_space<hbm>> -> memref<128x128xf32, #tpu.memory_space<hbm>>
        %dma_wait3A_386 = arith.constant 0 : i32
        %dma_wait3A_387 = arith.constant 0 : i32
        %dma_wait3A_388 = tpu.memref_slice %arg7[%mul3A_92, %dma_wait3A_386, %dma_wait3A_387] : memref<3375x128x128xf32, #tpu.memory_space<hbm>> -> memref<1x128x128xf32, #tpu.memory_space<hbm>>
        %dma_wait3A_389 = tpu.memref_squeeze %dma_wait3A_388 : memref<1x128x128xf32, #tpu.memory_space<hbm>> -> memref<128x128xf32, #tpu.memory_space<hbm>>
        tpu.wait_dma2 semaphore(%arg24 : memref<!tpu.dma_semaphore, #tpu.memory_space<semaphore_mem>>) src(%arg12 : memref<128x128xf32, #tpu.memory_space<vmem>>) dst(%dma_wait3A_389 : memref<128x128xf32, #tpu.memory_space<hbm>>)
      } else {
      }
      %dma_start3A_217 = arith.constant 0 : i32
      %dma_start3A_218 = tpu.memref_slice %arg9[%add3A_211, %dma_start3A_217] : memref<112x128xi32, #tpu.memory_space<vmem>> -> memref<1x128xi32, #tpu.memory_space<vmem>>
      %dma_start3A_219 = tpu.memref_squeeze %dma_start3A_218 : memref<1x128xi32, #tpu.memory_space<vmem>> -> memref<128xi32, #tpu.memory_space<vmem>>
      %dma_start3A_220 = arith.constant 0 : i32
      %dma_start3A_221 = arith.constant 0 : i32
      %dma_start3A_222 = tpu.memref_slice %arg3[%dma_start3A_220, %dma_start3A_221] : memref<80000x128xf32, #tpu.memory_space<hbm>> -> memref<80000x128xf32, #tpu.memory_space<hbm>>
      tpu.enqueue_indirect_dma source(%dma_start3A_222 : memref<80000x128xf32, #tpu.memory_space<hbm>>) target(%arg12 : memref<128x128xf32, #tpu.memory_space<vmem>>) offsets(%dma_start3A_219 : memref<128xi32, #tpu.memory_space<vmem>>) semaphore(%arg18 : memref<!tpu.dma_semaphore, #tpu.memory_space<semaphore_mem>>)
      %mul3A_223 = arith.constant 6 : i32
      %mul3A_224 = arith.muli %mul3A_223, %while3A_181 : i32
      %add3A_225 = arith.constant 3 : i32
      %add3A_226 = arith.addi %mul3A_224, %add3A_225 : i32
      %gt3A_227 = arith.constant 0 : i32
      %gt3A_228 = arith.cmpi sgt, %while3A_181, %gt3A_227 : i32
      %convert_element_type3A_229 = arith.extui %gt3A_228 : i1 to i32
      %cond3A_230 = arith.constant 0 : i32
      %cond3A_231 = arith.cmpi ne, %convert_element_type3A_229, %cond3A_230 : i32
      scf.if %cond3A_231 {
        %dma_wait3A_382 = arith.constant 0 : i32
        %dma_wait3A_383 = arith.constant 0 : i32
        %dma_wait3A_384 = tpu.memref_slice %arg7[%mul3A_92, %dma_wait3A_382, %dma_wait3A_383] : memref<3375x128x128xf32, #tpu.memory_space<hbm>> -> memref<1x128x128xf32, #tpu.memory_space<hbm>>
        %dma_wait3A_385 = tpu.memref_squeeze %dma_wait3A_384 : memref<1x128x128xf32, #tpu.memory_space<hbm>> -> memref<128x128xf32, #tpu.memory_space<hbm>>
        %dma_wait3A_386 = arith.constant 0 : i32
        %dma_wait3A_387 = arith.constant 0 : i32
        %dma_wait3A_388 = tpu.memref_slice %arg7[%mul3A_92, %dma_wait3A_386, %dma_wait3A_387] : memref<3375x128x128xf32, #tpu.memory_space<hbm>> -> memref<1x128x128xf32, #tpu.memory_space<hbm>>
        %dma_wait3A_389 = tpu.memref_squeeze %dma_wait3A_388 : memref<1x128x128xf32, #tpu.memory_space<hbm>> -> memref<128x128xf32, #tpu.memory_space<hbm>>
        tpu.wait_dma2 semaphore(%arg25 : memref<!tpu.dma_semaphore, #tpu.memory_space<semaphore_mem>>) src(%arg13 : memref<128x128xf32, #tpu.memory_space<vmem>>) dst(%dma_wait3A_389 : memref<128x128xf32, #tpu.memory_space<hbm>>)
      } else {
      }
      %dma_start3A_232 = arith.constant 0 : i32
      %dma_start3A_233 = tpu.memref_slice %arg9[%add3A_226, %dma_start3A_232] : memref<112x128xi32, #tpu.memory_space<vmem>> -> memref<1x128xi32, #tpu.memory_space<vmem>>
      %dma_start3A_234 = tpu.memref_squeeze %dma_start3A_233 : memref<1x128xi32, #tpu.memory_space<vmem>> -> memref<128xi32, #tpu.memory_space<vmem>>
      %dma_start3A_235 = arith.constant 0 : i32
      %dma_start3A_236 = arith.constant 0 : i32
      %dma_start3A_237 = tpu.memref_slice %arg3[%dma_start3A_235, %dma_start3A_236] : memref<80000x128xf32, #tpu.memory_space<hbm>> -> memref<80000x128xf32, #tpu.memory_space<hbm>>
      tpu.enqueue_indirect_dma source(%dma_start3A_237 : memref<80000x128xf32, #tpu.memory_space<hbm>>) target(%arg13 : memref<128x128xf32, #tpu.memory_space<vmem>>) offsets(%dma_start3A_234 : memref<128xi32, #tpu.memory_space<vmem>>) semaphore(%arg19 : memref<!tpu.dma_semaphore, #tpu.memory_space<semaphore_mem>>)
      %mul3A_238 = arith.constant 6 : i32
      %mul3A_239 = arith.muli %mul3A_238, %while3A_181 : i32
      %add3A_240 = arith.constant 4 : i32
      %add3A_241 = arith.addi %mul3A_239, %add3A_240 : i32
      %gt3A_242 = arith.constant 0 : i32
      %gt3A_243 = arith.cmpi sgt, %while3A_181, %gt3A_242 : i32
      %convert_element_type3A_244 = arith.extui %gt3A_243 : i1 to i32
      %cond3A_245 = arith.constant 0 : i32
      %cond3A_246 = arith.cmpi ne, %convert_element_type3A_244, %cond3A_245 : i32
      scf.if %cond3A_246 {
        %dma_wait3A_382 = arith.constant 0 : i32
        %dma_wait3A_383 = arith.constant 0 : i32
        %dma_wait3A_384 = tpu.memref_slice %arg7[%mul3A_92, %dma_wait3A_382, %dma_wait3A_383] : memref<3375x128x128xf32, #tpu.memory_space<hbm>> -> memref<1x128x128xf32, #tpu.memory_space<hbm>>
        %dma_wait3A_385 = tpu.memref_squeeze %dma_wait3A_384 : memref<1x128x128xf32, #tpu.memory_space<hbm>> -> memref<128x128xf32, #tpu.memory_space<hbm>>
        %dma_wait3A_386 = arith.constant 0 : i32
        %dma_wait3A_387 = arith.constant 0 : i32
        %dma_wait3A_388 = tpu.memref_slice %arg7[%mul3A_92, %dma_wait3A_386, %dma_wait3A_387] : memref<3375x128x128xf32, #tpu.memory_space<hbm>> -> memref<1x128x128xf32, #tpu.memory_space<hbm>>
        %dma_wait3A_389 = tpu.memref_squeeze %dma_wait3A_388 : memref<1x128x128xf32, #tpu.memory_space<hbm>> -> memref<128x128xf32, #tpu.memory_space<hbm>>
        tpu.wait_dma2 semaphore(%arg26 : memref<!tpu.dma_semaphore, #tpu.memory_space<semaphore_mem>>) src(%arg14 : memref<128x128xf32, #tpu.memory_space<vmem>>) dst(%dma_wait3A_389 : memref<128x128xf32, #tpu.memory_space<hbm>>)
      } else {
      }
      %dma_start3A_247 = arith.constant 0 : i32
      %dma_start3A_248 = tpu.memref_slice %arg9[%add3A_241, %dma_start3A_247] : memref<112x128xi32, #tpu.memory_space<vmem>> -> memref<1x128xi32, #tpu.memory_space<vmem>>
      %dma_start3A_249 = tpu.memref_squeeze %dma_start3A_248 : memref<1x128xi32, #tpu.memory_space<vmem>> -> memref<128xi32, #tpu.memory_space<vmem>>
      %dma_start3A_250 = arith.constant 0 : i32
      %dma_start3A_251 = arith.constant 0 : i32
      %dma_start3A_252 = tpu.memref_slice %arg3[%dma_start3A_250, %dma_start3A_251] : memref<80000x128xf32, #tpu.memory_space<hbm>> -> memref<80000x128xf32, #tpu.memory_space<hbm>>
      tpu.enqueue_indirect_dma source(%dma_start3A_252 : memref<80000x128xf32, #tpu.memory_space<hbm>>) target(%arg14 : memref<128x128xf32, #tpu.memory_space<vmem>>) offsets(%dma_start3A_249 : memref<128xi32, #tpu.memory_space<vmem>>) semaphore(%arg20 : memref<!tpu.dma_semaphore, #tpu.memory_space<semaphore_mem>>)
      %mul3A_253 = arith.constant 6 : i32
      %mul3A_254 = arith.muli %mul3A_253, %while3A_181 : i32
      %add3A_255 = arith.constant 5 : i32
      %add3A_256 = arith.addi %mul3A_254, %add3A_255 : i32
      %gt3A_257 = arith.constant 0 : i32
      %gt3A_258 = arith.cmpi sgt, %while3A_181, %gt3A_257 : i32
      %convert_element_type3A_259 = arith.extui %gt3A_258 : i1 to i32
      %cond3A_260 = arith.constant 0 : i32
      %cond3A_261 = arith.cmpi ne, %convert_element_type3A_259, %cond3A_260 : i32
      scf.if %cond3A_261 {
        %dma_wait3A_382 = arith.constant 0 : i32
        %dma_wait3A_383 = arith.constant 0 : i32
        %dma_wait3A_384 = tpu.memref_slice %arg7[%mul3A_92, %dma_wait3A_382, %dma_wait3A_383] : memref<3375x128x128xf32, #tpu.memory_space<hbm>> -> memref<1x128x128xf32, #tpu.memory_space<hbm>>
        %dma_wait3A_385 = tpu.memref_squeeze %dma_wait3A_384 : memref<1x128x128xf32, #tpu.memory_space<hbm>> -> memref<128x128xf32, #tpu.memory_space<hbm>>
        %dma_wait3A_386 = arith.constant 0 : i32
        %dma_wait3A_387 = arith.constant 0 : i32
        %dma_wait3A_388 = tpu.memref_slice %arg7[%mul3A_92, %dma_wait3A_386, %dma_wait3A_387] : memref<3375x128x128xf32, #tpu.memory_space<hbm>> -> memref<1x128x128xf32, #tpu.memory_space<hbm>>
        %dma_wait3A_389 = tpu.memref_squeeze %dma_wait3A_388 : memref<1x128x128xf32, #tpu.memory_space<hbm>> -> memref<128x128xf32, #tpu.memory_space<hbm>>
        tpu.wait_dma2 semaphore(%arg27 : memref<!tpu.dma_semaphore, #tpu.memory_space<semaphore_mem>>) src(%arg15 : memref<128x128xf32, #tpu.memory_space<vmem>>) dst(%dma_wait3A_389 : memref<128x128xf32, #tpu.memory_space<hbm>>)
      } else {
      }
      %dma_start3A_262 = arith.constant 0 : i32
      %dma_start3A_263 = tpu.memref_slice %arg9[%add3A_256, %dma_start3A_262] : memref<112x128xi32, #tpu.memory_space<vmem>> -> memref<1x128xi32, #tpu.memory_space<vmem>>
      %dma_start3A_264 = tpu.memref_squeeze %dma_start3A_263 : memref<1x128xi32, #tpu.memory_space<vmem>> -> memref<128xi32, #tpu.memory_space<vmem>>
      %dma_start3A_265 = arith.constant 0 : i32
      %dma_start3A_266 = arith.constant 0 : i32
      %dma_start3A_267 = tpu.memref_slice %arg3[%dma_start3A_265, %dma_start3A_266] : memref<80000x128xf32, #tpu.memory_space<hbm>> -> memref<80000x128xf32, #tpu.memory_space<hbm>>
      tpu.enqueue_indirect_dma source(%dma_start3A_267 : memref<80000x128xf32, #tpu.memory_space<hbm>>) target(%arg15 : memref<128x128xf32, #tpu.memory_space<vmem>>) offsets(%dma_start3A_264 : memref<128xi32, #tpu.memory_space<vmem>>) semaphore(%arg21 : memref<!tpu.dma_semaphore, #tpu.memory_space<semaphore_mem>>)
      %mul3A_268 = arith.constant 6 : i32
      %mul3A_269 = arith.muli %mul3A_268, %while3A_181 : i32
      %add3A_270 = arith.constant 0 : i32
      %add3A_271 = arith.addi %mul3A_269, %add3A_270 : i32
      %dma_wait3A_272 = arith.constant 0 : i32
      %dma_wait3A_273 = tpu.memref_slice %arg9[%add3A_271, %dma_wait3A_272] : memref<112x128xi32, #tpu.memory_space<vmem>> -> memref<1x128xi32, #tpu.memory_space<vmem>>
      %dma_wait3A_274 = tpu.memref_squeeze %dma_wait3A_273 : memref<1x128xi32, #tpu.memory_space<vmem>> -> memref<128xi32, #tpu.memory_space<vmem>>
      %dma_wait3A_275 = arith.constant 0 : i32
      %dma_wait3A_276 = arith.constant 0 : i32
      %dma_wait3A_277 = tpu.memref_slice %arg3[%dma_wait3A_275, %dma_wait3A_276] : memref<80000x128xf32, #tpu.memory_space<hbm>> -> memref<80000x128xf32, #tpu.memory_space<hbm>>
      tpu.wait_indirect_dma semaphore(%arg16 : memref<!tpu.dma_semaphore, #tpu.memory_space<semaphore_mem>>) src(%dma_wait3A_277 : memref<80000x128xf32, #tpu.memory_space<hbm>>) dst(%arg10 : memref<128x128xf32, #tpu.memory_space<vmem>>)
      %add3A_278 = arith.addi %mul3A_92, %add3A_271 : i32
      %dma_start3A_279 = arith.constant 0 : i32
      %dma_start3A_280 = arith.constant 0 : i32
      %dma_start3A_281 = tpu.memref_slice %arg7[%add3A_278, %dma_start3A_279, %dma_start3A_280] : memref<3375x128x128xf32, #tpu.memory_space<hbm>> -> memref<1x128x128xf32, #tpu.memory_space<hbm>>
      %dma_start3A_282 = tpu.memref_squeeze %dma_start3A_281 : memref<1x128x128xf32, #tpu.memory_space<hbm>> -> memref<128x128xf32, #tpu.memory_space<hbm>>
      %dma_start3A_283 = arith.constant 0 : i32
      %dma_start3A_284 = arith.constant 0 : i32
      %dma_start3A_285 = tpu.memref_slice %arg7[%add3A_278, %dma_start3A_283, %dma_start3A_284] : memref<3375x128x128xf32, #tpu.memory_space<hbm>> -> memref<1x128x128xf32, #tpu.memory_space<hbm>>
      %dma_start3A_286 = tpu.memref_squeeze %dma_start3A_285 : memref<1x128x128xf32, #tpu.memory_space<hbm>> -> memref<128x128xf32, #tpu.memory_space<hbm>>
      tpu.enqueue_dma source(%arg10 : memref<128x128xf32, #tpu.memory_space<vmem>>) target(%dma_start3A_286 : memref<128x128xf32, #tpu.memory_space<hbm>>) target_semaphore(%arg22 : memref<!tpu.dma_semaphore, #tpu.memory_space<semaphore_mem>>)
      %mul3A_287 = arith.constant 6 : i32
      %mul3A_288 = arith.muli %mul3A_287, %while3A_181 : i32
      %add3A_289 = arith.constant 1 : i32
      %add3A_290 = arith.addi %mul3A_288, %add3A_289 : i32
      %dma_wait3A_291 = arith.constant 0 : i32
      %dma_wait3A_292 = tpu.memref_slice %arg9[%add3A_290, %dma_wait3A_291] : memref<112x128xi32, #tpu.memory_space<vmem>> -> memref<1x128xi32, #tpu.memory_space<vmem>>
      %dma_wait3A_293 = tpu.memref_squeeze %dma_wait3A_292 : memref<1x128xi32, #tpu.memory_space<vmem>> -> memref<128xi32, #tpu.memory_space<vmem>>
      %dma_wait3A_294 = arith.constant 0 : i32
      %dma_wait3A_295 = arith.constant 0 : i32
      %dma_wait3A_296 = tpu.memref_slice %arg3[%dma_wait3A_294, %dma_wait3A_295] : memref<80000x128xf32, #tpu.memory_space<hbm>> -> memref<80000x128xf32, #tpu.memory_space<hbm>>
      tpu.wait_indirect_dma semaphore(%arg17 : memref<!tpu.dma_semaphore, #tpu.memory_space<semaphore_mem>>) src(%dma_wait3A_296 : memref<80000x128xf32, #tpu.memory_space<hbm>>) dst(%arg11 : memref<128x128xf32, #tpu.memory_space<vmem>>)
      %add3A_297 = arith.addi %mul3A_92, %add3A_290 : i32
      %dma_start3A_298 = arith.constant 0 : i32
      %dma_start3A_299 = arith.constant 0 : i32
      %dma_start3A_300 = tpu.memref_slice %arg7[%add3A_297, %dma_start3A_298, %dma_start3A_299] : memref<3375x128x128xf32, #tpu.memory_space<hbm>> -> memref<1x128x128xf32, #tpu.memory_space<hbm>>
      %dma_start3A_301 = tpu.memref_squeeze %dma_start3A_300 : memref<1x128x128xf32, #tpu.memory_space<hbm>> -> memref<128x128xf32, #tpu.memory_space<hbm>>
      %dma_start3A_302 = arith.constant 0 : i32
      %dma_start3A_303 = arith.constant 0 : i32
      %dma_start3A_304 = tpu.memref_slice %arg7[%add3A_297, %dma_start3A_302, %dma_start3A_303] : memref<3375x128x128xf32, #tpu.memory_space<hbm>> -> memref<1x128x128xf32, #tpu.memory_space<hbm>>
      %dma_start3A_305 = tpu.memref_squeeze %dma_start3A_304 : memref<1x128x128xf32, #tpu.memory_space<hbm>> -> memref<128x128xf32, #tpu.memory_space<hbm>>
      tpu.enqueue_dma source(%arg11 : memref<128x128xf32, #tpu.memory_space<vmem>>) target(%dma_start3A_305 : memref<128x128xf32, #tpu.memory_space<hbm>>) target_semaphore(%arg23 : memref<!tpu.dma_semaphore, #tpu.memory_space<semaphore_mem>>)
      %mul3A_306 = arith.constant 6 : i32
      %mul3A_307 = arith.muli %mul3A_306, %while3A_181 : i32
      %add3A_308 = arith.constant 2 : i32
      %add3A_309 = arith.addi %mul3A_307, %add3A_308 : i32
      %dma_wait3A_310 = arith.constant 0 : i32
      %dma_wait3A_311 = tpu.memref_slice %arg9[%add3A_309, %dma_wait3A_310] : memref<112x128xi32, #tpu.memory_space<vmem>> -> memref<1x128xi32, #tpu.memory_space<vmem>>
      %dma_wait3A_312 = tpu.memref_squeeze %dma_wait3A_311 : memref<1x128xi32, #tpu.memory_space<vmem>> -> memref<128xi32, #tpu.memory_space<vmem>>
      %dma_wait3A_313 = arith.constant 0 : i32
      %dma_wait3A_314 = arith.constant 0 : i32
      %dma_wait3A_315 = tpu.memref_slice %arg3[%dma_wait3A_313, %dma_wait3A_314] : memref<80000x128xf32, #tpu.memory_space<hbm>> -> memref<80000x128xf32, #tpu.memory_space<hbm>>
      tpu.wait_indirect_dma semaphore(%arg18 : memref<!tpu.dma_semaphore, #tpu.memory_space<semaphore_mem>>) src(%dma_wait3A_315 : memref<80000x128xf32, #tpu.memory_space<hbm>>) dst(%arg12 : memref<128x128xf32, #tpu.memory_space<vmem>>)
      %add3A_316 = arith.addi %mul3A_92, %add3A_309 : i32
      %dma_start3A_317 = arith.constant 0 : i32
      %dma_start3A_318 = arith.constant 0 : i32
      %dma_start3A_319 = tpu.memref_slice %arg7[%add3A_316, %dma_start3A_317, %dma_start3A_318] : memref<3375x128x128xf32, #tpu.memory_space<hbm>> -> memref<1x128x128xf32, #tpu.memory_space<hbm>>
      %dma_start3A_320 = tpu.memref_squeeze %dma_start3A_319 : memref<1x128x128xf32, #tpu.memory_space<hbm>> -> memref<128x128xf32, #tpu.memory_space<hbm>>
      %dma_start3A_321 = arith.constant 0 : i32
      %dma_start3A_322 = arith.constant 0 : i32
      %dma_start3A_323 = tpu.memref_slice %arg7[%add3A_316, %dma_start3A_321, %dma_start3A_322] : memref<3375x128x128xf32, #tpu.memory_space<hbm>> -> memref<1x128x128xf32, #tpu.memory_space<hbm>>
      %dma_start3A_324 = tpu.memref_squeeze %dma_start3A_323 : memref<1x128x128xf32, #tpu.memory_space<hbm>> -> memref<128x128xf32, #tpu.memory_space<hbm>>
      tpu.enqueue_dma source(%arg12 : memref<128x128xf32, #tpu.memory_space<vmem>>) target(%dma_start3A_324 : memref<128x128xf32, #tpu.memory_space<hbm>>) target_semaphore(%arg24 : memref<!tpu.dma_semaphore, #tpu.memory_space<semaphore_mem>>)
      %mul3A_325 = arith.constant 6 : i32
      %mul3A_326 = arith.muli %mul3A_325, %while3A_181 : i32
      %add3A_327 = arith.constant 3 : i32
      %add3A_328 = arith.addi %mul3A_326, %add3A_327 : i32
      %dma_wait3A_329 = arith.constant 0 : i32
      %dma_wait3A_330 = tpu.memref_slice %arg9[%add3A_328, %dma_wait3A_329] : memref<112x128xi32, #tpu.memory_space<vmem>> -> memref<1x128xi32, #tpu.memory_space<vmem>>
      %dma_wait3A_331 = tpu.memref_squeeze %dma_wait3A_330 : memref<1x128xi32, #tpu.memory_space<vmem>> -> memref<128xi32, #tpu.memory_space<vmem>>
      %dma_wait3A_332 = arith.constant 0 : i32
      %dma_wait3A_333 = arith.constant 0 : i32
      %dma_wait3A_334 = tpu.memref_slice %arg3[%dma_wait3A_332, %dma_wait3A_333] : memref<80000x128xf32, #tpu.memory_space<hbm>> -> memref<80000x128xf32, #tpu.memory_space<hbm>>
      tpu.wait_indirect_dma semaphore(%arg19 : memref<!tpu.dma_semaphore, #tpu.memory_space<semaphore_mem>>) src(%dma_wait3A_334 : memref<80000x128xf32, #tpu.memory_space<hbm>>) dst(%arg13 : memref<128x128xf32, #tpu.memory_space<vmem>>)
      %add3A_335 = arith.addi %mul3A_92, %add3A_328 : i32
      %dma_start3A_336 = arith.constant 0 : i32
      %dma_start3A_337 = arith.constant 0 : i32
      %dma_start3A_338 = tpu.memref_slice %arg7[%add3A_335, %dma_start3A_336, %dma_start3A_337] : memref<3375x128x128xf32, #tpu.memory_space<hbm>> -> memref<1x128x128xf32, #tpu.memory_space<hbm>>
      %dma_start3A_339 = tpu.memref_squeeze %dma_start3A_338 : memref<1x128x128xf32, #tpu.memory_space<hbm>> -> memref<128x128xf32, #tpu.memory_space<hbm>>
      %dma_start3A_340 = arith.constant 0 : i32
      %dma_start3A_341 = arith.constant 0 : i32
      %dma_start3A_342 = tpu.memref_slice %arg7[%add3A_335, %dma_start3A_340, %dma_start3A_341] : memref<3375x128x128xf32, #tpu.memory_space<hbm>> -> memref<1x128x128xf32, #tpu.memory_space<hbm>>
      %dma_start3A_343 = tpu.memref_squeeze %dma_start3A_342 : memref<1x128x128xf32, #tpu.memory_space<hbm>> -> memref<128x128xf32, #tpu.memory_space<hbm>>
      tpu.enqueue_dma source(%arg13 : memref<128x128xf32, #tpu.memory_space<vmem>>) target(%dma_start3A_343 : memref<128x128xf32, #tpu.memory_space<hbm>>) target_semaphore(%arg25 : memref<!tpu.dma_semaphore, #tpu.memory_space<semaphore_mem>>)
      %mul3A_344 = arith.constant 6 : i32
      %mul3A_345 = arith.muli %mul3A_344, %while3A_181 : i32
      %add3A_346 = arith.constant 4 : i32
      %add3A_347 = arith.addi %mul3A_345, %add3A_346 : i32
      %dma_wait3A_348 = arith.constant 0 : i32
      %dma_wait3A_349 = tpu.memref_slice %arg9[%add3A_347, %dma_wait3A_348] : memref<112x128xi32, #tpu.memory_space<vmem>> -> memref<1x128xi32, #tpu.memory_space<vmem>>
      %dma_wait3A_350 = tpu.memref_squeeze %dma_wait3A_349 : memref<1x128xi32, #tpu.memory_space<vmem>> -> memref<128xi32, #tpu.memory_space<vmem>>
      %dma_wait3A_351 = arith.constant 0 : i32
      %dma_wait3A_352 = arith.constant 0 : i32
      %dma_wait3A_353 = tpu.memref_slice %arg3[%dma_wait3A_351, %dma_wait3A_352] : memref<80000x128xf32, #tpu.memory_space<hbm>> -> memref<80000x128xf32, #tpu.memory_space<hbm>>
      tpu.wait_indirect_dma semaphore(%arg20 : memref<!tpu.dma_semaphore, #tpu.memory_space<semaphore_mem>>) src(%dma_wait3A_353 : memref<80000x128xf32, #tpu.memory_space<hbm>>) dst(%arg14 : memref<128x128xf32, #tpu.memory_space<vmem>>)
      %add3A_354 = arith.addi %mul3A_92, %add3A_347 : i32
      %dma_start3A_355 = arith.constant 0 : i32
      %dma_start3A_356 = arith.constant 0 : i32
      %dma_start3A_357 = tpu.memref_slice %arg7[%add3A_354, %dma_start3A_355, %dma_start3A_356] : memref<3375x128x128xf32, #tpu.memory_space<hbm>> -> memref<1x128x128xf32, #tpu.memory_space<hbm>>
      %dma_start3A_358 = tpu.memref_squeeze %dma_start3A_357 : memref<1x128x128xf32, #tpu.memory_space<hbm>> -> memref<128x128xf32, #tpu.memory_space<hbm>>
      %dma_start3A_359 = arith.constant 0 : i32
      %dma_start3A_360 = arith.constant 0 : i32
      %dma_start3A_361 = tpu.memref_slice %arg7[%add3A_354, %dma_start3A_359, %dma_start3A_360] : memref<3375x128x128xf32, #tpu.memory_space<hbm>> -> memref<1x128x128xf32, #tpu.memory_space<hbm>>
      %dma_start3A_362 = tpu.memref_squeeze %dma_start3A_361 : memref<1x128x128xf32, #tpu.memory_space<hbm>> -> memref<128x128xf32, #tpu.memory_space<hbm>>
      tpu.enqueue_dma source(%arg14 : memref<128x128xf32, #tpu.memory_space<vmem>>) target(%dma_start3A_362 : memref<128x128xf32, #tpu.memory_space<hbm>>) target_semaphore(%arg26 : memref<!tpu.dma_semaphore, #tpu.memory_space<semaphore_mem>>)
      %mul3A_363 = arith.constant 6 : i32
      %mul3A_364 = arith.muli %mul3A_363, %while3A_181 : i32
      %add3A_365 = arith.constant 5 : i32
      %add3A_366 = arith.addi %mul3A_364, %add3A_365 : i32
      %dma_wait3A_367 = arith.constant 0 : i32
      %dma_wait3A_368 = tpu.memref_slice %arg9[%add3A_366, %dma_wait3A_367] : memref<112x128xi32, #tpu.memory_space<vmem>> -> memref<1x128xi32, #tpu.memory_space<vmem>>
      %dma_wait3A_369 = tpu.memref_squeeze %dma_wait3A_368 : memref<1x128xi32, #tpu.memory_space<vmem>> -> memref<128xi32, #tpu.memory_space<vmem>>
      %dma_wait3A_370 = arith.constant 0 : i32
      %dma_wait3A_371 = arith.constant 0 : i32
      %dma_wait3A_372 = tpu.memref_slice %arg3[%dma_wait3A_370, %dma_wait3A_371] : memref<80000x128xf32, #tpu.memory_space<hbm>> -> memref<80000x128xf32, #tpu.memory_space<hbm>>
      tpu.wait_indirect_dma semaphore(%arg21 : memref<!tpu.dma_semaphore, #tpu.memory_space<semaphore_mem>>) src(%dma_wait3A_372 : memref<80000x128xf32, #tpu.memory_space<hbm>>) dst(%arg15 : memref<128x128xf32, #tpu.memory_space<vmem>>)
      %add3A_373 = arith.addi %mul3A_92, %add3A_366 : i32
      %dma_start3A_374 = arith.constant 0 : i32
      %dma_start3A_375 = arith.constant 0 : i32
      %dma_start3A_376 = tpu.memref_slice %arg7[%add3A_373, %dma_start3A_374, %dma_start3A_375] : memref<3375x128x128xf32, #tpu.memory_space<hbm>> -> memref<1x128x128xf32, #tpu.memory_space<hbm>>
      %dma_start3A_377 = tpu.memref_squeeze %dma_start3A_376 : memref<1x128x128xf32, #tpu.memory_space<hbm>> -> memref<128x128xf32, #tpu.memory_space<hbm>>
      %dma_start3A_378 = arith.constant 0 : i32
      %dma_start3A_379 = arith.constant 0 : i32
      %dma_start3A_380 = tpu.memref_slice %arg7[%add3A_373, %dma_start3A_378, %dma_start3A_379] : memref<3375x128x128xf32, #tpu.memory_space<hbm>> -> memref<1x128x128xf32, #tpu.memory_space<hbm>>
      %dma_start3A_381 = tpu.memref_squeeze %dma_start3A_380 : memref<1x128x128xf32, #tpu.memory_space<hbm>> -> memref<128x128xf32, #tpu.memory_space<hbm>>
      tpu.enqueue_dma source(%arg15 : memref<128x128xf32, #tpu.memory_space<vmem>>) target(%dma_start3A_381 : memref<128x128xf32, #tpu.memory_space<hbm>>) target_semaphore(%arg27 : memref<!tpu.dma_semaphore, #tpu.memory_space<semaphore_mem>>)
    }
    %while3A_126 = arith.constant 1 : i32
    scf.for %while3A_181 = %while3A_124 to %while3A_120 step %while3A_126  : i32 {
      %mul3A_182 = arith.constant 6 : i32
      %mul3A_183 = arith.muli %mul3A_182, %while3A_181 : i32
      %add3A_184 = arith.constant 0 : i32
      %add3A_185 = arith.addi %mul3A_183, %add3A_184 : i32
      %gt3A = arith.constant 0 : i32
      %gt3A_186 = arith.cmpi sgt, %while3A_181, %gt3A : i32
      %convert_element_type3A = arith.extui %gt3A_186 : i1 to i32
      %cond3A = arith.constant 0 : i32
      %cond3A_187 = arith.cmpi ne, %convert_element_type3A, %cond3A : i32
      scf.if %cond3A_187 {
        %dma_wait3A_382 = arith.constant 0 : i32
        %dma_wait3A_383 = arith.constant 0 : i32
        %dma_wait3A_384 = tpu.memref_slice %arg7[%mul3A_92, %dma_wait3A_382, %dma_wait3A_383] : memref<3375x128x128xf32, #tpu.memory_space<hbm>> -> memref<1x128x128xf32, #tpu.memory_space<hbm>>
        %dma_wait3A_385 = tpu.memref_squeeze %dma_wait3A_384 : memref<1x128x128xf32, #tpu.memory_space<hbm>> -> memref<128x128xf32, #tpu.memory_space<hbm>>
        %dma_wait3A_386 = arith.constant 0 : i32
        %dma_wait3A_387 = arith.constant 0 : i32
        %dma_wait3A_388 = tpu.memref_slice %arg7[%mul3A_92, %dma_wait3A_386, %dma_wait3A_387] : memref<3375x128x128xf32, #tpu.memory_space<hbm>> -> memref<1x128x128xf32, #tpu.memory_space<hbm>>
        %dma_wait3A_389 = tpu.memref_squeeze %dma_wait3A_388 : memref<1x128x128xf32, #tpu.memory_space<hbm>> -> memref<128x128xf32, #tpu.memory_space<hbm>>
        tpu.wait_dma2 semaphore(%arg22 : memref<!tpu.dma_semaphore, #tpu.memory_space<semaphore_mem>>) src(%arg10 : memref<128x128xf32, #tpu.memory_space<vmem>>) dst(%dma_wait3A_389 : memref<128x128xf32, #tpu.memory_space<hbm>>)
      } else {
      }
      %dma_start3A = arith.constant 0 : i32
      %dma_start3A_188 = tpu.memref_slice %arg9[%add3A_185, %dma_start3A] : memref<112x128xi32, #tpu.memory_space<vmem>> -> memref<1x128xi32, #tpu.memory_space<vmem>>
      %dma_start3A_189 = tpu.memref_squeeze %dma_start3A_188 : memref<1x128xi32, #tpu.memory_space<vmem>> -> memref<128xi32, #tpu.memory_space<vmem>>
      %dma_start3A_190 = arith.constant 0 : i32
      %dma_start3A_191 = arith.constant 0 : i32
      %dma_start3A_192 = tpu.memref_slice %arg3[%dma_start3A_190, %dma_start3A_191] : memref<80000x128xf32, #tpu.memory_space<hbm>> -> memref<80000x128xf32, #tpu.memory_space<hbm>>
      tpu.enqueue_indirect_dma source(%dma_start3A_192 : memref<80000x128xf32, #tpu.memory_space<hbm>>) target(%arg10 : memref<128x128xf32, #tpu.memory_space<vmem>>) offsets(%dma_start3A_189 : memref<128xi32, #tpu.memory_space<vmem>>) semaphore(%arg16 : memref<!tpu.dma_semaphore, #tpu.memory_space<semaphore_mem>>)
      %mul3A_193 = arith.constant 6 : i32
      %mul3A_194 = arith.muli %mul3A_193, %while3A_181 : i32
      %add3A_195 = arith.constant 1 : i32
      %add3A_196 = arith.addi %mul3A_194, %add3A_195 : i32
      %gt3A_197 = arith.constant 0 : i32
      %gt3A_198 = arith.cmpi sgt, %while3A_181, %gt3A_197 : i32
      %convert_element_type3A_199 = arith.extui %gt3A_198 : i1 to i32
      %cond3A_200 = arith.constant 0 : i32
      %cond3A_201 = arith.cmpi ne, %convert_element_type3A_199, %cond3A_200 : i32
      scf.if %cond3A_201 {
        %dma_wait3A_382 = arith.constant 0 : i32
        %dma_wait3A_383 = arith.constant 0 : i32
        %dma_wait3A_384 = tpu.memref_slice %arg7[%mul3A_92, %dma_wait3A_382, %dma_wait3A_383] : memref<3375x128x128xf32, #tpu.memory_space<hbm>> -> memref<1x128x128xf32, #tpu.memory_space<hbm>>
        %dma_wait3A_385 = tpu.memref_squeeze %dma_wait3A_384 : memref<1x128x128xf32, #tpu.memory_space<hbm>> -> memref<128x128xf32, #tpu.memory_space<hbm>>
        %dma_wait3A_386 = arith.constant 0 : i32
        %dma_wait3A_387 = arith.constant 0 : i32
        %dma_wait3A_388 = tpu.memref_slice %arg7[%mul3A_92, %dma_wait3A_386, %dma_wait3A_387] : memref<3375x128x128xf32, #tpu.memory_space<hbm>> -> memref<1x128x128xf32, #tpu.memory_space<hbm>>
        %dma_wait3A_389 = tpu.memref_squeeze %dma_wait3A_388 : memref<1x128x128xf32, #tpu.memory_space<hbm>> -> memref<128x128xf32, #tpu.memory_space<hbm>>
        tpu.wait_dma2 semaphore(%arg23 : memref<!tpu.dma_semaphore, #tpu.memory_space<semaphore_mem>>) src(%arg11 : memref<128x128xf32, #tpu.memory_space<vmem>>) dst(%dma_wait3A_389 : memref<128x128xf32, #tpu.memory_space<hbm>>)
      } else {
      }
      %dma_start3A_202 = arith.constant 0 : i32
      %dma_start3A_203 = tpu.memref_slice %arg9[%add3A_196, %dma_start3A_202] : memref<112x128xi32, #tpu.memory_space<vmem>> -> memref<1x128xi32, #tpu.memory_space<vmem>>
      %dma_start3A_204 = tpu.memref_squeeze %dma_start3A_203 : memref<1x128xi32, #tpu.memory_space<vmem>> -> memref<128xi32, #tpu.memory_space<vmem>>
      %dma_start3A_205 = arith.constant 0 : i32
      %dma_start3A_206 = arith.constant 0 : i32
      %dma_start3A_207 = tpu.memref_slice %arg3[%dma_start3A_205, %dma_start3A_206] : memref<80000x128xf32, #tpu.memory_space<hbm>> -> memref<80000x128xf32, #tpu.memory_space<hbm>>
      tpu.enqueue_indirect_dma source(%dma_start3A_207 : memref<80000x128xf32, #tpu.memory_space<hbm>>) target(%arg11 : memref<128x128xf32, #tpu.memory_space<vmem>>) offsets(%dma_start3A_204 : memref<128xi32, #tpu.memory_space<vmem>>) semaphore(%arg17 : memref<!tpu.dma_semaphore, #tpu.memory_space<semaphore_mem>>)
      %mul3A_208 = arith.constant 6 : i32
      %mul3A_209 = arith.muli %mul3A_208, %while3A_181 : i32
      %add3A_210 = arith.constant 2 : i32
      %add3A_211 = arith.addi %mul3A_209, %add3A_210 : i32
      %gt3A_212 = arith.constant 0 : i32
      %gt3A_213 = arith.cmpi sgt, %while3A_181, %gt3A_212 : i32
      %convert_element_type3A_214 = arith.extui %gt3A_213 : i1 to i32
      %cond3A_215 = arith.constant 0 : i32
      %cond3A_216 = arith.cmpi ne, %convert_element_type3A_214, %cond3A_215 : i32
      scf.if %cond3A_216 {
        %dma_wait3A_382 = arith.constant 0 : i32
        %dma_wait3A_383 = arith.constant 0 : i32
        %dma_wait3A_384 = tpu.memref_slice %arg7[%mul3A_92, %dma_wait3A_382, %dma_wait3A_383] : memref<3375x128x128xf32, #tpu.memory_space<hbm>> -> memref<1x128x128xf32, #tpu.memory_space<hbm>>
        %dma_wait3A_385 = tpu.memref_squeeze %dma_wait3A_384 : memref<1x128x128xf32, #tpu.memory_space<hbm>> -> memref<128x128xf32, #tpu.memory_space<hbm>>
        %dma_wait3A_386 = arith.constant 0 : i32
        %dma_wait3A_387 = arith.constant 0 : i32
        %dma_wait3A_388 = tpu.memref_slice %arg7[%mul3A_92, %dma_wait3A_386, %dma_wait3A_387] : memref<3375x128x128xf32, #tpu.memory_space<hbm>> -> memref<1x128x128xf32, #tpu.memory_space<hbm>>
        %dma_wait3A_389 = tpu.memref_squeeze %dma_wait3A_388 : memref<1x128x128xf32, #tpu.memory_space<hbm>> -> memref<128x128xf32, #tpu.memory_space<hbm>>
        tpu.wait_dma2 semaphore(%arg24 : memref<!tpu.dma_semaphore, #tpu.memory_space<semaphore_mem>>) src(%arg12 : memref<128x128xf32, #tpu.memory_space<vmem>>) dst(%dma_wait3A_389 : memref<128x128xf32, #tpu.memory_space<hbm>>)
      } else {
      }
      %dma_start3A_217 = arith.constant 0 : i32
      %dma_start3A_218 = tpu.memref_slice %arg9[%add3A_211, %dma_start3A_217] : memref<112x128xi32, #tpu.memory_space<vmem>> -> memref<1x128xi32, #tpu.memory_space<vmem>>
      %dma_start3A_219 = tpu.memref_squeeze %dma_start3A_218 : memref<1x128xi32, #tpu.memory_space<vmem>> -> memref<128xi32, #tpu.memory_space<vmem>>
      %dma_start3A_220 = arith.constant 0 : i32
      %dma_start3A_221 = arith.constant 0 : i32
      %dma_start3A_222 = tpu.memref_slice %arg3[%dma_start3A_220, %dma_start3A_221] : memref<80000x128xf32, #tpu.memory_space<hbm>> -> memref<80000x128xf32, #tpu.memory_space<hbm>>
      tpu.enqueue_indirect_dma source(%dma_start3A_222 : memref<80000x128xf32, #tpu.memory_space<hbm>>) target(%arg12 : memref<128x128xf32, #tpu.memory_space<vmem>>) offsets(%dma_start3A_219 : memref<128xi32, #tpu.memory_space<vmem>>) semaphore(%arg18 : memref<!tpu.dma_semaphore, #tpu.memory_space<semaphore_mem>>)
      %mul3A_223 = arith.constant 6 : i32
      %mul3A_224 = arith.muli %mul3A_223, %while3A_181 : i32
      %add3A_225 = arith.constant 3 : i32
      %add3A_226 = arith.addi %mul3A_224, %add3A_225 : i32
      %gt3A_227 = arith.constant 0 : i32
      %gt3A_228 = arith.cmpi sgt, %while3A_181, %gt3A_227 : i32
      %convert_element_type3A_229 = arith.extui %gt3A_228 : i1 to i32
      %cond3A_230 = arith.constant 0 : i32
      %cond3A_231 = arith.cmpi ne, %convert_element_type3A_229, %cond3A_230 : i32
      scf.if %cond3A_231 {
        %dma_wait3A_382 = arith.constant 0 : i32
        %dma_wait3A_383 = arith.constant 0 : i32
        %dma_wait3A_384 = tpu.memref_slice %arg7[%mul3A_92, %dma_wait3A_382, %dma_wait3A_383] : memref<3375x128x128xf32, #tpu.memory_space<hbm>> -> memref<1x128x128xf32, #tpu.memory_space<hbm>>
        %dma_wait3A_385 = tpu.memref_squeeze %dma_wait3A_384 : memref<1x128x128xf32, #tpu.memory_space<hbm>> -> memref<128x128xf32, #tpu.memory_space<hbm>>
        %dma_wait3A_386 = arith.constant 0 : i32
        %dma_wait3A_387 = arith.constant 0 : i32
        %dma_wait3A_388 = tpu.memref_slice %arg7[%mul3A_92, %dma_wait3A_386, %dma_wait3A_387] : memref<3375x128x128xf32, #tpu.memory_space<hbm>> -> memref<1x128x128xf32, #tpu.memory_space<hbm>>
        %dma_wait3A_389 = tpu.memref_squeeze %dma_wait3A_388 : memref<1x128x128xf32, #tpu.memory_space<hbm>> -> memref<128x128xf32, #tpu.memory_space<hbm>>
        tpu.wait_dma2 semaphore(%arg25 : memref<!tpu.dma_semaphore, #tpu.memory_space<semaphore_mem>>) src(%arg13 : memref<128x128xf32, #tpu.memory_space<vmem>>) dst(%dma_wait3A_389 : memref<128x128xf32, #tpu.memory_space<hbm>>)
      } else {
      }
      %dma_start3A_232 = arith.constant 0 : i32
      %dma_start3A_233 = tpu.memref_slice %arg9[%add3A_226, %dma_start3A_232] : memref<112x128xi32, #tpu.memory_space<vmem>> -> memref<1x128xi32, #tpu.memory_space<vmem>>
      %dma_start3A_234 = tpu.memref_squeeze %dma_start3A_233 : memref<1x128xi32, #tpu.memory_space<vmem>> -> memref<128xi32, #tpu.memory_space<vmem>>
      %dma_start3A_235 = arith.constant 0 : i32
      %dma_start3A_236 = arith.constant 0 : i32
      %dma_start3A_237 = tpu.memref_slice %arg3[%dma_start3A_235, %dma_start3A_236] : memref<80000x128xf32, #tpu.memory_space<hbm>> -> memref<80000x128xf32, #tpu.memory_space<hbm>>
      tpu.enqueue_indirect_dma source(%dma_start3A_237 : memref<80000x128xf32, #tpu.memory_space<hbm>>) target(%arg13 : memref<128x128xf32, #tpu.memory_space<vmem>>) offsets(%dma_start3A_234 : memref<128xi32, #tpu.memory_space<vmem>>) semaphore(%arg19 : memref<!tpu.dma_semaphore, #tpu.memory_space<semaphore_mem>>)
      %mul3A_238 = arith.constant 6 : i32
      %mul3A_239 = arith.muli %mul3A_238, %while3A_181 : i32
      %add3A_240 = arith.constant 4 : i32
      %add3A_241 = arith.addi %mul3A_239, %add3A_240 : i32
      %gt3A_242 = arith.constant 0 : i32
      %gt3A_243 = arith.cmpi sgt, %while3A_181, %gt3A_242 : i32
      %convert_element_type3A_244 = arith.extui %gt3A_243 : i1 to i32
      %cond3A_245 = arith.constant 0 : i32
      %cond3A_246 = arith.cmpi ne, %convert_element_type3A_244, %cond3A_245 : i32
      scf.if %cond3A_246 {
        %dma_wait3A_382 = arith.constant 0 : i32
        %dma_wait3A_383 = arith.constant 0 : i32
        %dma_wait3A_384 = tpu.memref_slice %arg7[%mul3A_92, %dma_wait3A_382, %dma_wait3A_383] : memref<3375x128x128xf32, #tpu.memory_space<hbm>> -> memref<1x128x128xf32, #tpu.memory_space<hbm>>
        %dma_wait3A_385 = tpu.memref_squeeze %dma_wait3A_384 : memref<1x128x128xf32, #tpu.memory_space<hbm>> -> memref<128x128xf32, #tpu.memory_space<hbm>>
        %dma_wait3A_386 = arith.constant 0 : i32
        %dma_wait3A_387 = arith.constant 0 : i32
        %dma_wait3A_388 = tpu.memref_slice %arg7[%mul3A_92, %dma_wait3A_386, %dma_wait3A_387] : memref<3375x128x128xf32, #tpu.memory_space<hbm>> -> memref<1x128x128xf32, #tpu.memory_space<hbm>>
        %dma_wait3A_389 = tpu.memref_squeeze %dma_wait3A_388 : memref<1x128x128xf32, #tpu.memory_space<hbm>> -> memref<128x128xf32, #tpu.memory_space<hbm>>
        tpu.wait_dma2 semaphore(%arg26 : memref<!tpu.dma_semaphore, #tpu.memory_space<semaphore_mem>>) src(%arg14 : memref<128x128xf32, #tpu.memory_space<vmem>>) dst(%dma_wait3A_389 : memref<128x128xf32, #tpu.memory_space<hbm>>)
      } else {
      }
      %dma_start3A_247 = arith.constant 0 : i32
      %dma_start3A_248 = tpu.memref_slice %arg9[%add3A_241, %dma_start3A_247] : memref<112x128xi32, #tpu.memory_space<vmem>> -> memref<1x128xi32, #tpu.memory_space<vmem>>
      %dma_start3A_249 = tpu.memref_squeeze %dma_start3A_248 : memref<1x128xi32, #tpu.memory_space<vmem>> -> memref<128xi32, #tpu.memory_space<vmem>>
      %dma_start3A_250 = arith.constant 0 : i32
      %dma_start3A_251 = arith.constant 0 : i32
      %dma_start3A_252 = tpu.memref_slice %arg3[%dma_start3A_250, %dma_start3A_251] : memref<80000x128xf32, #tpu.memory_space<hbm>> -> memref<80000x128xf32, #tpu.memory_space<hbm>>
      tpu.enqueue_indirect_dma source(%dma_start3A_252 : memref<80000x128xf32, #tpu.memory_space<hbm>>) target(%arg14 : memref<128x128xf32, #tpu.memory_space<vmem>>) offsets(%dma_start3A_249 : memref<128xi32, #tpu.memory_space<vmem>>) semaphore(%arg20 : memref<!tpu.dma_semaphore, #tpu.memory_space<semaphore_mem>>)
      %mul3A_253 = arith.constant 6 : i32
      %mul3A_254 = arith.muli %mul3A_253, %while3A_181 : i32
      %add3A_255 = arith.constant 5 : i32
      %add3A_256 = arith.addi %mul3A_254, %add3A_255 : i32
      %gt3A_257 = arith.constant 0 : i32
      %gt3A_258 = arith.cmpi sgt, %while3A_181, %gt3A_257 : i32
      %convert_element_type3A_259 = arith.extui %gt3A_258 : i1 to i32
      %cond3A_260 = arith.constant 0 : i32
      %cond3A_261 = arith.cmpi ne, %convert_element_type3A_259, %cond3A_260 : i32
      scf.if %cond3A_261 {
        %dma_wait3A_382 = arith.constant 0 : i32
        %dma_wait3A_383 = arith.constant 0 : i32
        %dma_wait3A_384 = tpu.memref_slice %arg7[%mul3A_92, %dma_wait3A_382, %dma_wait3A_383] : memref<3375x128x128xf32, #tpu.memory_space<hbm>> -> memref<1x128x128xf32, #tpu.memory_space<hbm>>
        %dma_wait3A_385 = tpu.memref_squeeze %dma_wait3A_384 : memref<1x128x128xf32, #tpu.memory_space<hbm>> -> memref<128x128xf32, #tpu.memory_space<hbm>>
        %dma_wait3A_386 = arith.constant 0 : i32
        %dma_wait3A_387 = arith.constant 0 : i32
        %dma_wait3A_388 = tpu.memref_slice %arg7[%mul3A_92, %dma_wait3A_386, %dma_wait3A_387] : memref<3375x128x128xf32, #tpu.memory_space<hbm>> -> memref<1x128x128xf32, #tpu.memory_space<hbm>>
        %dma_wait3A_389 = tpu.memref_squeeze %dma_wait3A_388 : memref<1x128x128xf32, #tpu.memory_space<hbm>> -> memref<128x128xf32, #tpu.memory_space<hbm>>
        tpu.wait_dma2 semaphore(%arg27 : memref<!tpu.dma_semaphore, #tpu.memory_space<semaphore_mem>>) src(%arg15 : memref<128x128xf32, #tpu.memory_space<vmem>>) dst(%dma_wait3A_389 : memref<128x128xf32, #tpu.memory_space<hbm>>)
      } else {
      }
      %dma_start3A_262 = arith.constant 0 : i32
      %dma_start3A_263 = tpu.memref_slice %arg9[%add3A_256, %dma_start3A_262] : memref<112x128xi32, #tpu.memory_space<vmem>> -> memref<1x128xi32, #tpu.memory_space<vmem>>
      %dma_start3A_264 = tpu.memref_squeeze %dma_start3A_263 : memref<1x128xi32, #tpu.memory_space<vmem>> -> memref<128xi32, #tpu.memory_space<vmem>>
      %dma_start3A_265 = arith.constant 0 : i32
      %dma_start3A_266 = arith.constant 0 : i32
      %dma_start3A_267 = tpu.memref_slice %arg3[%dma_start3A_265, %dma_start3A_266] : memref<80000x128xf32, #tpu.memory_space<hbm>> -> memref<80000x128xf32, #tpu.memory_space<hbm>>
      tpu.enqueue_indirect_dma source(%dma_start3A_267 : memref<80000x128xf32, #tpu.memory_space<hbm>>) target(%arg15 : memref<128x128xf32, #tpu.memory_space<vmem>>) offsets(%dma_start3A_264 : memref<128xi32, #tpu.memory_space<vmem>>) semaphore(%arg21 : memref<!tpu.dma_semaphore, #tpu.memory_space<semaphore_mem>>)
      %mul3A_268 = arith.constant 6 : i32
      %mul3A_269 = arith.muli %mul3A_268, %while3A_181 : i32
      %add3A_270 = arith.constant 0 : i32
      %add3A_271 = arith.addi %mul3A_269, %add3A_270 : i32
      %dma_wait3A_272 = arith.constant 0 : i32
      %dma_wait3A_273 = tpu.memref_slice %arg9[%add3A_271, %dma_wait3A_272] : memref<112x128xi32, #tpu.memory_space<vmem>> -> memref<1x128xi32, #tpu.memory_space<vmem>>
      %dma_wait3A_274 = tpu.memref_squeeze %dma_wait3A_273 : memref<1x128xi32, #tpu.memory_space<vmem>> -> memref<128xi32, #tpu.memory_space<vmem>>
      %dma_wait3A_275 = arith.constant 0 : i32
      %dma_wait3A_276 = arith.constant 0 : i32
      %dma_wait3A_277 = tpu.memref_slice %arg3[%dma_wait3A_275, %dma_wait3A_276] : memref<80000x128xf32, #tpu.memory_space<hbm>> -> memref<80000x128xf32, #tpu.memory_space<hbm>>
      tpu.wait_indirect_dma semaphore(%arg16 : memref<!tpu.dma_semaphore, #tpu.memory_space<semaphore_mem>>) src(%dma_wait3A_277 : memref<80000x128xf32, #tpu.memory_space<hbm>>) dst(%arg10 : memref<128x128xf32, #tpu.memory_space<vmem>>)
      %add3A_278 = arith.addi %mul3A_92, %add3A_271 : i32
      %dma_start3A_279 = arith.constant 0 : i32
      %dma_start3A_280 = arith.constant 0 : i32
      %dma_start3A_281 = tpu.memref_slice %arg7[%add3A_278, %dma_start3A_279, %dma_start3A_280] : memref<3375x128x128xf32, #tpu.memory_space<hbm>> -> memref<1x128x128xf32, #tpu.memory_space<hbm>>
      %dma_start3A_282 = tpu.memref_squeeze %dma_start3A_281 : memref<1x128x128xf32, #tpu.memory_space<hbm>> -> memref<128x128xf32, #tpu.memory_space<hbm>>
      %dma_start3A_283 = arith.constant 0 : i32
      %dma_start3A_284 = arith.constant 0 : i32
      %dma_start3A_285 = tpu.memref_slice %arg7[%add3A_278, %dma_start3A_283, %dma_start3A_284] : memref<3375x128x128xf32, #tpu.memory_space<hbm>> -> memref<1x128x128xf32, #tpu.memory_space<hbm>>
      %dma_start3A_286 = tpu.memref_squeeze %dma_start3A_285 : memref<1x128x128xf32, #tpu.memory_space<hbm>> -> memref<128x128xf32, #tpu.memory_space<hbm>>
      tpu.enqueue_dma source(%arg10 : memref<128x128xf32, #tpu.memory_space<vmem>>) target(%dma_start3A_286 : memref<128x128xf32, #tpu.memory_space<hbm>>) target_semaphore(%arg22 : memref<!tpu.dma_semaphore, #tpu.memory_space<semaphore_mem>>)
      %mul3A_287 = arith.constant 6 : i32
      %mul3A_288 = arith.muli %mul3A_287, %while3A_181 : i32
      %add3A_289 = arith.constant 1 : i32
      %add3A_290 = arith.addi %mul3A_288, %add3A_289 : i32
      %dma_wait3A_291 = arith.constant 0 : i32
      %dma_wait3A_292 = tpu.memref_slice %arg9[%add3A_290, %dma_wait3A_291] : memref<112x128xi32, #tpu.memory_space<vmem>> -> memref<1x128xi32, #tpu.memory_space<vmem>>
      %dma_wait3A_293 = tpu.memref_squeeze %dma_wait3A_292 : memref<1x128xi32, #tpu.memory_space<vmem>> -> memref<128xi32, #tpu.memory_space<vmem>>
      %dma_wait3A_294 = arith.constant 0 : i32
      %dma_wait3A_295 = arith.constant 0 : i32
      %dma_wait3A_296 = tpu.memref_slice %arg3[%dma_wait3A_294, %dma_wait3A_295] : memref<80000x128xf32, #tpu.memory_space<hbm>> -> memref<80000x128xf32, #tpu.memory_space<hbm>>
      tpu.wait_indirect_dma semaphore(%arg17 : memref<!tpu.dma_semaphore, #tpu.memory_space<semaphore_mem>>) src(%dma_wait3A_296 : memref<80000x128xf32, #tpu.memory_space<hbm>>) dst(%arg11 : memref<128x128xf32, #tpu.memory_space<vmem>>)
      %add3A_297 = arith.addi %mul3A_92, %add3A_290 : i32
      %dma_start3A_298 = arith.constant 0 : i32
      %dma_start3A_299 = arith.constant 0 : i32
      %dma_start3A_300 = tpu.memref_slice %arg7[%add3A_297, %dma_start3A_298, %dma_start3A_299] : memref<3375x128x128xf32, #tpu.memory_space<hbm>> -> memref<1x128x128xf32, #tpu.memory_space<hbm>>
      %dma_start3A_301 = tpu.memref_squeeze %dma_start3A_300 : memref<1x128x128xf32, #tpu.memory_space<hbm>> -> memref<128x128xf32, #tpu.memory_space<hbm>>
      %dma_start3A_302 = arith.constant 0 : i32
      %dma_start3A_303 = arith.constant 0 : i32
      %dma_start3A_304 = tpu.memref_slice %arg7[%add3A_297, %dma_start3A_302, %dma_start3A_303] : memref<3375x128x128xf32, #tpu.memory_space<hbm>> -> memref<1x128x128xf32, #tpu.memory_space<hbm>>
      %dma_start3A_305 = tpu.memref_squeeze %dma_start3A_304 : memref<1x128x128xf32, #tpu.memory_space<hbm>> -> memref<128x128xf32, #tpu.memory_space<hbm>>
      tpu.enqueue_dma source(%arg11 : memref<128x128xf32, #tpu.memory_space<vmem>>) target(%dma_start3A_305 : memref<128x128xf32, #tpu.memory_space<hbm>>) target_semaphore(%arg23 : memref<!tpu.dma_semaphore, #tpu.memory_space<semaphore_mem>>)
      %mul3A_306 = arith.constant 6 : i32
      %mul3A_307 = arith.muli %mul3A_306, %while3A_181 : i32
      %add3A_308 = arith.constant 2 : i32
      %add3A_309 = arith.addi %mul3A_307, %add3A_308 : i32
      %dma_wait3A_310 = arith.constant 0 : i32
      %dma_wait3A_311 = tpu.memref_slice %arg9[%add3A_309, %dma_wait3A_310] : memref<112x128xi32, #tpu.memory_space<vmem>> -> memref<1x128xi32, #tpu.memory_space<vmem>>
      %dma_wait3A_312 = tpu.memref_squeeze %dma_wait3A_311 : memref<1x128xi32, #tpu.memory_space<vmem>> -> memref<128xi32, #tpu.memory_space<vmem>>
      %dma_wait3A_313 = arith.constant 0 : i32
      %dma_wait3A_314 = arith.constant 0 : i32
      %dma_wait3A_315 = tpu.memref_slice %arg3[%dma_wait3A_313, %dma_wait3A_314] : memref<80000x128xf32, #tpu.memory_space<hbm>> -> memref<80000x128xf32, #tpu.memory_space<hbm>>
      tpu.wait_indirect_dma semaphore(%arg18 : memref<!tpu.dma_semaphore, #tpu.memory_space<semaphore_mem>>) src(%dma_wait3A_315 : memref<80000x128xf32, #tpu.memory_space<hbm>>) dst(%arg12 : memref<128x128xf32, #tpu.memory_space<vmem>>)
      %add3A_316 = arith.addi %mul3A_92, %add3A_309 : i32
      %dma_start3A_317 = arith.constant 0 : i32
      %dma_start3A_318 = arith.constant 0 : i32
      %dma_start3A_319 = tpu.memref_slice %arg7[%add3A_316, %dma_start3A_317, %dma_start3A_318] : memref<3375x128x128xf32, #tpu.memory_space<hbm>> -> memref<1x128x128xf32, #tpu.memory_space<hbm>>
      %dma_start3A_320 = tpu.memref_squeeze %dma_start3A_319 : memref<1x128x128xf32, #tpu.memory_space<hbm>> -> memref<128x128xf32, #tpu.memory_space<hbm>>
      %dma_start3A_321 = arith.constant 0 : i32
      %dma_start3A_322 = arith.constant 0 : i32
      %dma_start3A_323 = tpu.memref_slice %arg7[%add3A_316, %dma_start3A_321, %dma_start3A_322] : memref<3375x128x128xf32, #tpu.memory_space<hbm>> -> memref<1x128x128xf32, #tpu.memory_space<hbm>>
      %dma_start3A_324 = tpu.memref_squeeze %dma_start3A_323 : memref<1x128x128xf32, #tpu.memory_space<hbm>> -> memref<128x128xf32, #tpu.memory_space<hbm>>
      tpu.enqueue_dma source(%arg12 : memref<128x128xf32, #tpu.memory_space<vmem>>) target(%dma_start3A_324 : memref<128x128xf32, #tpu.memory_space<hbm>>) target_semaphore(%arg24 : memref<!tpu.dma_semaphore, #tpu.memory_space<semaphore_mem>>)
      %mul3A_325 = arith.constant 6 : i32
      %mul3A_326 = arith.muli %mul3A_325, %while3A_181 : i32
      %add3A_327 = arith.constant 3 : i32
      %add3A_328 = arith.addi %mul3A_326, %add3A_327 : i32
      %dma_wait3A_329 = arith.constant 0 : i32
      %dma_wait3A_330 = tpu.memref_slice %arg9[%add3A_328, %dma_wait3A_329] : memref<112x128xi32, #tpu.memory_space<vmem>> -> memref<1x128xi32, #tpu.memory_space<vmem>>
      %dma_wait3A_331 = tpu.memref_squeeze %dma_wait3A_330 : memref<1x128xi32, #tpu.memory_space<vmem>> -> memref<128xi32, #tpu.memory_space<vmem>>
      %dma_wait3A_332 = arith.constant 0 : i32
      %dma_wait3A_333 = arith.constant 0 : i32
      %dma_wait3A_334 = tpu.memref_slice %arg3[%dma_wait3A_332, %dma_wait3A_333] : memref<80000x128xf32, #tpu.memory_space<hbm>> -> memref<80000x128xf32, #tpu.memory_space<hbm>>
      tpu.wait_indirect_dma semaphore(%arg19 : memref<!tpu.dma_semaphore, #tpu.memory_space<semaphore_mem>>) src(%dma_wait3A_334 : memref<80000x128xf32, #tpu.memory_space<hbm>>) dst(%arg13 : memref<128x128xf32, #tpu.memory_space<vmem>>)
      %add3A_335 = arith.addi %mul3A_92, %add3A_328 : i32
      %dma_start3A_336 = arith.constant 0 : i32
      %dma_start3A_337 = arith.constant 0 : i32
      %dma_start3A_338 = tpu.memref_slice %arg7[%add3A_335, %dma_start3A_336, %dma_start3A_337] : memref<3375x128x128xf32, #tpu.memory_space<hbm>> -> memref<1x128x128xf32, #tpu.memory_space<hbm>>
      %dma_start3A_339 = tpu.memref_squeeze %dma_start3A_338 : memref<1x128x128xf32, #tpu.memory_space<hbm>> -> memref<128x128xf32, #tpu.memory_space<hbm>>
      %dma_start3A_340 = arith.constant 0 : i32
      %dma_start3A_341 = arith.constant 0 : i32
      %dma_start3A_342 = tpu.memref_slice %arg7[%add3A_335, %dma_start3A_340, %dma_start3A_341] : memref<3375x128x128xf32, #tpu.memory_space<hbm>> -> memref<1x128x128xf32, #tpu.memory_space<hbm>>
      %dma_start3A_343 = tpu.memref_squeeze %dma_start3A_342 : memref<1x128x128xf32, #tpu.memory_space<hbm>> -> memref<128x128xf32, #tpu.memory_space<hbm>>
      tpu.enqueue_dma source(%arg13 : memref<128x128xf32, #tpu.memory_space<vmem>>) target(%dma_start3A_343 : memref<128x128xf32, #tpu.memory_space<hbm>>) target_semaphore(%arg25 : memref<!tpu.dma_semaphore, #tpu.memory_space<semaphore_mem>>)
      %mul3A_344 = arith.constant 6 : i32
      %mul3A_345 = arith.muli %mul3A_344, %while3A_181 : i32
      %add3A_346 = arith.constant 4 : i32
      %add3A_347 = arith.addi %mul3A_345, %add3A_346 : i32
      %dma_wait3A_348 = arith.constant 0 : i32
      %dma_wait3A_349 = tpu.memref_slice %arg9[%add3A_347, %dma_wait3A_348] : memref<112x128xi32, #tpu.memory_space<vmem>> -> memref<1x128xi32, #tpu.memory_space<vmem>>
      %dma_wait3A_350 = tpu.memref_squeeze %dma_wait3A_349 : memref<1x128xi32, #tpu.memory_space<vmem>> -> memref<128xi32, #tpu.memory_space<vmem>>
      %dma_wait3A_351 = arith.constant 0 : i32
      %dma_wait3A_352 = arith.constant 0 : i32
      %dma_wait3A_353 = tpu.memref_slice %arg3[%dma_wait3A_351, %dma_wait3A_352] : memref<80000x128xf32, #tpu.memory_space<hbm>> -> memref<80000x128xf32, #tpu.memory_space<hbm>>
      tpu.wait_indirect_dma semaphore(%arg20 : memref<!tpu.dma_semaphore, #tpu.memory_space<semaphore_mem>>) src(%dma_wait3A_353 : memref<80000x128xf32, #tpu.memory_space<hbm>>) dst(%arg14 : memref<128x128xf32, #tpu.memory_space<vmem>>)
      %add3A_354 = arith.addi %mul3A_92, %add3A_347 : i32
      %dma_start3A_355 = arith.constant 0 : i32
      %dma_start3A_356 = arith.constant 0 : i32
      %dma_start3A_357 = tpu.memref_slice %arg7[%add3A_354, %dma_start3A_355, %dma_start3A_356] : memref<3375x128x128xf32, #tpu.memory_space<hbm>> -> memref<1x128x128xf32, #tpu.memory_space<hbm>>
      %dma_start3A_358 = tpu.memref_squeeze %dma_start3A_357 : memref<1x128x128xf32, #tpu.memory_space<hbm>> -> memref<128x128xf32, #tpu.memory_space<hbm>>
      %dma_start3A_359 = arith.constant 0 : i32
      %dma_start3A_360 = arith.constant 0 : i32
      %dma_start3A_361 = tpu.memref_slice %arg7[%add3A_354, %dma_start3A_359, %dma_start3A_360] : memref<3375x128x128xf32, #tpu.memory_space<hbm>> -> memref<1x128x128xf32, #tpu.memory_space<hbm>>
      %dma_start3A_362 = tpu.memref_squeeze %dma_start3A_361 : memref<1x128x128xf32, #tpu.memory_space<hbm>> -> memref<128x128xf32, #tpu.memory_space<hbm>>
      tpu.enqueue_dma source(%arg14 : memref<128x128xf32, #tpu.memory_space<vmem>>) target(%dma_start3A_362 : memref<128x128xf32, #tpu.memory_space<hbm>>) target_semaphore(%arg26 : memref<!tpu.dma_semaphore, #tpu.memory_space<semaphore_mem>>)
      %mul3A_363 = arith.constant 6 : i32
      %mul3A_364 = arith.muli %mul3A_363, %while3A_181 : i32
      %add3A_365 = arith.constant 5 : i32
      %add3A_366 = arith.addi %mul3A_364, %add3A_365 : i32
      %dma_wait3A_367 = arith.constant 0 : i32
      %dma_wait3A_368 = tpu.memref_slice %arg9[%add3A_366, %dma_wait3A_367] : memref<112x128xi32, #tpu.memory_space<vmem>> -> memref<1x128xi32, #tpu.memory_space<vmem>>
      %dma_wait3A_369 = tpu.memref_squeeze %dma_wait3A_368 : memref<1x128xi32, #tpu.memory_space<vmem>> -> memref<128xi32, #tpu.memory_space<vmem>>
      %dma_wait3A_370 = arith.constant 0 : i32
      %dma_wait3A_371 = arith.constant 0 : i32
      %dma_wait3A_372 = tpu.memref_slice %arg3[%dma_wait3A_370, %dma_wait3A_371] : memref<80000x128xf32, #tpu.memory_space<hbm>> -> memref<80000x128xf32, #tpu.memory_space<hbm>>
      tpu.wait_indirect_dma semaphore(%arg21 : memref<!tpu.dma_semaphore, #tpu.memory_space<semaphore_mem>>) src(%dma_wait3A_372 : memref<80000x128xf32, #tpu.memory_space<hbm>>) dst(%arg15 : memref<128x128xf32, #tpu.memory_space<vmem>>)
      %add3A_373 = arith.addi %mul3A_92, %add3A_366 : i32
      %dma_start3A_374 = arith.constant 0 : i32
      %dma_start3A_375 = arith.constant 0 : i32
      %dma_start3A_376 = tpu.memref_slice %arg7[%add3A_373, %dma_start3A_374, %dma_start3A_375] : memref<3375x128x128xf32, #tpu.memory_space<hbm>> -> memref<1x128x128xf32, #tpu.memory_space<hbm>>
      %dma_start3A_377 = tpu.memref_squeeze %dma_start3A_376 : memref<1x128x128xf32, #tpu.memory_space<hbm>> -> memref<128x128xf32, #tpu.memory_space<hbm>>
      %dma_start3A_378 = arith.constant 0 : i32
      %dma_start3A_379 = arith.constant 0 : i32
      %dma_start3A_380 = tpu.memref_slice %arg7[%add3A_373, %dma_start3A_378, %dma_start3A_379] : memref<3375x128x128xf32, #tpu.memory_space<hbm>> -> memref<1x128x128xf32, #tpu.memory_space<hbm>>
      %dma_start3A_381 = tpu.memref_squeeze %dma_start3A_380 : memref<1x128x128xf32, #tpu.memory_space<hbm>> -> memref<128x128xf32, #tpu.memory_space<hbm>>
      tpu.enqueue_dma source(%arg15 : memref<128x128xf32, #tpu.memory_space<vmem>>) target(%dma_start3A_381 : memref<128x128xf32, #tpu.memory_space<hbm>>) target_semaphore(%arg27 : memref<!tpu.dma_semaphore, #tpu.memory_space<semaphore_mem>>)
    }
    %dma_wait3A_127 = arith.constant 0 : i32
    %dma_wait3A_128 = arith.constant 0 : i32
    %dma_wait3A_129 = tpu.memref_slice %arg7[%mul3A_92, %dma_wait3A_127, %dma_wait3A_128] : memref<3375x128x128xf32, #tpu.memory_space<hbm>> -> memref<1x128x128xf32, #tpu.memory_space<hbm>>
    %dma_wait3A_130 = tpu.memref_squeeze %dma_wait3A_129 : memref<1x128x128xf32, #tpu.memory_space<hbm>> -> memref<128x128xf32, #tpu.memory_space<hbm>>
    %dma_wait3A_131 = arith.constant 0 : i32
    %dma_wait3A_132 = arith.constant 0 : i32
    %dma_wait3A_133 = tpu.memref_slice %arg7[%mul3A_92, %dma_wait3A_131, %dma_wait3A_132] : memref<3375x128x128xf32, #tpu.memory_space<hbm>> -> memref<1x128x128xf32, #tpu.memory_space<hbm>>
    %dma_wait3A_134 = tpu.memref_squeeze %dma_wait3A_133 : memref<1x128x128xf32, #tpu.memory_space<hbm>> -> memref<128x128xf32, #tpu.memory_space<hbm>>
    tpu.wait_dma2 semaphore(%arg22 : memref<!tpu.dma_semaphore, #tpu.memory_space<semaphore_mem>>) src(%arg10 : memref<128x128xf32, #tpu.memory_space<vmem>>) dst(%dma_wait3A_134 : memref<128x128xf32, #tpu.memory_space<hbm>>)
    %dma_wait3A_135 = arith.constant 0 : i32
    %dma_wait3A_136 = arith.constant 0 : i32
    %dma_wait3A_137 = tpu.memref_slice %arg7[%mul3A_92, %dma_wait3A_135, %dma_wait3A_136] : memref<3375x128x128xf32, #tpu.memory_space<hbm>> -> memref<1x128x128xf32, #tpu.memory_space<hbm>>
    %dma_wait3A_138 = tpu.memref_squeeze %dma_wait3A_137 : memref<1x128x128xf32, #tpu.memory_space<hbm>> -> memref<128x128xf32, #tpu.memory_space<hbm>>
    %dma_wait3A_139 = arith.constant 0 : i32
    %dma_wait3A_140 = arith.constant 0 : i32
    %dma_wait3A_141 = tpu.memref_slice %arg7[%mul3A_92, %dma_wait3A_139, %dma_wait3A_140] : memref<3375x128x128xf32, #tpu.memory_space<hbm>> -> memref<1x128x128xf32, #tpu.memory_space<hbm>>
    %dma_wait3A_142 = tpu.memref_squeeze %dma_wait3A_141 : memref<1x128x128xf32, #tpu.memory_space<hbm>> -> memref<128x128xf32, #tpu.memory_space<hbm>>
    tpu.wait_dma2 semaphore(%arg23 : memref<!tpu.dma_semaphore, #tpu.memory_space<semaphore_mem>>) src(%arg11 : memref<128x128xf32, #tpu.memory_space<vmem>>) dst(%dma_wait3A_142 : memref<128x128xf32, #tpu.memory_space<hbm>>)
    %dma_wait3A_143 = arith.constant 0 : i32
    %dma_wait3A_144 = arith.constant 0 : i32
    %dma_wait3A_145 = tpu.memref_slice %arg7[%mul3A_92, %dma_wait3A_143, %dma_wait3A_144] : memref<3375x128x128xf32, #tpu.memory_space<hbm>> -> memref<1x128x128xf32, #tpu.memory_space<hbm>>
    %dma_wait3A_146 = tpu.memref_squeeze %dma_wait3A_145 : memref<1x128x128xf32, #tpu.memory_space<hbm>> -> memref<128x128xf32, #tpu.memory_space<hbm>>
    %dma_wait3A_147 = arith.constant 0 : i32
    %dma_wait3A_148 = arith.constant 0 : i32
    %dma_wait3A_149 = tpu.memref_slice %arg7[%mul3A_92, %dma_wait3A_147, %dma_wait3A_148] : memref<3375x128x128xf32, #tpu.memory_space<hbm>> -> memref<1x128x128xf32, #tpu.memory_space<hbm>>
    %dma_wait3A_150 = tpu.memref_squeeze %dma_wait3A_149 : memref<1x128x128xf32, #tpu.memory_space<hbm>> -> memref<128x128xf32, #tpu.memory_space<hbm>>
    tpu.wait_dma2 semaphore(%arg24 : memref<!tpu.dma_semaphore, #tpu.memory_space<semaphore_mem>>) src(%arg12 : memref<128x128xf32, #tpu.memory_space<vmem>>) dst(%dma_wait3A_150 : memref<128x128xf32, #tpu.memory_space<hbm>>)
    %dma_wait3A_151 = arith.constant 0 : i32
    %dma_wait3A_152 = arith.constant 0 : i32
    %dma_wait3A_153 = tpu.memref_slice %arg7[%mul3A_92, %dma_wait3A_151, %dma_wait3A_152] : memref<3375x128x128xf32, #tpu.memory_space<hbm>> -> memref<1x128x128xf32, #tpu.memory_space<hbm>>
    %dma_wait3A_154 = tpu.memref_squeeze %dma_wait3A_153 : memref<1x128x128xf32, #tpu.memory_space<hbm>> -> memref<128x128xf32, #tpu.memory_space<hbm>>
    %dma_wait3A_155 = arith.constant 0 : i32
    %dma_wait3A_156 = arith.constant 0 : i32
    %dma_wait3A_157 = tpu.memref_slice %arg7[%mul3A_92, %dma_wait3A_155, %dma_wait3A_156] : memref<3375x128x128xf32, #tpu.memory_space<hbm>> -> memref<1x128x128xf32, #tpu.memory_space<hbm>>
    %dma_wait3A_158 = tpu.memref_squeeze %dma_wait3A_157 : memref<1x128x128xf32, #tpu.memory_space<hbm>> -> memref<128x128xf32, #tpu.memory_space<hbm>>
    tpu.wait_dma2 semaphore(%arg25 : memref<!tpu.dma_semaphore, #tpu.memory_space<semaphore_mem>>) src(%arg13 : memref<128x128xf32, #tpu.memory_space<vmem>>) dst(%dma_wait3A_158 : memref<128x128xf32, #tpu.memory_space<hbm>>)
    %dma_wait3A_159 = arith.constant 0 : i32
    %dma_wait3A_160 = arith.constant 0 : i32
    %dma_wait3A_161 = tpu.memref_slice %arg7[%mul3A_92, %dma_wait3A_159, %dma_wait3A_160] : memref<3375x128x128xf32, #tpu.memory_space<hbm>> -> memref<1x128x128xf32, #tpu.memory_space<hbm>>
    %dma_wait3A_162 = tpu.memref_squeeze %dma_wait3A_161 : memref<1x128x128xf32, #tpu.memory_space<hbm>> -> memref<128x128xf32, #tpu.memory_space<hbm>>
    %dma_wait3A_163 = arith.constant 0 : i32
    %dma_wait3A_164 = arith.constant 0 : i32
    %dma_wait3A_165 = tpu.memref_slice %arg7[%mul3A_92, %dma_wait3A_163, %dma_wait3A_164] : memref<3375x128x128xf32, #tpu.memory_space<hbm>> -> memref<1x128x128xf32, #tpu.memory_space<hbm>>
    %dma_wait3A_166 = tpu.memref_squeeze %dma_wait3A_165 : memref<1x128x128xf32, #tpu.memory_space<hbm>> -> memref<128x128xf32, #tpu.memory_space<hbm>>
    tpu.wait_dma2 semaphore(%arg26 : memref<!tpu.dma_semaphore, #tpu.memory_space<semaphore_mem>>) src(%arg14 : memref<128x128xf32, #tpu.memory_space<vmem>>) dst(%dma_wait3A_166 : memref<128x128xf32, #tpu.memory_space<hbm>>)
    %dma_wait3A_167 = arith.constant 0 : i32
    %dma_wait3A_168 = arith.constant 0 : i32
    %dma_wait3A_169 = tpu.memref_slice %arg7[%mul3A_92, %dma_wait3A_167, %dma_wait3A_168] : memref<3375x128x128xf32, #tpu.memory_space<hbm>> -> memref<1x128x128xf32, #tpu.memory_space<hbm>>
    %dma_wait3A_170 = tpu.memref_squeeze %dma_wait3A_169 : memref<1x128x128xf32, #tpu.memory_space<hbm>> -> memref<128x128xf32, #tpu.memory_space<hbm>>
    %dma_wait3A_171 = arith.constant 0 : i32
    %dma_wait3A_172 = arith.constant 0 : i32
    %dma_wait3A_173 = tpu.memref_slice %arg7[%mul3A_92, %dma_wait3A_171, %dma_wait3A_172] : memref<3375x128x128xf32, #tpu.memory_space<hbm>> -> memref<1x128x128xf32, #tpu.memory_space<hbm>>
    %dma_wait3A_174 = tpu.memref_squeeze %dma_wait3A_173 : memref<1x128x128xf32, #tpu.memory_space<hbm>> -> memref<128x128xf32, #tpu.memory_space<hbm>>
    tpu.wait_dma2 semaphore(%arg27 : memref<!tpu.dma_semaphore, #tpu.memory_space<semaphore_mem>>) src(%arg15 : memref<128x128xf32, #tpu.memory_space<vmem>>) dst(%dma_wait3A_174 : memref<128x128xf32, #tpu.memory_space<hbm>>)
    %scan3A_175 = arith.constant 0 : i32
    %scan3A_176 = arith.constant 0 : i32
    %scan3A_177 = arith.constant 5 : i32
    %scan3A_178 = arith.addi %scan3A_176, %scan3A_177 : i32
    %scan3A_179 = arith.constant 1 : i32
    scf.for %scan3A_181 = %scan3A_176 to %scan3A_178 step %scan3A_179  : i32 {
      %mul3A_182 = arith.constant 6 : i32
      %mul3A_183 = arith.muli %mul3A_182, %select_n3A_116 : i32
      %add3A_184 = arith.addi %mul3A_183, %scan3A_181 : i32
      %lt3A = arith.cmpi slt, %add3A_184, %select_n3A_90 : i32
      %convert_element_type3A = arith.extui %lt3A : i1 to i32
      %cond3A = arith.constant 0 : i32
      %cond3A_185 = arith.cmpi ne, %convert_element_type3A, %cond3A : i32
      scf.if %cond3A_185 {
        %dma_start3A = arith.constant 0 : i32
        %dma_start3A_186 = tpu.memref_slice %arg9[%add3A_184, %dma_start3A] : memref<112x128xi32, #tpu.memory_space<vmem>> -> memref<1x128xi32, #tpu.memory_space<vmem>>
        %dma_start3A_187 = tpu.memref_squeeze %dma_start3A_186 : memref<1x128xi32, #tpu.memory_space<vmem>> -> memref<128xi32, #tpu.memory_space<vmem>>
        %dma_start3A_188 = arith.constant 0 : i32
        %dma_start3A_189 = arith.constant 0 : i32
        %dma_start3A_190 = tpu.memref_slice %arg3[%dma_start3A_188, %dma_start3A_189] : memref<80000x128xf32, #tpu.memory_space<hbm>> -> memref<80000x128xf32, #tpu.memory_space<hbm>>
        tpu.enqueue_indirect_dma source(%dma_start3A_190 : memref<80000x128xf32, #tpu.memory_space<hbm>>) target(%arg10 : memref<128x128xf32, #tpu.memory_space<vmem>>) offsets(%dma_start3A_187 : memref<128xi32, #tpu.memory_space<vmem>>) semaphore(%arg16 : memref<!tpu.dma_semaphore, #tpu.memory_space<semaphore_mem>>)
        %dma_wait3A_191 = arith.constant 0 : i32
        %dma_wait3A_192 = tpu.memref_slice %arg9[%add3A_184, %dma_wait3A_191] : memref<112x128xi32, #tpu.memory_space<vmem>> -> memref<1x128xi32, #tpu.memory_space<vmem>>
        %dma_wait3A_193 = tpu.memref_squeeze %dma_wait3A_192 : memref<1x128xi32, #tpu.memory_space<vmem>> -> memref<128xi32, #tpu.memory_space<vmem>>
        %dma_wait3A_194 = arith.constant 0 : i32
        %dma_wait3A_195 = arith.constant 0 : i32
        %dma_wait3A_196 = tpu.memref_slice %arg3[%dma_wait3A_194, %dma_wait3A_195] : memref<80000x128xf32, #tpu.memory_space<hbm>> -> memref<80000x128xf32, #tpu.memory_space<hbm>>
        tpu.wait_indirect_dma semaphore(%arg16 : memref<!tpu.dma_semaphore, #tpu.memory_space<semaphore_mem>>) src(%dma_wait3A_196 : memref<80000x128xf32, #tpu.memory_space<hbm>>) dst(%arg10 : memref<128x128xf32, #tpu.memory_space<vmem>>)
        %add3A_197 = arith.addi %mul3A_92, %add3A_184 : i32
        "tpu.region"() ({
          %run_scoped3A = tpu.sem_alloc : memref<!tpu.dma_semaphore, #tpu.memory_space<semaphore_mem>>
          %dma_start3A_198 = arith.constant 0 : i32
          %dma_start3A_199 = arith.constant 0 : i32
          %dma_start3A_200 = tpu.memref_slice %arg7[%add3A_197, %dma_start3A_198, %dma_start3A_199] : memref<3375x128x128xf32, #tpu.memory_space<hbm>> -> memref<1x128x128xf32, #tpu.memory_space<hbm>>
          %dma_start3A_201 = tpu.memref_squeeze %dma_start3A_200 : memref<1x128x128xf32, #tpu.memory_space<hbm>> -> memref<128x128xf32, #tpu.memory_space<hbm>>
          %dma_start3A_202 = arith.constant 0 : i32
          %dma_start3A_203 = arith.constant 0 : i32
          %dma_start3A_204 = tpu.memref_slice %arg7[%add3A_197, %dma_start3A_202, %dma_start3A_203] : memref<3375x128x128xf32, #tpu.memory_space<hbm>> -> memref<1x128x128xf32, #tpu.memory_space<hbm>>
          %dma_start3A_205 = tpu.memref_squeeze %dma_start3A_204 : memref<1x128x128xf32, #tpu.memory_space<hbm>> -> memref<128x128xf32, #tpu.memory_space<hbm>>
          tpu.enqueue_dma source(%arg10 : memref<128x128xf32, #tpu.memory_space<vmem>>) target(%dma_start3A_205 : memref<128x128xf32, #tpu.memory_space<hbm>>) target_semaphore(%run_scoped3A : memref<!tpu.dma_semaphore, #tpu.memory_space<semaphore_mem>>)
          %dma_wait3A_206 = arith.constant 0 : i32
          %dma_wait3A_207 = arith.constant 0 : i32
          %dma_wait3A_208 = tpu.memref_slice %arg7[%add3A_197, %dma_wait3A_206, %dma_wait3A_207] : memref<3375x128x128xf32, #tpu.memory_space<hbm>> -> memref<1x128x128xf32, #tpu.memory_space<hbm>>
          %dma_wait3A_209 = tpu.memref_squeeze %dma_wait3A_208 : memref<1x128x128xf32, #tpu.memory_space<hbm>> -> memref<128x128xf32, #tpu.memory_space<hbm>>
          %dma_wait3A_210 = arith.constant 0 : i32
          %dma_wait3A_211 = arith.constant 0 : i32
          %dma_wait3A_212 = tpu.memref_slice %arg7[%add3A_197, %dma_wait3A_210, %dma_wait3A_211] : memref<3375x128x128xf32, #tpu.memory_space<hbm>> -> memref<1x128x128xf32, #tpu.memory_space<hbm>>
          %dma_wait3A_213 = tpu.memref_squeeze %dma_wait3A_212 : memref<1x128x128xf32, #tpu.memory_space<hbm>> -> memref<128x128xf32, #tpu.memory_space<hbm>>
          tpu.wait_dma2 semaphore(%run_scoped3A : memref<!tpu.dma_semaphore, #tpu.memory_space<semaphore_mem>>) src(%arg10 : memref<128x128xf32, #tpu.memory_space<vmem>>) dst(%dma_wait3A_213 : memref<128x128xf32, #tpu.memory_space<hbm>>)
          tpu.yield
        }) : () -> ()
      } else {
      }
    }
    %scan3A_180 = arith.constant 5 : i32
    return
  }
}

</mosaic_0001>

<sc_bundles>
// kernel: kernel.3.cloned.1.call-start
scs
__scs_entry_jumppad:
0x0: {  	(pc) =	sbr.rel $0x88, $3  }
0x1: {  	(tag) =	ssettag $0x0;
	lr =	simm.s32 $0x1  }
0x2: {  	[smem:$0x3F9C] =	sst lr;
	_ =	strace $0xD0000000  }
0x3: {  	_ = 	snop  }
0x4: {  	_ = 	snop  }
0x5: {  	_ = 	snop  }
0x6: {  	_ = 	snop  }
0x7: {  	_ = 	snop  }
__scs_overlays_trampoline_lowered:
0x8: {  	[smem:$0x3FAB] =	sst s0  }
0x9: {  	[smem:$0x3FAC] =	sst s1  }
0xa: {  	[smem:$0x3FAD] =	sst s2  }
0xb: {  	[smem:$0x3FAE] =	sst s3  }
0xc: {  	[smem:$0x3FAF] =	sst s4  }
0xd: {  	[smem:$0x3FB0] =	sst s5  }
0xe: {  	[smem:$0x3FB1] =	sst s6  }
0xf: {  	[smem:$0x3FB2] =	sst s7  }
0x10: {  	[smem:$0x3FB3] =	sst s8  }
0x11: {  	[smem:$0x3FB4] =	sst s9;
	s0 =	simm.s32 @!p0 $0x0  }
0x12: {  	s1 =	sld [smem:$0x3F9A];
	s0 =	simm.s32 @p0 $0x1  }
0x13: {  	[smem:$0x3FB5] =	sst s0;
	s0 =	simm.s32 @!p1 $0x0  }
0x14: {  	s2 =	sld [smem:$0x3F99];
	s0 =	simm.s32 @p1 $0x1  }
0x15: {  	[smem:$0x3FB6] =	sst s0;
	s0 =	simm.s32 @!p2 $0x0  }
0x16: {  	s3 =	sld [smem:$0x3FDB];
	s0 =	simm.s32 @p2 $0x1  }
0x17: {  	s4 =	simm.s32 $0x1BF5;
	[smem:$0x3FB8] =	sst s0  }
0x18: {  	s0 =	sld [smem:$0x3F9B];
	_ =	swait.ge [sflag:s4], $0x0  }
0x19: {  	s7 =	sld [smem:$0x3F9C]  }
0x1a: {  	s8 =	sadd.s32 $0xFFFFE003, lr  }
0x1b: {  	s9 =	sadd.s32 $0xFFFFFEF7, lr;
	s5 =	simm.s32 $0xFFFFFFFF;
	p2 =	slt.u32 s8, $0xFFFFF086  }
0x1c: {  	p1 =	slt.u32 s9, $0xF7A;
	s5 =	simm.s32 @!p2 $0x0  }
0x1d: {  	s5 =	simm.s32 @p1 $0x1;
	p0 =	seq.s32 s7, s2  }
0x1e: {  	s7 =	smul.u32 @!p0 $0xF7A, s2;
	p2 =	seq.s32 @!p0 s5, $0x0  }
0x1f: {  	s9 =	smul.u32 $0xF7A, s1;
	s8 =	simm.s32 @!p0 $0x1BF5;
	p2 =	por !p2, p0  }
0x20: {  	[sflag:s8] =	ssyncset.s32 @!p0 $0xFFFFF086;
	s6 =	sadd.s32 @!p0 s3, s7;
	s7 =	simm.s32 @!p0 $0x108  }
0x21: {  	s3 =	sadd.s32 s3, s9;
	s6 =	sadd.s32 @!p0 $0x88, s6;
	s7 =	simm.s32 @p2 $0x1082  }
0x22: {  	[simem:s7], [sflag:s8] =	dma.local @!p0 [hbm:s6], $0xF7A  }
0x23: {  	s9 =	sor.u32 $0xD0000000, s2;
	s6 =	simm.s32 $0x108;
	_ =	swait.ge @!p0 [sflag:s8], $0x0  }
0x24: {  	s3 =	sadd.s32 $0x88, s3;
	s6 =	simm.s32 @!p1 $0x1082;
	[sflag:s4] =	ssyncset.s32 $0xFFFFF086  }
0x25: {  	[simem:s6], [sflag:s4] =	dma.local [hbm:s3], $0xF7A  }
0x26: {  	[smem:$0x3F9C] =	sst s1;
	(tag) =	ssettag s2;
	_ =	strace s9  }
0x27: {  	s1 =	sld [smem:$0x3FAC]  }
0x28: {  	s2 =	sld [smem:$0x3FAD]  }
0x29: {  	s4 =	sld [smem:$0x3FAF]  }
0x2a: {  	p0 =	seq.s32 s5, $0x0;
	s5 =	sld [smem:$0x3FB0]  }
0x2b: {  	s6 =	sld [smem:$0x3FB1]  }
0x2c: {  	s7 =	sld [smem:$0x3FB2]  }
0x2d: {  	s3 =	simm.s32 $0x108;
	s8 =	sld [smem:$0x3FB3]  }
0x2e: {  	s3 =	simm.s32 @!p0 $0x1082;
	s9 =	sld [smem:$0x3FB4]  }
0x2f: {  	lr =	sadd.s32 s0, s3;
	s0 =	sld [smem:$0x3FAB]  }
0x30: {  	s3 =	sld [smem:$0x3FAE]  }
0x31: {  	[smem:$0x3FB7] =	sst s10  }
0x32: {  	s10 =	sld [smem:$0x3FB5];
	_ =	sdelay $0x3  }
0x33: {  	p0 =	seq.s32 s10, $0x1;
	s10 =	sld [smem:$0x3FB7];
	_ =	sdelay $0x3  }
0x34: {  	[smem:$0x3FB7] =	sst s10  }
0x35: {  	s10 =	sld [smem:$0x3FB6];
	_ =	sdelay $0x3  }
0x36: {  	p1 =	seq.s32 s10, $0x1;
	s10 =	sld [smem:$0x3FB7];
	_ =	sdelay $0x3  }
0x37: {  	[smem:$0x3FB7] =	sst s10  }
0x38: {  	s10 =	sld [smem:$0x3FB8]  }
0x39: {  	_ = 	snop;
	(pc) =	sbr.ind lr, $3  }
0x3a: {  	_ = 	snop  }
0x3b: {  	_ = 	snop  }
0x3c: {  	p2 =	seq.s32 s10, $0x1;
	s10 =	sld [smem:$0x3FB7]  }
0x3d: {  	_ =	shalt  }
0x3e: {  	_ =	shalt  }
0x3f: {  	_ =	shalt  }
0x40: {  	_ =	shalt  }
0x41: {  	_ =	shalt  }
0x42: {  	_ =	shalt  }
0x43: {  	_ =	shalt  }
0x44: {  	_ =	shalt  }
0x45: {  	_ =	shalt  }
0x46: {  	_ =	shalt  }
0x47: {  	_ =	shalt  }
0x48: {  	_ =	shalt  }
0x49: {  	_ =	shalt  }
0x4a: {  	_ =	shalt  }
0x4b: {  	_ =	shalt  }
0x4c: {  	_ =	shalt  }
0x4d: {  	_ =	shalt  }
0x4e: {  	_ =	shalt  }
0x4f: {  	_ =	shalt  }
0x50: {  	_ =	shalt  }
0x51: {  	_ =	shalt  }
0x52: {  	_ =	shalt  }
0x53: {  	_ =	shalt  }
0x54: {  	_ =	shalt  }
0x55: {  	_ =	shalt  }
0x56: {  	_ =	shalt  }
0x57: {  	_ =	shalt  }
0x58: {  	_ =	shalt  }
0x59: {  	_ =	shalt  }
0x5a: {  	_ =	shalt  }
0x5b: {  	_ =	shalt  }
0x5c: {  	_ =	shalt  }
0x5d: {  	_ =	shalt  }
0x5e: {  	_ =	shalt  }
0x5f: {  	_ =	shalt  }
0x60: {  	_ =	shalt  }
0x61: {  	_ =	shalt  }
0x62: {  	_ =	shalt  }
0x63: {  	_ =	shalt  }
0x64: {  	_ =	shalt  }
0x65: {  	_ =	shalt  }
0x66: {  	_ =	shalt  }
0x67: {  	_ =	shalt  }
0x68: {  	_ =	shalt  }
0x69: {  	_ =	shalt  }
0x6a: {  	_ =	shalt  }
0x6b: {  	_ =	shalt  }
0x6c: {  	_ =	shalt  }
0x6d: {  	_ =	shalt  }
0x6e: {  	_ =	shalt  }
0x6f: {  	_ =	shalt  }
0x70: {  	_ =	shalt  }
0x71: {  	_ =	shalt  }
0x72: {  	_ =	shalt  }
0x73: {  	_ =	shalt  }
0x74: {  	_ =	shalt  }
0x75: {  	_ =	shalt  }
0x76: {  	_ =	shalt  }
0x77: {  	_ =	shalt  }
0x78: {  	_ =	shalt  }
0x79: {  	_ =	shalt  }
0x7a: {  	_ =	shalt  }
0x7b: {  	_ =	shalt  }
0x7c: {  	_ =	shalt  }
0x7d: {  	_ =	shalt  }
0x7e: {  	_ =	shalt  }
0x7f: {  	_ =	shalt  }
0x80: {  	_ =	shalt  }
0x81: {  	_ =	shalt  }
0x82: {  	_ =	shalt  }
0x83: {  	_ =	shalt  }
0x84: {  	_ =	shalt  }
0x85: {  	_ =	shalt  }
0x86: {  	_ =	shalt  }
0x87: {  	_ =	shalt  }
.Lfunc_end0:
.L_simem_size_0:
called_computation_lowered:
.L_overlay_start_0:
0x88: {  	s2 =	sld [smem:$0x3FD9]  }
0x89: {  	s3 =	sld [smem:$0x3FFE];
	_ =	sdelay $0x1  }
0x8a: {  	s1 =	srdreg.scid  }
0x8b: {  	s0 =	sand.u32 $0x1, s1  }
0x8c: {  	s14 =	sshll.u32 s0, $0xA;
	s2 =	sadd.s32 s3, s2  }
0x8d: {  	s2 =	sadd.s32 s2, s14  }
0x8e: {  	[smem:$0x3FC3] =	sst s2  }
0x8f: {  	_ = 	snop  }
0x90: {  	s2 =	sld [smem:$0x3FD0];
	_ =	sdelay $0x2  }
0x91: {  	s15 =	simm.s32 $0xA;
	s4 =	simm.s32 $0x10  }
0x92: {  	[smem:s4], [sflag:s15] =	dma.local [hbm:s2], $0x1  }
0x93: {  	_ =	swait.eq [sflag:s15], $0x1  }
0x94: {  	[sflag:s15] =	ssyncset.done $0x0  }
0x95: {  	s16 =	sld [smem:$0x10];
	[sflag:s15] =	ssyncadd.s32 $0xFFFFFFFF  }
0x96: {  	s17 =	sld [smem:$0x11];
	(tm) =	ssettm $0x1  }
0x97: {  	s18 =	sld [smem:$0x3FFB];
	_ =	sdelay $0x3  }
0x98: {  	_ =	strace s18  }
0x99: {  	s4 =	sld [smem:$0x3FFC];
	_ =	sdelay $0x3  }
0x9a: {  	_ =	strace s4  }
0x9b: {  	s4 =	sld [smem:$0x3FFD];
	_ =	sdelay $0x3  }
0x9c: {  	_ =	strace s4  }
0x9d: {  	_ =	strace $0x8FFFFFFF  }
0x9e: {  	s19 =	sld [smem:$0x3FDB];
	_ =	sdelay $0x1  }
0x9f: {  	s5 =	simm.s32 $_scs_section_size  }
0xa0: {  	s6 =	simm.s32 $_size__tile_overlayer_lowered;
	s7 =	simm.s32 $_tile_overlayer_lowered  }
0xa1: {  	s22 =	simm.s32 $0x1BFF;
	s21 =	sshll.u32 s7, $0x1;
	s4 =	sadd.s32 s5, s19  }
0xa2: {  	s8 =	simm.s32 $0x0;
	s20 =	sshll.u32 s6, $0x1;
	s6 =	sadd.s32 s21, s4  }
0xa3: {  	[timem:s8], [sflag:s22] =	dma.local [hbm:s6], s20  }
0xa4: {  	_ =	swait.ge [sflag:s22], s20  }
0xa5: {  	s5 =	ssub.s32 $0x0, s20;
	[sflag:s22] =	ssyncset.done $0x0  }
0xa6: {  	[sflag:s22] =	ssyncadd.s32 s5;
	_ =	sdelay $0x1  }
0xa7: {  	s23 =	simm.s32 $0x1B8B  }
0xa8: {  	_ =	swait.ge [sflag:s23], $0x1  }
0xa9: {  	[sflag:s23] =	ssyncset.done $0x0  }
0xaa: {  	s25 =	simm.s32 $0x1B8E;
	s24 =	sld [smem:$0x3FFE];
	[sflag:s23] =	ssyncadd.s32 $0xFFFFFFFF  }
0xab: {  	s26 =	simm.s32 $execute0_lowered;
	[smem:$0x3FD2] =	sst s25  }
0xac: {  	s6 =	sshll.u32 s26, $0x1;
	_ =	strace $0x80000046;
	[dreg:$0x1] =	wrdreg $0xFFFFFFFF  }
0xad: {  	s28 =	simm.s32 $_size_execute0_lowered;
	s4 =	sadd.s32 s4, s6;
	[dreg:$0x0] =	wrdreg $0x0  }
0xae: {  	s6 =	sshll.u32 s28, $0x1;
	[dreg:$0x2] =	wrdreg s4  }
0xaf: {  	[dreg:$0x3] =	wrdreg s6  }
0xb0: {  	[dreg:$0x4] =	wrdreg $0xC0  }
0xb1: {  	_ =	task [dreg:s8], $0x5FFFF  }
0xb2: {  	[dreg:$0x1] =	wrdreg $0xFFFFFFFF  }
0xb3: {  	[dreg:$0x0] =	wrdreg $0x60  }
0xb4: {  	[dreg:$0x2] =	wrdreg s24  }
0xb5: {  	[dreg:$0x3] =	wrdreg s16  }
0xb6: {  	[dreg:$0x4] =	wrdreg s17  }
0xb7: {  	[dreg:$0x5] =	wrdreg $0x9  }
0xb8: {  	_ =	task.clear_ibuf [dreg:s8], $0x6FFFF;
	_ =	strace $0x90000046  }
0xb9: {  	s29 =	simm.s32 $0x9;
	_ =	strace $0x80000048  }
0xba: {  	_ =	swait.ge [sflag:s29], $0x1  }
0xbb: {  	[sflag:s29] =	ssyncadd.s32 $0xFFFFFFFF  }
0xbc: {  	_ =	strace $0x90000048  }
0xbd: {  	_ =	sfence  }
0xbe: {  	s30 =	sld [smem:$0x0];
	_ =	sdelay $0x2  }
0xbf: {  	s31 =	sshll.u32 s1, $0xD;
	s1 =	sshrl.u32 s1, $0x2  }
0xc0: {  	s3 =	sand.u32 $0x4000, s31;
	s1 =	sadd.s32 s1, s30  }
0xc1: {  	s0 =	sor.u32 s3, s0;
	s1 =	sshll.u32 s1, $0x11  }
0xc2: {  	s0 =	sor.u32 s1, s0  }
0xc3: {  	s0 =	sadd.s32 $0x8F2B, s0  }
0xc4: {  	[sflag:s0] =	ssyncadd.remote.s32 $0x1  }
0xc5: {  	_ =	sfence.sel $0xFFFF  }
0xc6: {  	[dreg:$0x0] =	wrdreg $0xFFFFFFFF;
	(pc) =	sbr.abs _section_cstart, $3  }
0xc7: {  	[dreg:$0x1] =	wrdreg $0xFFFFFFFF  }
0xc8: {  	_ =	task.clear_ibuf [dreg:s8], $0x2FFFF;
	_ =	strace $0x9FFFFFFF  }
0xc9: {  	(tm) =	ssettm $0x7FFFFFFF  }
tec
execute0_lowered:
.L_overlay_start_1:
0x0: {  	(tag) =	ssettag $0x1  }
0x1: {  	s0 =	rddreg [dreg:$0x0]  }
0x2: {  	s24 =	rddreg [dreg:$0x1]  }
0x3: {  	s1 =	srdreg.scid;
	s3 =	rddreg [dreg:$0x2]  }
0x4: {  	s2 =	stileid.u32;
	s4 =	simm.s32 $0x0;
	s7 =	simm.s32 $0xC  }
0x5: {  	s9 =	simm.s32 $0x1B;
	s28 =	simm.s32 $0x6;
	s20 =	smul.u32 $0x18000, s2  }
0x6: {  	s1 =	sand.u32 $0x1, s1;
	[smem:$0x7FF] =	sst s4;
	s31 =	smul.u32 $0x36000, s2  }
0x7: {  	s5 =	sshll.u32 s1, $0x4;
	_ =	strace $0x80000047;
	s30 =	smul.u32 $0x180000, s1  }
0x8: {  	s13 =	ssub.s32 $0x2, s1;
	s1 =	smul.u32 $0x360000, s1;
	s6 =	sor.u32 s2, s5  }
0x9: {  	s5 =	sadd.s32 $0x17400, s0;
	s29 =	sshrl.u32 s13, $0x1;
	s8 =	smul.u32 $0x300, s6  }
0xa: {  	p0 =	seq.s32 s6, $0x1F;
	s12 =	smul.u32 $0x700, s6;
	s13 =	ssub.s32 s13, s29  }
0xb: {  	s1 =	sadd.s32 s1, s3;
	[dreg:$0x5] =	wrdreg s5;
	s7 =	simm.s32 @!p0 $0x30  }
0xc: {  	s9 =	simm.s32 @!p0 $0x6C;
	s1 =	sadd.s32 s31, s1;
	s10 =	smul.u32 $0x2B, s7  }
0xd: {  	s13 =	smax.u32 s13, $0x1;
	s11 =	smul.u32 $0x2B, s9;
	s15 =	sadd.s32 s8, s0  }
0xe: {  	s8 =	sadd.s32 s30, s24;
	[dreg:$0x7] =	wrdreg s1;
	s12 =	sadd.s32 s12, s0  }
0xf: {  	[dreg:$0xb] =	wrdreg s13;
	s25 =	sadd.s32 s20, s8;
	s26 =	sadd.s32 $0x3400, s15  }
0x10: {  	s29 =	sadd.s32 $0x9400, s12;
	s12 =	smul.u32 $0x6C, s6;
	s10 =	sshrl.u32 s10, $0x8  }
0x11: {  	s11 =	sshrl.u32 s11, $0x8;
	[dreg:$0x6] =	wrdreg s25;
	s14 =	smul.u32 $0x6, s10  }
0x12: {  	s8 =	smov.u32 s24;
	[dreg:$0x9] =	wrdreg s26;
	s16 =	smul.u32 $0x6, s11  }
0x13: {  	[dreg:$0xa] =	wrdreg s29;
	s21 =	ssub.s32 $0x0, s10;
	s30 =	smul.u32 $0xC00, s10  }
0x14: {  	[dreg:$0x4] =	wrdreg s21;
	s17 =	sor.u32 $0x1, s14;
	s18 =	sadd.s32 $0x2, s14  }
0x15: {  	s19 =	sadd.s32 $0x3, s14;
	s22 =	sadd.s32 $0x4, s14;
	p0 =	sge.u32 s14, s7  }
0x16: {  	s23 =	sor.u32 $0x1, s16;
	s20 =	sadd.s32 $0x2, s16;
	s2 =	simm.s32 @!p0 $0x0  }
0x17: {  	s1 =	sadd.s32 $0x3, s16;
	s2 =	simm.s32 @p0 $0x1;
	p0 =	sge.u32 s17, s7  }
0x18: {  	p6 =	sge.u32 s23, s9;
	[smem:$0x7F8] =	sst s2;
	s2 =	simm.s32 @!p0 $0x0  }
0x19: {  	p1 =	sge.u32 s1, s9;
	s2 =	simm.s32 @p0 $0x1;
	p0 =	sge.u32 s18, s7  }
0x1a: {  	s25 =	sshll.u32 s17, $0x7;
	[smem:$0x7F9] =	sst s2;
	s2 =	simm.s32 @!p0 $0x0  }
0x1b: {  	[dreg:$0xe] =	wrdreg s25;
	s2 =	simm.s32 @p0 $0x1;
	p0 =	sge.u32 s19, s7  }
0x1c: {  	s29 =	sshll.u32 s18, $0x7;
	[smem:$0x7FA] =	sst s2;
	s2 =	simm.s32 @!p0 $0x0  }
0x1d: {  	[dreg:$0x10] =	wrdreg s29;
	s2 =	simm.s32 @p0 $0x1;
	p0 =	sge.u32 s22, s7  }
0x1e: {  	s25 =	sshll.u32 s1, $0x7;
	[smem:$0x7FB] =	sst s2;
	s2 =	simm.s32 @!p0 $0x0  }
0x1f: {  	s7 =	sadd.s32 $0x4, s16;
	s2 =	simm.s32 @p0 $0x1;
	p0 =	sge.u32 s16, s9  }
0x20: {  	p2 =	sge.u32 s7, s9;
	[smem:$0x7FC] =	sst s2;
	s2 =	simm.s32 @!p0 $0x0  }
0x21: {  	s2 =	simm.s32 @p0 $0x1;
	p0 =	sge.u32 s20, s9;
	s9 =	sadd.s32 $0x149800, s0  }
0x22: {  	s0 =	sshrl.u32 s30, $0x2;
	[smem:$0x7FD] =	sst s2;
	s2 =	smul.u32 $0x30, s6  }
0x23: {  	s1 =	sadd.s32 s12, s1;
	s29 =	sadd.s32 s12, s7;
	[dreg:$0xc] =	wrdreg s0  }
0x24: {  	s31 =	sadd.s32 s2, s14;
	s21 =	sadd.s32 s2, s17;
	s26 =	sadd.s32 s2, s18  }
0x25: {  	s6 =	sadd.s32 s2, s19;
	s10 =	sadd.s32 s2, s22;
	s18 =	sadd.s32 s12, s23  }
0x26: {  	[dreg:$0x8] =	wrdreg s2;
	s14 =	sshll.u32 s31, $0xB;
	s0 =	sshll.u32 s21, $0xB  }
0x27: {  	s30 =	sshll.u32 s26, $0xB;
	s31 =	sshll.u32 s19, $0x7;
	s21 =	smul.u32 $0xC00, s11  }
0x28: {  	s11 =	sshll.u32 s22, $0x7;
	s13 =	sshll.u32 s10, $0xB;
	s19 =	sshll.u32 s20, $0x7  }
0x29: {  	s22 =	sadd.s32 s12, s20;
	s26 =	sshll.u32 s1, $0xB;
	s1 =	sshll.u32 s29, $0xB  }
0x2a: {  	s20 =	simm.s32 $0x3;
	s15 =	sadd.s32 s24, s14;
	[dreg:$0x12] =	wrdreg s31  }
0x2b: {  	s0 =	sadd.s32 s24, s0;
	[dreg:$0x14] =	wrdreg s11;
	s14 =	sadd.s32 s12, s16  }
0x2c: {  	s16 =	sshll.u32 s23, $0x7;
	s23 =	sadd.s32 $0x1800, s19;
	[dreg:$0xd] =	wrdreg s15  }
0x2d: {  	s31 =	sadd.s32 s3, s1;
	s19 =	simm.s32 $0x9000;
	[dreg:$0xf] =	wrdreg s0  }
0x2e: {  	s11 =	simm.s32 $0x0;
	s0 =	sadd.s32 s24, s30;
	[dreg:$0x1a] =	wrdreg s23  }
0x2f: {  	s15 =	sshrl.u32 s21, $0x2;
	s17 =	sadd.s32 $0x1800, s16;
	[dreg:$0x1f] =	wrdreg s31  }
0x30: {  	s30 =	sshll.u32 s7, $0x7;
	[dreg:$0x11] =	wrdreg s0;
	s0 =	sshll.u32 s6, $0xB  }
0x31: {  	s16 =	simm.s32 $0x1;
	[dreg:$0x18] =	wrdreg s17;
	s0 =	sadd.s32 s24, s0  }
0x32: {  	s23 =	simm.s32 $0x4;
	[dreg:$0x13] =	wrdreg s0;
	s0 =	sadd.s32 s24, s13  }
0x33: {  	s6 =	sadd.s32 $0x1800, s15;
	[dreg:$0x15] =	wrdreg s0;
	s0 =	sshll.u32 s14, $0xB  }
0x34: {  	s15 =	simm.s32 $0x19000;
	[dreg:$0x16] =	wrdreg s6;
	s0 =	sadd.s32 s3, s0  }
0x35: {  	s17 =	simm.s32 $0x5000;
	[dreg:$0x17] =	wrdreg s0;
	s0 =	sshll.u32 s18, $0xB  }
0x36: {  	s6 =	simm.s32 $0xC;
	s24 =	sshll.u32 s22, $0xB;
	s0 =	sadd.s32 s3, s0  }
0x37: {  	s22 =	simm.s32 $0xD000;
	[dreg:$0x19] =	wrdreg s0;
	s0 =	sadd.s32 s3, s24  }
0x38: {  	s14 =	simm.s32 $0x80;
	[dreg:$0x1b] =	wrdreg s0;
	s0 =	sadd.s32 $0x1800, s25  }
0x39: {  	s18 =	simm.s32 $0x2;
	[dreg:$0x1c] =	wrdreg s0;
	s0 =	sadd.s32 s3, s26  }
0x3a: {  	s24 =	simm.s32 $0x11000;
	[dreg:$0x1d] =	wrdreg s0;
	s0 =	sadd.s32 $0x1800, s30  }
0x3b: {  	s25 =	simm.s32 $0x5;
	s26 =	simm.s32 $0x15000;
	[dreg:$0x1e] =	wrdreg s0  }
.LBB2_1:
0x3c: {  	[smem:$0x7F7] =	sst s11  }
0x3d: {  	s0 =	rddreg [dreg:$0x9];
	s1 =	simm.s32 $0xD  }
0x3e: {  	[tilespmem:s4], [sflag:$0xD] =	stream.linear.gather [hbm4b:s0+s4], $0x1800, $0x38;
	[tilespmem:$0x1D000] =	vst v63  }
0x3f: {  	_ =	swait.ge [sflag:s1], $0x1800  }
0x40: {  	[sflag:s1] =	ssyncset.done $0x0  }
0x41: {  	s7 =	simm.s32 $0x1800;
	s31 =	rddreg [dreg:$0xa];
	[sflag:s1] =	ssyncadd.s32 $0xFFFFE800  }
0x42: {  	[tilespmem:s7], [sflag:$0xD] =	stream.linear.gather [hbm4b:s31+s4], $0x3800, $0x38;
	[tilespmem:$0x1D000] =	vst v63  }
0x43: {  	_ =	swait.ge [sflag:s1], $0x3800  }
0x44: {  	s10 =	simm.s32 $0x5;
	s11 =	simm.s32 $0x0;
	[sflag:s1] =	ssyncset.done $0x0  }
0x45: {  	s13 =	simm.s32 $0x0;
	s7 =	rddreg [dreg:$0x6];
	[sflag:s1] =	ssyncadd.s32 $0xFFFFC800  }
.LBB2_2:
0x46: {  	p3 =	sne.s32 s11, $0x0  }
0x47: {  	s29 =	simm.s32 @p3 $0x7  }
0x48: {  	_ =	swait.ge @p3 [sflag:s29], $0x4000  }
0x49: {  	[sflag:s29] =	ssyncset.done @p3 $0x0  }
0x4a: {  	s30 =	simm.s32 @p3 $0x5000;
	[sflag:s29] =	ssyncadd.s32 @p3 $0xFFFFC000;
	s29 =	simm.s32 @p3 $0x80  }
0x4b: {  	[tilespmem:s30], [sflag:$0x1] =	stream.indirect.gather @p3 [hbm4b:s5+s29], $0x80, s13, s29, $0xb8;
	[tilespmem:$0x1D000] =	vst v63  }
0x4c: {  	s30 =	simm.s32 @p3 $0x8  }
0x4d: {  	_ =	swait.ge @p3 [sflag:s30], $0x4000  }
0x4e: {  	[sflag:s30] =	ssyncset.done @p3 $0x0  }
0x4f: {  	s31 =	simm.s32 @p3 $0x9000;
	[sflag:s30] =	ssyncadd.s32 @p3 $0xFFFFC000;
	s30 =	sadd.s32 @p3 $0x80, s13  }
0x50: {  	[tilespmem:s31], [sflag:$0x2] =	stream.indirect.gather @p3 [hbm4b:s5+s29], $0x80, s30, s29, $0xb8;
	[tilespmem:$0x1D000] =	vst v63  }
0x51: {  	s30 =	simm.s32 @p3 $0x9  }
0x52: {  	_ =	swait.ge @p3 [sflag:s30], $0x4000  }
0x53: {  	[sflag:s30] =	ssyncset.done @p3 $0x0  }
0x54: {  	s31 =	simm.s32 @p3 $0xD000;
	[sflag:s30] =	ssyncadd.s32 @p3 $0xFFFFC000;
	s30 =	sadd.s32 @p3 $0x100, s13  }
0x55: {  	[tilespmem:s31], [sflag:$0x3] =	stream.indirect.gather @p3 [hbm4b:s5+s29], $0x80, s30, s29, $0xb8;
	[tilespmem:$0x1D000] =	vst v63  }
0x56: {  	s30 =	simm.s32 @p3 $0xA  }
0x57: {  	_ =	swait.ge @p3 [sflag:s30], $0x4000  }
0x58: {  	[sflag:s30] =	ssyncset.done @p3 $0x0  }
0x59: {  	s31 =	simm.s32 @p3 $0x11000;
	[sflag:s30] =	ssyncadd.s32 @p3 $0xFFFFC000;
	s30 =	sadd.s32 @p3 $0x180, s13  }
0x5a: {  	[tilespmem:s31], [sflag:$0x4] =	stream.indirect.gather @p3 [hbm4b:s5+s29], $0x80, s30, s29, $0xb8;
	[tilespmem:$0x1D000] =	vst v63  }
0x5b: {  	s30 =	simm.s32 @p3 $0xB  }
0x5c: {  	_ =	swait.ge @p3 [sflag:s30], $0x4000  }
0x5d: {  	[sflag:s30] =	ssyncset.done @p3 $0x0  }
0x5e: {  	s31 =	simm.s32 @p3 $0x15000;
	[sflag:s30] =	ssyncadd.s32 @p3 $0xFFFFC000;
	s30 =	sadd.s32 @p3 $0x200, s13  }
0x5f: {  	[tilespmem:s31], [sflag:$0x5] =	stream.indirect.gather @p3 [hbm4b:s5+s29], $0x80, s30, s29, $0xb8;
	[tilespmem:$0x1D000] =	vst v63  }
0x60: {  	s29 =	simm.s32 @p3 $0xC  }
0x61: {  	_ =	swait.ge @p3 [sflag:s29], $0x4000  }
0x62: {  	s30 =	simm.s32 @!p3 $0x0;
	[sflag:s29] =	ssyncset.done @p3 $0x0  }
0x63: {  	s31 =	simm.s32 @!p3 $0x5000;
	[sflag:s29] =	ssyncadd.s32 @p3 $0xFFFFC000;
	s29 =	simm.s32 @!p3 $0x80  }
0x64: {  	[tilespmem:s31], [sflag:$0x1] =	stream.indirect.gather @!p3 [hbm4b:s5+s29], $0x80, s30, s29, $0xb8;
	[tilespmem:$0x1D000] =	vst v63  }
0x65: {  	s30 =	simm.s32 @!p3 $0x9000  }
0x66: {  	[tilespmem:s30], [sflag:$0x2] =	stream.indirect.gather @!p3 [hbm4b:s5+s29], $0x80, s29, s29, $0xb8;
	[tilespmem:$0x1D000] =	vst v63  }
0x67: {  	s31 =	simm.s32 @!p3 $0xD000;
	s30 =	simm.s32 @!p3 $0x100  }
0x68: {  	[tilespmem:s31], [sflag:$0x3] =	stream.indirect.gather @!p3 [hbm4b:s5+s29], $0x80, s30, s29, $0xb8;
	[tilespmem:$0x1D000] =	vst v63  }
0x69: {  	s30 =	simm.s32 @!p3 $0x180;
	s31 =	simm.s32 @!p3 $0x11000  }
0x6a: {  	[tilespmem:s31], [sflag:$0x4] =	stream.indirect.gather @!p3 [hbm4b:s5+s29], $0x80, s30, s29, $0xb8;
	[tilespmem:$0x1D000] =	vst v63  }
0x6b: {  	s30 =	simm.s32 @!p3 $0x200;
	s31 =	simm.s32 @!p3 $0x15000  }
0x6c: {  	[tilespmem:s31], [sflag:$0x5] =	stream.indirect.gather @!p3 [hbm4b:s5+s29], $0x80, s30, s29, $0xb8;
	[tilespmem:$0x1D000] =	vst v63  }
0x6d: {  	s29 =	smov.u32 s10  }
0x6e: {  	s29 =	simm.s32 @!p3 $0x5  }
0x6f: {  	s1 =	sshll.u32 s29, $0x9  }
0x70: {  	s30 =	sshra.s32 s1, $0x2  }
0x71: {  	[tilespmem:s15], [sflag:$0x6] =	stream.indirect.gather [hbm4b:s5+s14], $0x80, s30, s14, $0xb8;
	[tilespmem:$0x1D000] =	vst v63  }
0x72: {  	s30 =	sadd.s32 @p3 $0xFFFFFFFC, s10;
	_ =	swait.ge [sflag:s16], $0x4000  }
0x73: {  	s30 =	simm.s32 @!p3 $0x1;
	[sflag:s16] =	ssyncset.done $0x0  }
0x74: {  	s30 =	sadd.s32 s2, s30;
	[sflag:s16] =	ssyncadd.s32 $0xFFFFC000  }
0x75: {  	[hbm4b:s7+s4] =	stream.linear.scatter [tilespmem:s17], [sflag:$0x7], $0x4000, $0x38;
	[tilespmem:$0x1D000] =	vst v63  }
0x76: {  	s30 =	sshll.u32 s30, $0xB;
	_ =	swait.ge [sflag:s18], $0x4000  }
0x77: {  	s30 =	sand.u32 $0x1FFFF800, s30;
	[sflag:s18] =	ssyncset.done $0x0  }
0x78: {  	s30 =	sadd.s32 s8, s30;
	[sflag:s18] =	ssyncadd.s32 $0xFFFFC000  }
0x79: {  	[hbm4b:s30+s4] =	stream.linear.scatter [tilespmem:s19], [sflag:$0x8], $0x4000, $0x38;
	[tilespmem:$0x1D000] =	vst v63  }
0x7a: {  	s30 =	sadd.s32 @p3 $0xFFFFFFFD, s10  }
0x7b: {  	s30 =	simm.s32 @!p3 $0x2  }
0x7c: {  	s30 =	sadd.s32 s2, s30  }
0x7d: {  	_ =	swait.ge [sflag:s20], $0x4000;
	s30 =	sshll.u32 s30, $0xB  }
0x7e: {  	[sflag:s20] =	ssyncset.done $0x0;
	s30 =	sand.u32 $0x1FFFF000, s30  }
0x7f: {  	[sflag:s20] =	ssyncadd.s32 $0xFFFFC000;
	s30 =	sadd.s32 s8, s30  }
0x80: {  	[hbm4b:s30+s4] =	stream.linear.scatter [tilespmem:s22], [sflag:$0x9], $0x4000, $0x38;
	[tilespmem:$0x1D000] =	vst v63  }
0x81: {  	s30 =	sadd.s32 @p3 $0xFFFFFFFE, s10  }
0x82: {  	s30 =	simm.s32 @!p3 $0x3  }
0x83: {  	s30 =	sadd.s32 s2, s30  }
0x84: {  	_ =	swait.ge [sflag:s23], $0x4000;
	s30 =	sshll.u32 s30, $0xB  }
0x85: {  	[sflag:s23] =	ssyncset.done $0x0;
	s30 =	sand.u32 $0x1FFFF800, s30  }
0x86: {  	[sflag:s23] =	ssyncadd.s32 $0xFFFFC000;
	s30 =	sadd.s32 s8, s30  }
0x87: {  	[hbm4b:s30+s4] =	stream.linear.scatter [tilespmem:s24], [sflag:$0xA], $0x4000, $0x38;
	[tilespmem:$0x1D000] =	vst v63  }
0x88: {  	s30 =	sadd.s32 @p3 $0xFFFFFFFF, s10  }
0x89: {  	s30 =	simm.s32 @!p3 $0x4  }
0x8a: {  	s30 =	sadd.s32 s2, s30  }
0x8b: {  	_ =	swait.ge [sflag:s25], $0x4000;
	s30 =	sshll.u32 s30, $0xB  }
0x8c: {  	[sflag:s25] =	ssyncset.done $0x0;
	s30 =	sand.u32 $0x1FFFF000, s30  }
0x8d: {  	[sflag:s25] =	ssyncadd.s32 $0xFFFFC000;
	s30 =	sadd.s32 s8, s30  }
0x8e: {  	[hbm4b:s30+s4] =	stream.linear.scatter [tilespmem:s26], [sflag:$0xB], $0x4000, $0x38;
	[tilespmem:$0x1D000] =	vst v63  }
0x8f: {  	_ =	swait.ge [sflag:s28], $0x4000  }
0x90: {  	s11 =	sadd.s32 $0xFFFFFFFF, s11;
	s31 =	rddreg [dreg:$0x4]  }
0x91: {  	s29 =	sadd.s32 s2, s29;
	p3 =	sne.s32 s31, s11  }
.Ltmp0:
0x92: {  	s29 =	sshll.u32 s29, $0xB;
	(pc) =	sbr.rel @p3 .LBB2_2-.Ltmp0, $4  }
0x93: {  	s29 =	sand.u32 $0x1FFFF800, s29  }
0x94: {  	s13 =	sadd.s32 $0x300, s13;
	s29 =	sadd.s32 s8, s29;
	[sflag:s28] =	ssyncset.done $0x0  }
0x95: {  	s7 =	sadd.s32 $0x3000, s7;
	s10 =	sadd.s32 $0x6, s10;
	[sflag:s28] =	ssyncadd.s32 $0xFFFFC000  }
0x96: {  	[hbm4b:s29+s4] =	stream.linear.scatter [tilespmem:s15], [sflag:$0xC], $0x4000, $0x38;
	[tilespmem:$0x1D000] =	vst v63  }
0x97: {  	s0 =	simm.s32 $0x7  }
0x98: {  	_ =	swait.ge [sflag:s0], $0x4000  }
0x99: {  	[sflag:s0] =	ssyncset.done $0x0  }
0x9a: {  	s1 =	simm.s32 $0x8;
	[sflag:s0] =	ssyncadd.s32 $0xFFFFC000  }
0x9b: {  	_ =	swait.ge [sflag:s1], $0x4000  }
0x9c: {  	[sflag:s1] =	ssyncset.done $0x0  }
0x9d: {  	s2 =	simm.s32 $0x9;
	[sflag:s1] =	ssyncadd.s32 $0xFFFFC000  }
0x9e: {  	_ =	swait.ge [sflag:s2], $0x4000  }
0x9f: {  	[sflag:s2] =	ssyncset.done $0x0  }
0xa0: {  	s7 =	simm.s32 $0xA;
	[sflag:s2] =	ssyncadd.s32 $0xFFFFC000  }
0xa1: {  	_ =	swait.ge [sflag:s7], $0x4000  }
0xa2: {  	[sflag:s7] =	ssyncset.done $0x0  }
0xa3: {  	s10 =	simm.s32 $0xB;
	[sflag:s7] =	ssyncadd.s32 $0xFFFFC000  }
0xa4: {  	_ =	swait.ge [sflag:s10], $0x4000  }
0xa5: {  	[sflag:s10] =	ssyncset.done $0x0  }
0xa6: {  	[sflag:s10] =	ssyncadd.s32 $0xFFFFC000  }
0xa7: {  	_ =	swait.ge [sflag:s6], $0x4000  }
0xa8: {  	s11 =	sld [smem:$0x7F8];
	_ =	sdelay $0x2  }
0xa9: {  	[sflag:s6] =	ssyncset.done $0x0;
	s0 =	rddreg [dreg:$0xc];
	p3 =	seq.s32 s11, $0x1  }
0xaa: {  	[sflag:s6] =	ssyncadd.s32 $0xFFFFC000;
	s7 =	simm.s32 @!p3 $0x80;
	s10 =	simm.s32 @!p3 $0x5000  }
0xab: {  	[tilespmem:s10], [sflag:$0x1] =	stream.indirect.gather @!p3 [hbm4b:s5+s7], $0x80, s0, s7, $0xb8;
	[tilespmem:$0x1D000] =	vst v63  }
0xac: {  	s7 =	simm.s32 @!p3 $0x1  }
0xad: {  	_ =	swait.ge @!p3 [sflag:s7], $0x4000  }
0xae: {  	[sflag:s7] =	ssyncset.done @!p3 $0x0  }
0xaf: {  	s0 =	rddreg [dreg:$0xd];
	[sflag:s7] =	ssyncadd.s32 @!p3 $0xFFFFC000;
	s7 =	simm.s32 @!p3 $0x0  }
0xb0: {  	[hbm4b:s0+s7] =	stream.linear.scatter @!p3 [tilespmem:s10], [sflag:$0xD], $0x4000, $0x38;
	[tilespmem:$0x1D000] =	vst v63  }
0xb1: {  	s7 =	simm.s32 @!p3 $0xD  }
0xb2: {  	_ =	swait.ge @!p3 [sflag:s7], $0x4000  }
0xb3: {  	s13 =	sld [smem:$0x7F9];
	_ =	sdelay $0x1  }
0xb4: {  	[sflag:s7] =	ssyncset.done @!p3 $0x0  }
0xb5: {  	[sflag:s7] =	ssyncadd.s32 @!p3 $0xFFFFC000;
	p3 =	seq.s32 s13, $0x1  }
0xb6: {  	s0 =	rddreg [dreg:$0xe];
	s7 =	simm.s32 @!p3 $0x80;
	s10 =	simm.s32 @!p3 $0x5000  }
0xb7: {  	[tilespmem:s10], [sflag:$0x1] =	stream.indirect.gather @!p3 [hbm4b:s5+s7], $0x80, s0, s7, $0xb8;
	[tilespmem:$0x1D000] =	vst v63  }
0xb8: {  	s7 =	simm.s32 @!p3 $0x1  }
0xb9: {  	_ =	swait.ge @!p3 [sflag:s7], $0x4000  }
0xba: {  	[sflag:s7] =	ssyncset.done @!p3 $0x0  }
0xbb: {  	s0 =	rddreg [dreg:$0xf];
	[sflag:s7] =	ssyncadd.s32 @!p3 $0xFFFFC000;
	s7 =	simm.s32 @!p3 $0x0  }
0xbc: {  	[hbm4b:s0+s7] =	stream.linear.scatter @!p3 [tilespmem:s10], [sflag:$0xD], $0x4000, $0x38;
	[tilespmem:$0x1D000] =	vst v63  }
0xbd: {  	s7 =	simm.s32 @!p3 $0xD  }
0xbe: {  	_ =	swait.ge @!p3 [sflag:s7], $0x4000  }
0xbf: {  	s29 =	sld [smem:$0x7FA];
	_ =	sdelay $0x1  }
0xc0: {  	[sflag:s7] =	ssyncset.done @!p3 $0x0  }
0xc1: {  	[sflag:s7] =	ssyncadd.s32 @!p3 $0xFFFFC000;
	p3 =	seq.s32 s29, $0x1  }
0xc2: {  	s0 =	rddreg [dreg:$0x10];
	s7 =	simm.s32 @!p3 $0x80;
	s10 =	simm.s32 @!p3 $0x5000  }
0xc3: {  	[tilespmem:s10], [sflag:$0x1] =	stream.indirect.gather @!p3 [hbm4b:s5+s7], $0x80, s0, s7, $0xb8;
	[tilespmem:$0x1D000] =	vst v63  }
0xc4: {  	s7 =	simm.s32 @!p3 $0x1  }
0xc5: {  	_ =	swait.ge @!p3 [sflag:s7], $0x4000  }
0xc6: {  	[sflag:s7] =	ssyncset.done @!p3 $0x0  }
0xc7: {  	s0 =	rddreg [dreg:$0x11];
	[sflag:s7] =	ssyncadd.s32 @!p3 $0xFFFFC000;
	s7 =	simm.s32 @!p3 $0x0  }
0xc8: {  	[hbm4b:s0+s7] =	stream.linear.scatter @!p3 [tilespmem:s10], [sflag:$0xD], $0x4000, $0x38;
	[tilespmem:$0x1D000] =	vst v63  }
0xc9: {  	s7 =	simm.s32 @!p3 $0xD  }
0xca: {  	_ =	swait.ge @!p3 [sflag:s7], $0x4000  }
0xcb: {  	s30 =	sld [smem:$0x7FB];
	_ =	sdelay $0x1  }
0xcc: {  	[sflag:s7] =	ssyncset.done @!p3 $0x0  }
0xcd: {  	[sflag:s7] =	ssyncadd.s32 @!p3 $0xFFFFC000;
	p3 =	seq.s32 s30, $0x1  }
0xce: {  	s0 =	rddreg [dreg:$0x12];
	s7 =	simm.s32 @!p3 $0x80;
	s10 =	simm.s32 @!p3 $0x5000  }
0xcf: {  	[tilespmem:s10], [sflag:$0x1] =	stream.indirect.gather @!p3 [hbm4b:s5+s7], $0x80, s0, s7, $0xb8;
	[tilespmem:$0x1D000] =	vst v63  }
0xd0: {  	s7 =	simm.s32 @!p3 $0x1  }
0xd1: {  	_ =	swait.ge @!p3 [sflag:s7], $0x4000  }
0xd2: {  	[sflag:s7] =	ssyncset.done @!p3 $0x0  }
0xd3: {  	s0 =	rddreg [dreg:$0x13];
	[sflag:s7] =	ssyncadd.s32 @!p3 $0xFFFFC000;
	s7 =	simm.s32 @!p3 $0x0  }
0xd4: {  	[hbm4b:s0+s7] =	stream.linear.scatter @!p3 [tilespmem:s10], [sflag:$0xD], $0x4000, $0x38;
	[tilespmem:$0x1D000] =	vst v63  }
0xd5: {  	s7 =	simm.s32 @!p3 $0xD  }
0xd6: {  	_ =	swait.ge @!p3 [sflag:s7], $0x4000  }
0xd7: {  	s31 =	sld [smem:$0x7FC];
	_ =	sdelay $0x1  }
0xd8: {  	[sflag:s7] =	ssyncset.done @!p3 $0x0  }
0xd9: {  	[sflag:s7] =	ssyncadd.s32 @!p3 $0xFFFFC000;
	p3 =	seq.s32 s31, $0x1  }
0xda: {  	s0 =	rddreg [dreg:$0x14];
	s7 =	simm.s32 @!p3 $0x80;
	s10 =	simm.s32 @!p3 $0x5000  }
0xdb: {  	[tilespmem:s10], [sflag:$0x1] =	stream.indirect.gather @!p3 [hbm4b:s5+s7], $0x80, s0, s7, $0xb8;
	[tilespmem:$0x1D000] =	vst v63  }
0xdc: {  	s7 =	simm.s32 @!p3 $0x1  }
0xdd: {  	_ =	swait.ge @!p3 [sflag:s7], $0x4000  }
0xde: {  	p5 =	sne.s32 s21, $0xC00;
	[sflag:s7] =	ssyncset.done @!p3 $0x0  }
0xdf: {  	s0 =	rddreg [dreg:$0x15];
	[sflag:s7] =	ssyncadd.s32 @!p3 $0xFFFFC000;
	s7 =	simm.s32 @!p3 $0x0  }
0xe0: {  	[hbm4b:s0+s7] =	stream.linear.scatter @!p3 [tilespmem:s10], [sflag:$0xD], $0x4000, $0x38;
	[tilespmem:$0x1D000] =	vst v63  }
.Ltmp1:
0xe1: {  	_ = 	snop;
	(pc) =	sbr.rel @!p5 .LBB2_4-.Ltmp1, $4  }
0xe2: {  	s7 =	simm.s32 @!p3 $0xD  }
0xe3: {  	p4 =	por $0x0, $0x0;
	_ =	swait.ge @!p3 [sflag:s7], $0x4000  }
0xe4: {  	s11 =	simm.s32 $0xC00;
	s13 =	simm.s32 $0x0;
	[sflag:s7] =	ssyncset.done @!p3 $0x0  }
0xe5: {  	s10 =	simm.s32 $0x5;
	[sflag:s7] =	ssyncadd.s32 @!p3 $0xFFFFC000;
	p3 =	por $0x0, $0x0  }
0xe6: {  	s7 =	simm.s32 @p3 $0x7  }
0xe7: {  	_ =	swait.ge @p3 [sflag:s7], $0x4000  }
0xe8: {  	s13 =	simm.s32 @p3 $0x5000;
	[sflag:s7] =	ssyncset.done @p3 $0x0  }
0xe9: {  	s29 =	simm.s32 @p3 $0x1800;
	[sflag:s7] =	ssyncadd.s32 @p3 $0xFFFFC000;
	s7 =	simm.s32 @p3 $0x80  }
0xea: {  	[tilespmem:s13], [sflag:$0x1] =	stream.indirect.gather @p3 [hbm4b:s9+s7], $0x80, s29, s7, $0xb8;
	[tilespmem:$0x1D000] =	vst v63  }
0xeb: {  	s13 =	simm.s32 @p3 $0x8  }
0xec: {  	_ =	swait.ge @p3 [sflag:s13], $0x4000  }
0xed: {  	[sflag:s13] =	ssyncset.done @p3 $0x0  }
0xee: {  	s29 =	simm.s32 @p3 $0x1880;
	[sflag:s13] =	ssyncadd.s32 @p3 $0xFFFFC000;
	s13 =	simm.s32 @p3 $0x9000  }
0xef: {  	[tilespmem:s13], [sflag:$0x2] =	stream.indirect.gather @p3 [hbm4b:s9+s7], $0x80, s29, s7, $0xb8;
	[tilespmem:$0x1D000] =	vst v63  }
0xf0: {  	s13 =	simm.s32 @p3 $0x9  }
0xf1: {  	_ =	swait.ge @p3 [sflag:s13], $0x4000  }
0xf2: {  	[sflag:s13] =	ssyncset.done @p3 $0x0  }
0xf3: {  	s29 =	simm.s32 @p3 $0x1900;
	[sflag:s13] =	ssyncadd.s32 @p3 $0xFFFFC000;
	s13 =	simm.s32 @p3 $0xD000  }
0xf4: {  	[tilespmem:s13], [sflag:$0x3] =	stream.indirect.gather @p3 [hbm4b:s9+s7], $0x80, s29, s7, $0xb8;
	[tilespmem:$0x1D000] =	vst v63  }
0xf5: {  	s13 =	simm.s32 @p3 $0xA  }
0xf6: {  	_ =	swait.ge @p3 [sflag:s13], $0x4000  }
0xf7: {  	[sflag:s13] =	ssyncset.done @p3 $0x0  }
0xf8: {  	s29 =	simm.s32 @p3 $0x1980;
	[sflag:s13] =	ssyncadd.s32 @p3 $0xFFFFC000;
	s13 =	simm.s32 @p3 $0x11000  }
0xf9: {  	[tilespmem:s13], [sflag:$0x4] =	stream.indirect.gather @p3 [hbm4b:s9+s7], $0x80, s29, s7, $0xb8;
	[tilespmem:$0x1D000] =	vst v63  }
0xfa: {  	s13 =	simm.s32 @p3 $0xB  }
0xfb: {  	_ =	swait.ge @p3 [sflag:s13], $0x4000  }
0xfc: {  	[sflag:s13] =	ssyncset.done @p3 $0x0  }
0xfd: {  	s29 =	simm.s32 @p3 $0x1A00;
	[sflag:s13] =	ssyncadd.s32 @p3 $0xFFFFC000;
	s13 =	simm.s32 @p3 $0x15000  }
0xfe: {  	[tilespmem:s13], [sflag:$0x5] =	stream.indirect.gather @p3 [hbm4b:s9+s7], $0x80, s29, s7, $0xb8;
	[tilespmem:$0x1D000] =	vst v63  }
0xff: {  	s7 =	simm.s32 @p3 $0xC  }
0x100: {  	_ =	swait.ge @p3 [sflag:s7], $0x4000  }
0x101: {  	s13 =	simm.s32 @!p3 $0x5000;
	[sflag:s7] =	ssyncset.done @p3 $0x0  }
0x102: {  	s29 =	simm.s32 @!p3 $0x80;
	[sflag:s7] =	ssyncadd.s32 @p3 $0xFFFFC000;
	s7 =	simm.s32 @!p3 $0x1800  }
0x103: {  	[tilespmem:s13], [sflag:$0x1] =	stream.indirect.gather @!p3 [hbm4b:s9+s29], $0x80, s7, s29, $0xb8;
	[tilespmem:$0x1D000] =	vst v63  }
0x104: {  	s7 =	simm.s32 @!p3 $0x1880;
	s13 =	simm.s32 @!p3 $0x9000  }
0x105: {  	[tilespmem:s13], [sflag:$0x2] =	stream.indirect.gather @!p3 [hbm4b:s9+s29], $0x80, s7, s29, $0xb8;
	[tilespmem:$0x1D000] =	vst v63  }
0x106: {  	s7 =	simm.s32 @!p3 $0x1900;
	s13 =	simm.s32 @!p3 $0xD000  }
0x107: {  	[tilespmem:s13], [sflag:$0x3] =	stream.indirect.gather @!p3 [hbm4b:s9+s29], $0x80, s7, s29, $0xb8;
	[tilespmem:$0x1D000] =	vst v63  }
0x108: {  	s7 =	simm.s32 @!p3 $0x1980;
	s13 =	simm.s32 @!p3 $0x11000  }
0x109: {  	[tilespmem:s13], [sflag:$0x4] =	stream.indirect.gather @!p3 [hbm4b:s9+s29], $0x80, s7, s29, $0xb8;
	[tilespmem:$0x1D000] =	vst v63  }
0x10a: {  	s10 =	simm.s32 @!p3 $0x5;
	s7 =	simm.s32 @!p3 $0x1A00;
	s13 =	simm.s32 @!p3 $0x15000  }
0x10b: {  	[tilespmem:s13], [sflag:$0x5] =	stream.indirect.gather @!p3 [hbm4b:s9+s29], $0x80, s7, s29, $0xb8;
	[tilespmem:$0x1D000] =	vst v63  }
0x10c: {  	s13 =	sshll.u32 s10, $0x9  }
0x10d: {  	s7 =	sshra.s32 s13, $0x2  }
0x10e: {  	p5 =	sne.s32 s21, $0x1800;
	s7 =	sadd.s32 $0x1800, s7  }
0x10f: {  	[tilespmem:s15], [sflag:$0x6] =	stream.indirect.gather [hbm4b:s9+s14], $0x80, s7, s14, $0xb8;
	[tilespmem:$0x1D000] =	vst v63  }
0x110: {  	p4 =	por $0x1, $0x1;
	s7 =	simm.s32 @p3 $0x1;
	_ =	swait.ge [sflag:s16], $0x4000  }
0x111: {  	s10 =	sadd.s32 s12, s10;
	s7 =	simm.s32 @!p3 $0x1;
	[sflag:s16] =	ssyncset.done $0x0  }
0x112: {  	s7 =	sadd.s32 s12, s7;
	s0 =	rddreg [dreg:$0x7];
	[sflag:s16] =	ssyncadd.s32 $0xFFFFC000  }
0x113: {  	[hbm4b:s0+s4] =	stream.linear.scatter [tilespmem:s17], [sflag:$0x7], $0x4000, $0x38;
	[tilespmem:$0x1D000] =	vst v63  }
0x114: {  	s29 =	simm.s32 @p3 $0x2;
	s7 =	sshll.u32 s7, $0xB;
	_ =	swait.ge [sflag:s18], $0x4000  }
0x115: {  	s13 =	simm.s32 $0x1800;
	s7 =	sand.u32 $0x1FFFF800, s7;
	[sflag:s18] =	ssyncset.done $0x0  }
0x116: {  	s29 =	simm.s32 @!p3 $0x2;
	s7 =	sadd.s32 s3, s7;
	[sflag:s18] =	ssyncadd.s32 $0xFFFFC000  }
0x117: {  	[hbm4b:s7+s4] =	stream.linear.scatter [tilespmem:s19], [sflag:$0x8], $0x4000, $0x38;
	[tilespmem:$0x1D000] =	vst v63  }
0x118: {  	s30 =	sshll.u32 s10, $0xB;
	s29 =	sadd.s32 s12, s29;
	s7 =	simm.s32 @p3 $0x3  }
0x119: {  	s29 =	sshll.u32 s29, $0xB;
	_ =	swait.ge [sflag:s20], $0x4000;
	s7 =	simm.s32 @!p3 $0x3  }
0x11a: {  	s29 =	sand.u32 $0x1FFFF000, s29;
	[sflag:s20] =	ssyncset.done $0x0;
	s7 =	sadd.s32 s12, s7  }
0x11b: {  	s29 =	sadd.s32 s3, s29;
	[sflag:s20] =	ssyncadd.s32 $0xFFFFC000;
	s7 =	sshll.u32 s7, $0xB  }
0x11c: {  	[hbm4b:s29+s4] =	stream.linear.scatter [tilespmem:s22], [sflag:$0x9], $0x4000, $0x38;
	[tilespmem:$0x1D000] =	vst v63  }
0x11d: {  	s29 =	simm.s32 @p3 $0x4;
	s7 =	sand.u32 $0x1FFFF800, s7;
	_ =	swait.ge [sflag:s23], $0x4000  }
0x11e: {  	s29 =	simm.s32 @!p3 $0x4;
	s7 =	sadd.s32 s3, s7;
	[sflag:s23] =	ssyncset.done $0x0  }
0x11f: {  	p3 =	por $0x1, $0x1;
	s29 =	sadd.s32 s12, s29;
	[sflag:s23] =	ssyncadd.s32 $0xFFFFC000  }
0x120: {  	[hbm4b:s7+s4] =	stream.linear.scatter [tilespmem:s24], [sflag:$0xA], $0x4000, $0x38;
	[tilespmem:$0x1D000] =	vst v63  }
.Ltmp2:
0x121: {  	s31 =	sshll.u32 s29, $0xB;
	_ =	swait.ge [sflag:s25], $0x4000;
	(pc) =	sbr.rel @!p5 .LBB2_6-.Ltmp2, $4  }
0x122: {  	s10 =	sand.u32 $0x1FFFF000, s31;
	s7 =	sand.u32 $0x1FFFF800, s30;
	[sflag:s25] =	ssyncset.done $0x0  }
0x123: {  	s10 =	sadd.s32 s3, s10;
	s29 =	sadd.s32 s3, s7;
	[sflag:s25] =	ssyncadd.s32 $0xFFFFC000  }
0x124: {  	[hbm4b:s10+s4] =	stream.linear.scatter [tilespmem:s26], [sflag:$0xB], $0x4000, $0x38;
	[tilespmem:$0x1D000] =	vst v63  }
0x125: {  	s7 =	sadd.s32 $0x3000, s0;
	s10 =	simm.s32 $0xB;
	_ =	swait.ge [sflag:s28], $0x4000  }
.LBB2_7:
0x126: {  	s30 =	simm.s32 @p3 $0x7;
	s31 =	smov.u32 s10;
	[sflag:s28] =	ssyncset.done $0x0  }
0x127: {  	s0 =	smov.u32 s13;
	s11 =	sshra.s32 @p3 s11, $0x2;
	s31 =	simm.s32 @!p3 $0x5  }
0x128: {  	s1 =	sshll.u32 s31, $0x9;
	s31 =	sadd.s32 s12, s31;
	[sflag:s28] =	ssyncadd.s32 $0xFFFFC000  }
0x129: {  	[hbm4b:s29+s4] =	stream.linear.scatter [tilespmem:s15], [sflag:$0xC], $0x4000, $0x38;
	[tilespmem:$0x1D000] =	vst v63  }
0x12a: {  	s2 =	simm.s32 @p3 $0x80;
	s29 =	simm.s32 @p3 $0x5000;
	_ =	swait.ge @p3 [sflag:s30], $0x4000  }
0x12b: {  	s14 =	simm.s32 @p3 $0x9;
	s6 =	sadd.s32 @p3 $0x1800, s11;
	[sflag:s30] =	ssyncset.done @p3 $0x0  }
0x12c: {  	s8 =	sadd.s32 @p3 $0x1880, s11;
	[sflag:s30] =	ssyncadd.s32 @p3 $0xFFFFC000;
	s30 =	simm.s32 @p3 $0x8  }
0x12d: {  	[tilespmem:s29], [sflag:$0x1] =	stream.indirect.gather @p3 [hbm4b:s9+s2], $0x80, s6, s2, $0xb8;
	[tilespmem:$0x1D000] =	vst v63  }
0x12e: {  	s5 =	sadd.s32 @p3 $0x1A00, s11;
	s6 =	sadd.s32 @p3 $0x1980, s11;
	_ =	swait.ge @p3 [sflag:s30], $0x4000  }
0x12f: {  	s13 =	sadd.s32 $0xC00, s13;
	s29 =	simm.s32 @p3 $0x9000;
	[sflag:s30] =	ssyncset.done @p3 $0x0  }
0x130: {  	s11 =	sadd.s32 @p3 $0x1900, s11;
	[sflag:s30] =	ssyncadd.s32 @p3 $0xFFFFC000;
	s30 =	sshra.s32 s1, $0x2  }
0x131: {  	[tilespmem:s29], [sflag:$0x2] =	stream.indirect.gather @p3 [hbm4b:s9+s2], $0x80, s8, s2, $0xb8;
	[tilespmem:$0x1D000] =	vst v63  }
0x132: {  	p5 =	sne.s32 s21, s13;
	s1 =	sshll.u32 s31, $0xB;
	_ =	swait.ge @p3 [sflag:s14], $0x4000  }
0x133: {  	s31 =	simm.s32 @p3 $0xA;
	s8 =	simm.s32 @p3 $0xD000;
	[sflag:s14] =	ssyncset.done @p3 $0x0  }
0x134: {  	s1 =	sand.u32 $0x1FFFF800, s1;
	[sflag:s14] =	ssyncadd.s32 @p3 $0xFFFFC000;
	s14 =	simm.s32 $0x80  }
0x135: {  	[tilespmem:s8], [sflag:$0x3] =	stream.indirect.gather @p3 [hbm4b:s9+s2], $0x80, s11, s2, $0xb8;
	[tilespmem:$0x1D000] =	vst v63  }
0x136: {  	s29 =	sadd.s32 s3, s1;
	s11 =	smov.u32 s0;
	_ =	swait.ge @p3 [sflag:s31], $0x4000  }
0x137: {  	s1 =	simm.s32 @p3 $0xB;
	s0 =	simm.s32 @p3 $0x11000;
	[sflag:s31] =	ssyncset.done @p3 $0x0  }
0x138: {  	[sflag:s31] =	ssyncadd.s32 @p3 $0xFFFFC000  }
0x139: {  	[tilespmem:s0], [sflag:$0x4] =	stream.indirect.gather @p3 [hbm4b:s9+s2], $0x80, s6, s2, $0xb8;
	[tilespmem:$0x1D000] =	vst v63  }
0x13a: {  	_ =	swait.ge @p3 [sflag:s1], $0x4000  }
0x13b: {  	s0 =	simm.s32 @p3 $0x15000;
	s6 =	simm.s32 @p3 $0xC;
	[sflag:s1] =	ssyncset.done @p3 $0x0  }
0x13c: {  	[sflag:s1] =	ssyncadd.s32 @p3 $0xFFFFC000  }
0x13d: {  	[tilespmem:s0], [sflag:$0x5] =	stream.indirect.gather @p3 [hbm4b:s9+s2], $0x80, s5, s2, $0xb8;
	[tilespmem:$0x1D000] =	vst v63  }
0x13e: {  	s0 =	simm.s32 @!p3 $0x5000;
	_ =	swait.ge @p3 [sflag:s6], $0x4000  }
0x13f: {  	s1 =	simm.s32 @!p3 $0x80;
	s2 =	simm.s32 @!p3 $0x1800;
	[sflag:s6] =	ssyncset.done @p3 $0x0  }
0x140: {  	[sflag:s6] =	ssyncadd.s32 @p3 $0xFFFFC000  }
0x141: {  	[tilespmem:s0], [sflag:$0x1] =	stream.indirect.gather @!p3 [hbm4b:s9+s1], $0x80, s2, s1, $0xb8;
	[tilespmem:$0x1D000] =	vst v63  }
0x142: {  	s0 =	simm.s32 @!p3 $0x1880;
	s2 =	simm.s32 @!p3 $0x9000  }
0x143: {  	[tilespmem:s2], [sflag:$0x2] =	stream.indirect.gather @!p3 [hbm4b:s9+s1], $0x80, s0, s1, $0xb8;
	[tilespmem:$0x1D000] =	vst v63  }
0x144: {  	s0 =	simm.s32 @!p3 $0x1900;
	s2 =	simm.s32 @!p3 $0xD000  }
0x145: {  	[tilespmem:s2], [sflag:$0x3] =	stream.indirect.gather @!p3 [hbm4b:s9+s1], $0x80, s0, s1, $0xb8;
	[tilespmem:$0x1D000] =	vst v63  }
0x146: {  	s0 =	simm.s32 @!p3 $0x1980;
	s2 =	simm.s32 @!p3 $0x11000  }
0x147: {  	[tilespmem:s2], [sflag:$0x4] =	stream.indirect.gather @!p3 [hbm4b:s9+s1], $0x80, s0, s1, $0xb8;
	[tilespmem:$0x1D000] =	vst v63  }
0x148: {  	s0 =	simm.s32 @!p3 $0x1A00;
	s2 =	simm.s32 @!p3 $0x15000  }
0x149: {  	[tilespmem:s2], [sflag:$0x5] =	stream.indirect.gather @!p3 [hbm4b:s9+s1], $0x80, s0, s1, $0xb8;
	[tilespmem:$0x1D000] =	vst v63  }
0x14a: {  	s0 =	sadd.s32 $0x1800, s30  }
0x14b: {  	[tilespmem:s15], [sflag:$0x6] =	stream.indirect.gather [hbm4b:s9+s14], $0x80, s0, s14, $0xb8;
	[tilespmem:$0x1D000] =	vst v63  }
0x14c: {  	s0 =	sadd.s32 @p3 $0xFFFFFFFC, s10;
	_ =	swait.ge [sflag:s16], $0x4000  }
0x14d: {  	s0 =	simm.s32 @!p3 $0x1;
	[sflag:s16] =	ssyncset.done $0x0  }
0x14e: {  	s0 =	sadd.s32 s12, s0;
	[sflag:s16] =	ssyncadd.s32 $0xFFFFC000  }
0x14f: {  	[hbm4b:s7+s4] =	stream.linear.scatter [tilespmem:s17], [sflag:$0x7], $0x4000, $0x38;
	[tilespmem:$0x1D000] =	vst v63  }
0x150: {  	s1 =	sadd.s32 @p3 $0xFFFFFFFD, s10;
	s0 =	sshll.u32 s0, $0xB;
	_ =	swait.ge [sflag:s18], $0x4000  }
0x151: {  	s1 =	simm.s32 @!p3 $0x2;
	s0 =	sand.u32 $0x1FFFF800, s0;
	[sflag:s18] =	ssyncset.done $0x0  }
0x152: {  	s1 =	sadd.s32 s12, s1;
	s0 =	sadd.s32 s3, s0;
	[sflag:s18] =	ssyncadd.s32 $0xFFFFC000  }
0x153: {  	[hbm4b:s0+s4] =	stream.linear.scatter [tilespmem:s19], [sflag:$0x8], $0x4000, $0x38;
	[tilespmem:$0x1D000] =	vst v63  }
0x154: {  	s1 =	sshll.u32 s1, $0xB;
	s0 =	sadd.s32 @p3 $0xFFFFFFFE, s10;
	_ =	swait.ge [sflag:s20], $0x4000  }
0x155: {  	s1 =	sand.u32 $0x1FFFF000, s1;
	s0 =	simm.s32 @!p3 $0x3;
	[sflag:s20] =	ssyncset.done $0x0  }
0x156: {  	s1 =	sadd.s32 s3, s1;
	s0 =	sadd.s32 s12, s0;
	[sflag:s20] =	ssyncadd.s32 $0xFFFFC000  }
0x157: {  	[hbm4b:s1+s4] =	stream.linear.scatter [tilespmem:s22], [sflag:$0x9], $0x4000, $0x38;
	[tilespmem:$0x1D000] =	vst v63  }
0x158: {  	s0 =	sshll.u32 s0, $0xB;
	s1 =	sadd.s32 @p3 $0xFFFFFFFF, s10;
	_ =	swait.ge [sflag:s23], $0x4000  }
0x159: {  	s0 =	sand.u32 $0x1FFFF800, s0;
	s1 =	simm.s32 @!p3 $0x4;
	[sflag:s23] =	ssyncset.done $0x0  }
0x15a: {  	s0 =	sadd.s32 s3, s0;
	s1 =	sadd.s32 s12, s1;
	[sflag:s23] =	ssyncadd.s32 $0xFFFFC000  }
0x15b: {  	[hbm4b:s0+s4] =	stream.linear.scatter [tilespmem:s24], [sflag:$0xA], $0x4000, $0x38;
	[tilespmem:$0x1D000] =	vst v63  }
.Ltmp3:
0x15c: {  	s0 =	sshll.u32 s1, $0xB;
	_ =	swait.ge [sflag:s25], $0x4000;
	(pc) =	sbr.rel @p5 .LBB2_7-.Ltmp3, $4  }
0x15d: {  	s0 =	sand.u32 $0x1FFFF000, s0;
	[sflag:s25] =	ssyncset.done $0x0  }
0x15e: {  	s7 =	sadd.s32 $0x3000, s7;
	s0 =	sadd.s32 s3, s0;
	[sflag:s25] =	ssyncadd.s32 $0xFFFFC000  }
0x15f: {  	[hbm4b:s0+s4] =	stream.linear.scatter [tilespmem:s26], [sflag:$0xB], $0x4000, $0x38;
	[tilespmem:$0x1D000] =	vst v63  }
0x160: {  	s10 =	sadd.s32 $0x6, s10;
	p3 =	sne.s32 s11, $0x0;
	_ =	swait.ge [sflag:s28], $0x4000  }
0x161: {  	s8 =	rddreg [dreg:$0x1]  }
0x162: {  	s13 =	smov.u32 s11;
	s6 =	simm.s32 $0xC;
	s11 =	sld [smem:$0x7F7]  }
.LBB2_9:
0x163: {  	[sflag:s28] =	ssyncset.done @p4 $0x0  }
0x164: {  	s0 =	simm.s32 @p3 $0x7;
	[sflag:s28] =	ssyncadd.s32 @p4 $0xFFFFC000  }
0x165: {  	[hbm4b:s29+s4] =	stream.linear.scatter @p4 [tilespmem:s15], [sflag:$0xC], $0x4000, $0x38;
	[tilespmem:$0x1D000] =	vst v63  }
0x166: {  	_ =	swait.ge @p3 [sflag:s0], $0x4000  }
0x167: {  	s1 =	sshra.s32 @p3 s13, $0x2;
	s2 =	simm.s32 @p3 $0x5000;
	[sflag:s0] =	ssyncset.done @p3 $0x0  }
0x168: {  	s5 =	sadd.s32 @p3 $0x1800, s1;
	[sflag:s0] =	ssyncadd.s32 @p3 $0xFFFFC000;
	s0 =	simm.s32 @p3 $0x80  }
0x169: {  	[tilespmem:s2], [sflag:$0x1] =	stream.indirect.gather @p3 [hbm4b:s9+s0], $0x80, s5, s0, $0xb8;
	[tilespmem:$0x1D000] =	vst v63  }
0x16a: {  	s2 =	simm.s32 @p3 $0x8  }
0x16b: {  	_ =	swait.ge @p3 [sflag:s2], $0x4000  }
0x16c: {  	[sflag:s2] =	ssyncset.done @p3 $0x0  }
0x16d: {  	s5 =	sadd.s32 @p3 $0x1880, s1;
	[sflag:s2] =	ssyncadd.s32 @p3 $0xFFFFC000;
	s2 =	simm.s32 @p3 $0x9000  }
0x16e: {  	[tilespmem:s2], [sflag:$0x2] =	stream.indirect.gather @p3 [hbm4b:s9+s0], $0x80, s5, s0, $0xb8;
	[tilespmem:$0x1D000] =	vst v63  }
0x16f: {  	s2 =	simm.s32 @p3 $0x9  }
0x170: {  	_ =	swait.ge @p3 [sflag:s2], $0x4000  }
0x171: {  	[sflag:s2] =	ssyncset.done @p3 $0x0  }
0x172: {  	s5 =	sadd.s32 @p3 $0x1900, s1;
	[sflag:s2] =	ssyncadd.s32 @p3 $0xFFFFC000;
	s2 =	simm.s32 @p3 $0xD000  }
0x173: {  	[tilespmem:s2], [sflag:$0x3] =	stream.indirect.gather @p3 [hbm4b:s9+s0], $0x80, s5, s0, $0xb8;
	[tilespmem:$0x1D000] =	vst v63  }
0x174: {  	s2 =	simm.s32 @p3 $0xA  }
0x175: {  	_ =	swait.ge @p3 [sflag:s2], $0x4000  }
0x176: {  	[sflag:s2] =	ssyncset.done @p3 $0x0  }
0x177: {  	s5 =	sadd.s32 @p3 $0x1980, s1;
	[sflag:s2] =	ssyncadd.s32 @p3 $0xFFFFC000;
	s2 =	simm.s32 @p3 $0x11000  }
0x178: {  	[tilespmem:s2], [sflag:$0x4] =	stream.indirect.gather @p3 [hbm4b:s9+s0], $0x80, s5, s0, $0xb8;
	[tilespmem:$0x1D000] =	vst v63  }
0x179: {  	s2 =	simm.s32 @p3 $0xB  }
0x17a: {  	_ =	swait.ge @p3 [sflag:s2], $0x4000  }
0x17b: {  	[sflag:s2] =	ssyncset.done @p3 $0x0  }
0x17c: {  	s1 =	sadd.s32 @p3 $0x1A00, s1;
	[sflag:s2] =	ssyncadd.s32 @p3 $0xFFFFC000;
	s2 =	simm.s32 @p3 $0x15000  }
0x17d: {  	[tilespmem:s2], [sflag:$0x5] =	stream.indirect.gather @p3 [hbm4b:s9+s0], $0x80, s1, s0, $0xb8;
	[tilespmem:$0x1D000] =	vst v63  }
0x17e: {  	s0 =	simm.s32 @p3 $0xC  }
0x17f: {  	_ =	swait.ge @p3 [sflag:s0], $0x4000  }
0x180: {  	s1 =	simm.s32 @!p3 $0x5000;
	[sflag:s0] =	ssyncset.done @p3 $0x0  }
0x181: {  	s2 =	simm.s32 @!p3 $0x80;
	[sflag:s0] =	ssyncadd.s32 @p3 $0xFFFFC000;
	s0 =	simm.s32 @!p3 $0x1800  }
0x182: {  	[tilespmem:s1], [sflag:$0x1] =	stream.indirect.gather @!p3 [hbm4b:s9+s2], $0x80, s0, s2, $0xb8;
	[tilespmem:$0x1D000] =	vst v63  }
0x183: {  	s0 =	simm.s32 @!p3 $0x1880;
	s1 =	simm.s32 @!p3 $0x9000  }
0x184: {  	[tilespmem:s1], [sflag:$0x2] =	stream.indirect.gather @!p3 [hbm4b:s9+s2], $0x80, s0, s2, $0xb8;
	[tilespmem:$0x1D000] =	vst v63  }
0x185: {  	s0 =	simm.s32 @!p3 $0x1900;
	s1 =	simm.s32 @!p3 $0xD000  }
0x186: {  	[tilespmem:s1], [sflag:$0x3] =	stream.indirect.gather @!p3 [hbm4b:s9+s2], $0x80, s0, s2, $0xb8;
	[tilespmem:$0x1D000] =	vst v63  }
0x187: {  	s0 =	simm.s32 @!p3 $0x1980;
	s1 =	simm.s32 @!p3 $0x11000  }
0x188: {  	[tilespmem:s1], [sflag:$0x4] =	stream.indirect.gather @!p3 [hbm4b:s9+s2], $0x80, s0, s2, $0xb8;
	[tilespmem:$0x1D000] =	vst v63  }
0x189: {  	s0 =	simm.s32 @!p3 $0x1A00;
	s1 =	simm.s32 @!p3 $0x15000  }
0x18a: {  	[tilespmem:s1], [sflag:$0x5] =	stream.indirect.gather @!p3 [hbm4b:s9+s2], $0x80, s0, s2, $0xb8;
	[tilespmem:$0x1D000] =	vst v63  }
0x18b: {  	s0 =	smov.u32 s10  }
0x18c: {  	s0 =	simm.s32 @!p3 $0x5  }
0x18d: {  	s2 =	sshll.u32 s0, $0x9  }
0x18e: {  	s1 =	sshra.s32 s2, $0x2  }
0x18f: {  	s1 =	sadd.s32 $0x1800, s1  }
0x190: {  	[tilespmem:s15], [sflag:$0x6] =	stream.indirect.gather [hbm4b:s9+s14], $0x80, s1, s14, $0xb8;
	[tilespmem:$0x1D000] =	vst v63  }
0x191: {  	s1 =	sadd.s32 @p3 $0xFFFFFFFC, s10;
	_ =	swait.ge [sflag:s16], $0x4000  }
0x192: {  	s1 =	simm.s32 @!p3 $0x1;
	[sflag:s16] =	ssyncset.done $0x0  }
0x193: {  	s1 =	sadd.s32 s12, s1;
	[sflag:s16] =	ssyncadd.s32 $0xFFFFC000  }
0x194: {  	[hbm4b:s7+s4] =	stream.linear.scatter [tilespmem:s17], [sflag:$0x7], $0x4000, $0x38;
	[tilespmem:$0x1D000] =	vst v63  }
0x195: {  	s1 =	sshll.u32 s1, $0xB;
	_ =	swait.ge [sflag:s18], $0x4000  }
0x196: {  	s1 =	sand.u32 $0x1FFFF800, s1;
	[sflag:s18] =	ssyncset.done $0x0  }
0x197: {  	s1 =	sadd.s32 s3, s1;
	[sflag:s18] =	ssyncadd.s32 $0xFFFFC000  }
0x198: {  	[hbm4b:s1+s4] =	stream.linear.scatter [tilespmem:s19], [sflag:$0x8], $0x4000, $0x38;
	[tilespmem:$0x1D000] =	vst v63  }
0x199: {  	s1 =	sadd.s32 @p3 $0xFFFFFFFD, s10  }
0x19a: {  	s1 =	simm.s32 @!p3 $0x2  }
0x19b: {  	s1 =	sadd.s32 s12, s1  }
0x19c: {  	_ =	swait.ge [sflag:s20], $0x4000;
	s1 =	sshll.u32 s1, $0xB  }
0x19d: {  	[sflag:s20] =	ssyncset.done $0x0;
	s1 =	sand.u32 $0x1FFFF000, s1  }
0x19e: {  	[sflag:s20] =	ssyncadd.s32 $0xFFFFC000;
	s1 =	sadd.s32 s3, s1  }
0x19f: {  	[hbm4b:s1+s4] =	stream.linear.scatter [tilespmem:s22], [sflag:$0x9], $0x4000, $0x38;
	[tilespmem:$0x1D000] =	vst v63  }
0x1a0: {  	s1 =	sadd.s32 @p3 $0xFFFFFFFE, s10  }
0x1a1: {  	s1 =	simm.s32 @!p3 $0x3  }
0x1a2: {  	s1 =	sadd.s32 s12, s1  }
0x1a3: {  	_ =	swait.ge [sflag:s23], $0x4000;
	s1 =	sshll.u32 s1, $0xB  }
0x1a4: {  	[sflag:s23] =	ssyncset.done $0x0;
	s1 =	sand.u32 $0x1FFFF800, s1  }
0x1a5: {  	[sflag:s23] =	ssyncadd.s32 $0xFFFFC000;
	s1 =	sadd.s32 s3, s1  }
0x1a6: {  	[hbm4b:s1+s4] =	stream.linear.scatter [tilespmem:s24], [sflag:$0xA], $0x4000, $0x38;
	[tilespmem:$0x1D000] =	vst v63  }
0x1a7: {  	s1 =	sadd.s32 @p3 $0xFFFFFFFF, s10  }
0x1a8: {  	s1 =	simm.s32 @!p3 $0x4  }
0x1a9: {  	s1 =	sadd.s32 s12, s1  }
0x1aa: {  	_ =	swait.ge [sflag:s25], $0x4000;
	s1 =	sshll.u32 s1, $0xB  }
0x1ab: {  	[sflag:s25] =	ssyncset.done $0x0;
	s1 =	sand.u32 $0x1FFFF000, s1  }
0x1ac: {  	s0 =	sadd.s32 s12, s0;
	[sflag:s25] =	ssyncadd.s32 $0xFFFFC000;
	s1 =	sadd.s32 s3, s1  }
0x1ad: {  	[hbm4b:s1+s4] =	stream.linear.scatter [tilespmem:s26], [sflag:$0xB], $0x4000, $0x38;
	[tilespmem:$0x1D000] =	vst v63  }
0x1ae: {  	s0 =	sshll.u32 s0, $0xB;
	_ =	swait.ge [sflag:s28], $0x4000  }
0x1af: {  	s0 =	sand.u32 $0x1FFFF800, s0;
	[sflag:s28] =	ssyncset.done $0x0  }
0x1b0: {  	s5 =	simm.s32 $0x7;
	s0 =	sadd.s32 s3, s0;
	[sflag:s28] =	ssyncadd.s32 $0xFFFFC000  }
0x1b1: {  	[hbm4b:s0+s4] =	stream.linear.scatter [tilespmem:s15], [sflag:$0xC], $0x4000, $0x38;
	[tilespmem:$0x1D000] =	vst v63  }
0x1b2: {  	_ =	swait.ge [sflag:s5], $0x4000  }
0x1b3: {  	[sflag:s5] =	ssyncset.done $0x0  }
0x1b4: {  	s7 =	simm.s32 $0x8;
	[sflag:s5] =	ssyncadd.s32 $0xFFFFC000  }
0x1b5: {  	_ =	swait.ge [sflag:s7], $0x4000  }
0x1b6: {  	[sflag:s7] =	ssyncset.done $0x0  }
0x1b7: {  	s10 =	simm.s32 $0x9;
	[sflag:s7] =	ssyncadd.s32 $0xFFFFC000  }
0x1b8: {  	_ =	swait.ge [sflag:s10], $0x4000  }
0x1b9: {  	[sflag:s10] =	ssyncset.done $0x0  }
0x1ba: {  	s13 =	simm.s32 $0xA;
	[sflag:s10] =	ssyncadd.s32 $0xFFFFC000  }
0x1bb: {  	_ =	swait.ge [sflag:s13], $0x4000  }
0x1bc: {  	[sflag:s13] =	ssyncset.done $0x0  }
0x1bd: {  	s29 =	simm.s32 $0xB;
	[sflag:s13] =	ssyncadd.s32 $0xFFFFC000  }
0x1be: {  	_ =	swait.ge [sflag:s29], $0x4000  }
0x1bf: {  	[sflag:s29] =	ssyncset.done $0x0  }
0x1c0: {  	[sflag:s29] =	ssyncadd.s32 $0xFFFFC000  }
0x1c1: {  	_ =	swait.ge [sflag:s6], $0x4000  }
0x1c2: {  	s30 =	sld [smem:$0x7FD];
	_ =	sdelay $0x2  }
0x1c3: {  	[sflag:s6] =	ssyncset.done $0x0;
	s2 =	rddreg [dreg:$0x16];
	p3 =	seq.s32 s30, $0x1  }
0x1c4: {  	[sflag:s6] =	ssyncadd.s32 $0xFFFFC000;
	s0 =	simm.s32 @!p3 $0x80;
	s1 =	simm.s32 @!p3 $0x5000  }
0x1c5: {  	[tilespmem:s1], [sflag:$0x1] =	stream.indirect.gather @!p3 [hbm4b:s9+s0], $0x80, s2, s0, $0xb8;
	[tilespmem:$0x1D000] =	vst v63  }
0x1c6: {  	s0 =	simm.s32 @!p3 $0x1  }
0x1c7: {  	_ =	swait.ge @!p3 [sflag:s0], $0x4000  }
0x1c8: {  	[sflag:s0] =	ssyncset.done @!p3 $0x0  }
0x1c9: {  	s2 =	rddreg [dreg:$0x17];
	[sflag:s0] =	ssyncadd.s32 @!p3 $0xFFFFC000;
	s0 =	simm.s32 @!p3 $0x0  }
0x1ca: {  	[hbm4b:s2+s0] =	stream.linear.scatter @!p3 [tilespmem:s1], [sflag:$0xD], $0x4000, $0x38;
	[tilespmem:$0x1D000] =	vst v63  }
0x1cb: {  	s0 =	simm.s32 @!p3 $0xD  }
0x1cc: {  	_ =	swait.ge @!p3 [sflag:s0], $0x4000  }
0x1cd: {  	s1 =	simm.s32 @!p6 $0x5000;
	[sflag:s0] =	ssyncset.done @!p3 $0x0  }
0x1ce: {  	s2 =	rddreg [dreg:$0x18];
	[sflag:s0] =	ssyncadd.s32 @!p3 $0xFFFFC000;
	s0 =	simm.s32 @!p6 $0x80  }
0x1cf: {  	[tilespmem:s1], [sflag:$0x1] =	stream.indirect.gather @!p6 [hbm4b:s9+s0], $0x80, s2, s0, $0xb8;
	[tilespmem:$0x1D000] =	vst v63  }
0x1d0: {  	s0 =	simm.s32 @!p6 $0x1  }
0x1d1: {  	_ =	swait.ge @!p6 [sflag:s0], $0x4000  }
0x1d2: {  	[sflag:s0] =	ssyncset.done @!p6 $0x0  }
0x1d3: {  	s2 =	rddreg [dreg:$0x19];
	[sflag:s0] =	ssyncadd.s32 @!p6 $0xFFFFC000;
	s0 =	simm.s32 @!p6 $0x0  }
0x1d4: {  	[hbm4b:s2+s0] =	stream.linear.scatter @!p6 [tilespmem:s1], [sflag:$0xD], $0x4000, $0x38;
	[tilespmem:$0x1D000] =	vst v63  }
0x1d5: {  	s0 =	simm.s32 @!p6 $0xD  }
0x1d6: {  	_ =	swait.ge @!p6 [sflag:s0], $0x4000  }
0x1d7: {  	s1 =	simm.s32 @!p0 $0x5000;
	[sflag:s0] =	ssyncset.done @!p6 $0x0  }
0x1d8: {  	s2 =	rddreg [dreg:$0x1a];
	[sflag:s0] =	ssyncadd.s32 @!p6 $0xFFFFC000;
	s0 =	simm.s32 @!p0 $0x80  }
0x1d9: {  	[tilespmem:s1], [sflag:$0x1] =	stream.indirect.gather @!p0 [hbm4b:s9+s0], $0x80, s2, s0, $0xb8;
	[tilespmem:$0x1D000] =	vst v63  }
0x1da: {  	s0 =	simm.s32 @!p0 $0x1  }
0x1db: {  	_ =	swait.ge @!p0 [sflag:s0], $0x4000  }
0x1dc: {  	[sflag:s0] =	ssyncset.done @!p0 $0x0  }
0x1dd: {  	s2 =	rddreg [dreg:$0x1b];
	[sflag:s0] =	ssyncadd.s32 @!p0 $0xFFFFC000;
	s0 =	simm.s32 @!p0 $0x0  }
0x1de: {  	[hbm4b:s2+s0] =	stream.linear.scatter @!p0 [tilespmem:s1], [sflag:$0xD], $0x4000, $0x38;
	[tilespmem:$0x1D000] =	vst v63  }
0x1df: {  	s0 =	simm.s32 @!p0 $0xD  }
0x1e0: {  	_ =	swait.ge @!p0 [sflag:s0], $0x4000  }
0x1e1: {  	s1 =	simm.s32 @!p1 $0x5000;
	[sflag:s0] =	ssyncset.done @!p0 $0x0  }
0x1e2: {  	s2 =	rddreg [dreg:$0x1c];
	[sflag:s0] =	ssyncadd.s32 @!p0 $0xFFFFC000;
	s0 =	simm.s32 @!p1 $0x80  }
0x1e3: {  	[tilespmem:s1], [sflag:$0x1] =	stream.indirect.gather @!p1 [hbm4b:s9+s0], $0x80, s2, s0, $0xb8;
	[tilespmem:$0x1D000] =	vst v63  }
0x1e4: {  	s0 =	simm.s32 @!p1 $0x1  }
0x1e5: {  	_ =	swait.ge @!p1 [sflag:s0], $0x4000  }
0x1e6: {  	[sflag:s0] =	ssyncset.done @!p1 $0x0  }
0x1e7: {  	s2 =	rddreg [dreg:$0x1d];
	[sflag:s0] =	ssyncadd.s32 @!p1 $0xFFFFC000;
	s0 =	simm.s32 @!p1 $0x0  }
0x1e8: {  	[hbm4b:s2+s0] =	stream.linear.scatter @!p1 [tilespmem:s1], [sflag:$0xD], $0x4000, $0x38;
	[tilespmem:$0x1D000] =	vst v63  }
0x1e9: {  	s0 =	simm.s32 @!p1 $0xD  }
0x1ea: {  	_ =	swait.ge @!p1 [sflag:s0], $0x4000  }
0x1eb: {  	s1 =	simm.s32 @!p2 $0x5000;
	[sflag:s0] =	ssyncset.done @!p1 $0x0  }
0x1ec: {  	s2 =	rddreg [dreg:$0x1e];
	[sflag:s0] =	ssyncadd.s32 @!p1 $0xFFFFC000;
	s0 =	simm.s32 @!p2 $0x80  }
0x1ed: {  	[tilespmem:s1], [sflag:$0x1] =	stream.indirect.gather @!p2 [hbm4b:s9+s0], $0x80, s2, s0, $0xb8;
	[tilespmem:$0x1D000] =	vst v63  }
0x1ee: {  	s0 =	simm.s32 @!p2 $0x1  }
0x1ef: {  	_ =	swait.ge @!p2 [sflag:s0], $0x4000  }
0x1f0: {  	[sflag:s0] =	ssyncset.done @!p2 $0x0  }
0x1f1: {  	s2 =	rddreg [dreg:$0x1f];
	[sflag:s0] =	ssyncadd.s32 @!p2 $0xFFFFC000;
	s0 =	simm.s32 @!p2 $0x0  }
0x1f2: {  	[hbm4b:s2+s0] =	stream.linear.scatter @!p2 [tilespmem:s1], [sflag:$0xD], $0x4000, $0x38;
	[tilespmem:$0x1D000] =	vst v63  }
0x1f3: {  	s0 =	simm.s32 @!p2 $0xD  }
0x1f4: {  	_ =	swait.ge @!p2 [sflag:s0], $0x4000  }
0x1f5: {  	s11 =	sadd.s32 $0x1, s11;
	s31 =	rddreg [dreg:$0xb]  }
0x1f6: {  	p3 =	sne.s32 s11, s31  }
.Ltmp4:
0x1f7: {  	_ = 	snop;
	(pc) =	sbr.rel @p3 .LBB2_1-.Ltmp4, $4  }
.Ltmp5:
0x1f8: {  	_ = 	snop;
	(pc) =	sbr.rel @!p3 .LBB2_10-.Ltmp5, $4  }
0x1f9: {  	_ = 	snop  }
0x1fa: {  	[sflag:s0] =	ssyncset.done @!p2 $0x0;
	s5 =	rddreg [dreg:$0x5]  }
0x1fb: {  	s2 =	rddreg [dreg:$0x8];
	[sflag:s0] =	ssyncadd.s32 @!p2 $0xFFFFC000  }
0x1fc: {  	_ = 	snop  }
.LBB2_4:
.Ltmp6:
0x1fd: {  	(pc) =	sbr.rel .LBB2_9-.Ltmp6, $3  }
0x1fe: {  	_ =	sdelay $0x1  }
0x1ff: {  	s7 =	rddreg [dreg:$0x7]  }
0x200: {  	s11 =	sld [smem:$0x7F7]  }
.LBB2_6:
.Ltmp7:
0x201: {  	(pc) =	sbr.rel .LBB2_9-.Ltmp7, $3  }
0x202: {  	_ =	sdelay $0x1  }
0x203: {  	s8 =	rddreg [dreg:$0x1]  }
0x204: {  	s13 =	simm.s32 $0xC00;
	s6 =	simm.s32 $0xC;
	s11 =	sld [smem:$0x7F7]  }
.LBB2_10:
0x205: {  	_ =	sfence.sel $0x180000  }
0x206: {  	[bflag:$0x0] =	sbarrier.arrive $0xFFFF  }
0x207: {  	_ =	strace $0x90000047  }
0x208: {  	s0 =	stileid.u32;
	[bflag:$0x2] =	sbarrier.arrive $0xFFFF  }
0x209: {  	p0 =	sne.s32 s0, $0x0;
	s0 =	rddreg [dreg:$0x3]  }
0x20a: {  	s0 =	sadd.s32 @!p0 $0x100000, s0  }
0x20b: {  	[sflag:s0] =	ssyncadd.tile.s32 @!p0 $0x1;
	_ =	shalt  }
.Lfunc_end2:
_tile_overlayer_lowered:
.L_overlay_start_2:
0x20c: {  	(tag) =	ssettag $0x2  }
0x20d: {  	s0 =	rddreg [dreg:$0x0];
	s2 =	stileid.u32  }
0x20e: {  	s1 =	rddreg [dreg:$0x1];
	p0 =	sne.s32 s2, $0x0  }
0x20f: {  	s3 =	rddreg [dreg:$0x2];
	[bflag:$0x3] =	sbarrier.arrive $0xFFFF;
	s2 =	simm.s32 @!p0 $0x1C0D  }
0x210: {  	[timem:s3], [sflag:s2] =	dma.local @!p0 [hbm:s0], s1  }
0x211: {  	s0 =	simm.s32 @!p0 $0xD  }
0x212: {  	_ =	swait.ge @!p0 [sflag:s0], s1  }
0x213: {  	s1 =	ssub.s32 @!p0 $0x0, s1;
	[sflag:s0] =	ssyncset.done @!p0 $0x0  }
0x214: {  	[sflag:s0] =	ssyncadd.s32 @!p0 s1  }
0x215: {  	[bflag:$0x3] =	sbarrier.arrive $0xFFFF  }
0x216: {  	_ =	shalt  }

</sc_bundles>
